<compile_context>
chip_gen: v7x
topology: tpu7x:2x2x1
jax: 0.10.2.dev20260603
libtpu: 0.0.44.dev20260713+nightly
codegen_flags: <defaults>
</compile_context>

<pallas_src>
import functools

import jax
import jax.numpy as jnp
from jax import lax
from jax.experimental import pallas as pl
from jax.experimental.pallas import tpu as pltpu
from jax.experimental.pallas import tpu_sc as plsc

N = 10000
E = 320000
EL = 100000
DIM = 128

NC = 2
NS = 16
NT = NC * NS

NP = 10240
RPT = NP // NS
CH = 128
EP = 323584
EPT = EP // NT
CE = EPT // CH
ELP = 102400
ELT = ELP // NT
CD = ELT // CH

_mesh = plsc.VectorSubcoreMesh(core_axis_name="c", subcore_axis_name="s")
_f32 = jnp.float32


def _fill16(buf, nrow, val):
    v = jnp.full((16,), val, _f32)

    def body(r, _):
        buf[r, :] = v
        return 0

    lax.fori_loop(0, nrow, body, 0)


@functools.partial(
    pl.kernel,
    out_type=jax.ShapeDtypeStruct((2 * NP, DIM), _f32),
    mesh=_mesh,
    scratch_types=[
        pltpu.VMEM((CE, CH), jnp.int32),
        pltpu.VMEM((CH, DIM), _f32),
        pltpu.VMEM_SHARED((NP, DIM), _f32),
    ],
)
def _sc_count(dstp3, out, didx, rows, acc):
    c = lax.axis_index("c")
    s = lax.axis_index("s")
    tile = c * NS + s
    pltpu.sync_copy(dstp3.at[tile], didx)

    def zr(r, _):
        def zc(j, _2):
            rows[r, pl.ds(j * 16, 16)] = jnp.zeros((16,), _f32)
            return 0

        lax.fori_loop(0, DIM // 16, zc, 0)
        return 0

    lax.fori_loop(0, CH, zr, 0)

    def zi(k, _):
        pltpu.sync_copy(rows, acc.at[pl.ds(s * RPT + k * CH, CH)])
        return 0

    lax.fori_loop(0, RPT // CH, zi, 0)

    def fr(r, _):
        def fc(j, _2):
            rows[r, pl.ds(j * 16, 16)] = jnp.full((16,), 1.0, _f32)
            return 0

        lax.fori_loop(0, DIM // 16, fc, 0)
        return 0

    lax.fori_loop(0, CH, fr, 0)
    plsc.subcore_barrier()

    def body(i, _):
        pltpu.sync_copy(rows, acc.at[didx.at[i]], add=True)
        return 0

    lax.fori_loop(0, CE, body, 0)
    plsc.subcore_barrier()

    def co(k, _):
        r0 = s * RPT + k * CH
        pltpu.sync_copy(acc.at[pl.ds(r0, CH)], rows)
        pltpu.sync_copy(rows, out.at[pl.ds(c * NP + r0, CH)])
        return 0

    lax.fori_loop(0, RPT // CH, co, 0)


@functools.partial(
    pl.kernel,
    out_type=jax.ShapeDtypeStruct((2 * NP, DIM), _f32),
    mesh=_mesh,
    scratch_types=[
        pltpu.VMEM((CE, CH), jnp.int32),
        pltpu.VMEM((CE, CH), jnp.int32),
        pltpu.VMEM((CH, DIM), _f32),
        pltpu.VMEM_SHARED((NP, DIM), _f32),
        pltpu.SemaphoreType.DMA,
    ],
)
def _sc_agg(table, srcp3, dstp3, out, sidx, didx, rows, acc, sem):
    c = lax.axis_index("c")
    s = lax.axis_index("s")
    tile = c * NS + s
    pltpu.sync_copy(srcp3.at[tile], sidx)
    pltpu.sync_copy(dstp3.at[tile], didx)

    def zr(r, _):
        def zc(j, _2):
            rows[r, pl.ds(j * 16, 16)] = jnp.zeros((16,), _f32)
            return 0

        lax.fori_loop(0, DIM // 16, zc, 0)
        return 0

    lax.fori_loop(0, CH, zr, 0)

    def zi(k, _):
        pltpu.sync_copy(rows, acc.at[pl.ds(s * RPT + k * CH, CH)])
        return 0

    lax.fori_loop(0, RPT // CH, zi, 0)
    plsc.subcore_barrier()

    def body(i, _):
        pltpu.async_copy(table.at[sidx.at[i]], rows, sem).wait()
        pltpu.sync_copy(rows, acc.at[didx.at[i]], add=True)
        return 0

    lax.fori_loop(0, CE, body, 0)
    plsc.subcore_barrier()

    def co(k, _):
        r0 = s * RPT + k * CH
        pltpu.sync_copy(acc.at[pl.ds(r0, CH)], rows)
        pltpu.sync_copy(rows, out.at[pl.ds(c * NP + r0, CH)])
        return 0

    lax.fori_loop(0, RPT // CH, co, 0)


@functools.partial(
    pl.kernel,
    out_type=jax.ShapeDtypeStruct((ELP, 16), _f32),
    mesh=_mesh,
    scratch_types=[
        pltpu.VMEM((CD, CH), jnp.int32),
        pltpu.VMEM((CD, CH), jnp.int32),
        pltpu.VMEM((CH, DIM), _f32),
        pltpu.VMEM((CH, DIM), _f32),
        pltpu.VMEM((CH, 16), _f32),
        pltpu.SemaphoreType.DMA,
        pltpu.SemaphoreType.DMA,
    ],
)
def _sc_decode(z, eli03, eli13, out, idx0, idx1, r0, r1, rbuf, sem, sem1):
    c = lax.axis_index("c")
    s = lax.axis_index("s")
    tile = c * NS + s
    pltpu.sync_copy(eli03.at[tile], idx0)
    pltpu.sync_copy(eli13.at[tile], idx1)
    base = tile * ELT

    def body(i, _):
        off = base + i * CH
        h0 = pltpu.async_copy(z.at[idx0.at[i]], r0, sem)
        h1 = pltpu.async_copy(z.at[idx1.at[i]], r1, sem1)
        h0.wait()
        h1.wait()

        def edge(e, _2):
            acc = r0[e, pl.ds(0, 16)] * r1[e, pl.ds(0, 16)]
            for j in range(1, DIM // 16):
                acc = acc + r0[e, pl.ds(j * 16, 16)] * r1[e, pl.ds(j * 16, 16)]
            rbuf[e, :] = acc
            return 0

        lax.fori_loop(0, CH, edge, 0)
        pltpu.sync_copy(rbuf, out.at[pl.ds(off, CH)])
        return 0

    lax.fori_loop(0, CD, body, 0)


_R = 512
_GRID = NP // _R


def _dot(a, b):
    return jnp.dot(a, b, preferred_element_type=_f32,
                   precision=lax.Precision.HIGHEST)


def _tc1_body(x_ref, w_ref, c0_ref, c1_ref, xwp_ref, d2_ref):
    deg = c0_ref[:, 0:1] + c1_ref[:, 0:1] + 1.0
    dinv = 1.0 / jnp.sqrt(deg)
    xwp_ref[...] = dinv * _dot(x_ref[...], w_ref[...])
    d2_ref[...] = jnp.broadcast_to(dinv, d2_ref.shape)


def _tc1(x_pad, W1, cnt2):
    return pl.pallas_call(
        _tc1_body,
        grid=(_GRID,),
        in_specs=[
            pl.BlockSpec((_R, DIM), lambda i: (i, 0)),
            pl.BlockSpec((DIM, DIM), lambda i: (0, 0)),
            pl.BlockSpec((_R, DIM), lambda i: (i, 0)),
            pl.BlockSpec((_R, DIM), lambda i: (i + _GRID, 0)),
        ],
        out_specs=[
            pl.BlockSpec((_R, DIM), lambda i: (i, 0)),
            pl.BlockSpec((_R, DIM), lambda i: (i, 0)),
        ],
        out_shape=[
            jax.ShapeDtypeStruct((NP, DIM), _f32),
            jax.ShapeDtypeStruct((NP, DIM), _f32),
        ],
    )(x_pad, W1, cnt2, cnt2)


def _tc_mid_body(agg0_ref, agg1_ref, xwp_ref, d2_ref, b_ref, w_ref, out_ref):
    d2 = d2_ref[...]
    pre = d2 * (agg0_ref[...] + agg1_ref[...] + xwp_ref[...]) + b_ref[...]
    h = jnp.maximum(pre, 0.0)
    out_ref[...] = d2 * _dot(h, w_ref[...])


def _tc_mid(agg, xwp, d2, brow, W):
    return pl.pallas_call(
        _tc_mid_body,
        grid=(_GRID,),
        in_specs=[
            pl.BlockSpec((_R, DIM), lambda i: (i, 0)),
            pl.BlockSpec((_R, DIM), lambda i: (i + _GRID, 0)),
            pl.BlockSpec((_R, DIM), lambda i: (i, 0)),
            pl.BlockSpec((_R, DIM), lambda i: (i, 0)),
            pl.BlockSpec((1, DIM), lambda i: (0, 0)),
            pl.BlockSpec((DIM, DIM), lambda i: (0, 0)),
        ],
        out_specs=pl.BlockSpec((_R, DIM), lambda i: (i, 0)),
        out_shape=jax.ShapeDtypeStruct((NP, DIM), _f32),
    )(agg, agg, xwp, d2, brow, W)


def _tc_fin_body(agg0_ref, agg1_ref, xwp_ref, d2_ref, b_ref, out_ref):
    out_ref[...] = (d2_ref[...] * (agg0_ref[...] + agg1_ref[...] + xwp_ref[...])
                    + b_ref[...])


def _tc_fin(agg, xwp, d2, brow):
    return pl.pallas_call(
        _tc_fin_body,
        grid=(_GRID,),
        in_specs=[
            pl.BlockSpec((_R, DIM), lambda i: (i, 0)),
            pl.BlockSpec((_R, DIM), lambda i: (i + _GRID, 0)),
            pl.BlockSpec((_R, DIM), lambda i: (i, 0)),
            pl.BlockSpec((_R, DIM), lambda i: (i, 0)),
            pl.BlockSpec((1, DIM), lambda i: (0, 0)),
        ],
        out_specs=pl.BlockSpec((_R, DIM), lambda i: (i, 0)),
        out_shape=jax.ShapeDtypeStruct((NP, DIM), _f32),
    )(agg, agg, xwp, d2, brow)


_RB = 2048


def _tc_lsum_body(r_ref, out_ref):
    out_ref[...] = jnp.sum(r_ref[...], axis=1)


def _tc_lsum(res16):
    return pl.pallas_call(
        _tc_lsum_body,
        grid=(ELP // _RB,),
        in_specs=[pl.BlockSpec((_RB, 16), lambda i: (i, 0))],
        out_specs=pl.BlockSpec((_RB,), lambda i: (i,)),
        out_shape=jax.ShapeDtypeStruct((ELP,), _f32),
    )(res16)


def kernel(x, edge_index, edge_label_index, W1, b1, W2, b2, W3, b3):
    i32 = jnp.int32
    src = edge_index[0].astype(i32)
    dst = edge_index[1].astype(i32)
    pad_e = N + jnp.arange(EP - E, dtype=i32) % (NP - N)
    srcp3 = jnp.concatenate([src, pad_e]).reshape(NT, CE, CH)
    dstp3 = jnp.concatenate([dst, pad_e]).reshape(NT, CE, CH)
    pad_l = jnp.zeros((ELP - EL,), i32)
    eli03 = jnp.concatenate([edge_label_index[0].astype(i32),
                             pad_l]).reshape(NT, CD, CH)
    eli13 = jnp.concatenate([edge_label_index[1].astype(i32),
                             pad_l]).reshape(NT, CD, CH)
    x_pad = jnp.concatenate([x, jnp.zeros((NP - N, DIM), _f32)], axis=0)

    cnt2 = _sc_count(dstp3)
    xw1p, d2 = _tc1(x_pad, W1, cnt2)
    agg1 = _sc_agg(xw1p, srcp3, dstp3)
    xw2p = _tc_mid(agg1, xw1p, d2, b1.reshape(1, DIM), W2)
    agg2 = _sc_agg(xw2p, srcp3, dstp3)
    xw3p = _tc_mid(agg2, xw2p, d2, b2.reshape(1, DIM), W3)
    agg3 = _sc_agg(xw3p, srcp3, dstp3)
    z = _tc_fin(agg3, xw3p, d2, b3.reshape(1, DIM))
    res16 = _sc_decode(z, eli03, eli13)
    dots = _tc_lsum(res16)
    return dots[:EL]

# --- scband reference (transcript-rebuilt; emitter-appended) ---
"""Pipeline reference for scband-gcn-18820546691088 (READ-ONLY COPY).

The authoritative reference and input builder live on the scoring server;
editing this copy changes nothing except your own understanding.
"""

import jax, jax.numpy as jnp
import numpy as np

N = 10000
E = 320000
EL = 100000
D_IN = 128
D_HID = 128
D_OUT = 128


def _glorot(key, shape):
    fan_in, fan_out = shape
    limit = jnp.sqrt(6.0 / (fan_in + fan_out))
    return jax.random.uniform(key, shape, dtype=jnp.float32, minval=-limit, maxval=limit)


def setup_inputs(seed: int = 0) -> dict:
    key = jax.random.key(seed)
    ks = jax.random.split(key, 10)
    x = jax.random.normal(ks[0], (N, D_IN), dtype=jnp.float32)
    edge_index = jax.random.randint(ks[1], (2, E), 0, N, dtype=jnp.int32)
    edge_label_index = jax.random.randint(ks[2], (2, EL), 0, N, dtype=jnp.int32)
    W1 = _glorot(ks[3], (D_IN, D_HID))
    b1 = jnp.zeros((D_HID,), dtype=jnp.float32)
    W2 = _glorot(ks[4], (D_HID, D_HID))
    b2 = jnp.zeros((D_HID,), dtype=jnp.float32)
    W3 = _glorot(ks[5], (D_HID, D_OUT))
    b3 = jnp.zeros((D_OUT,), dtype=jnp.float32)
    return {"x": x, "edge_index": edge_index, "edge_label_index": edge_label_index,
            "W1": W1, "b1": b1, "W2": W2, "b2": b2, "W3": W3, "b3": b3}


def gcn_conv(x, edge_index, W, b):
    # PyG GCNConv: add self-loops, symmetric normalization D^-1/2 (A+I) D^-1/2, then linear
    src = edge_index[0]
    dst = edge_index[1]
    loop = jnp.arange(N, dtype=src.dtype)
    src = jnp.concatenate([src, loop])
    dst = jnp.concatenate([dst, loop])
    ones = jnp.ones(src.shape[0], dtype=x.dtype)
    deg = jax.ops.segment_sum(ones, dst, num_segments=N)
    deg_inv_sqrt = jnp.where(deg > 0, 1.0 / jnp.sqrt(deg), 0.0)
    norm = deg_inv_sqrt[src] * deg_inv_sqrt[dst]
    xw = x @ W
    msgs = norm[:, None] * jnp.take(xw, src, axis=0)
    out = jax.ops.segment_sum(msgs, dst, num_segments=N)
    return out + b


def reference(x, edge_index, edge_label_index, W1, b1, W2, b2, W3, b3):
    h = jax.nn.relu(gcn_conv(x, edge_index, W1, b1))
    h = jax.nn.relu(gcn_conv(h, edge_index, W2, b2))
    z = gcn_conv(h, edge_index, W3, b3)
    start_node = jnp.take(z, edge_label_index[0], axis=0)
    end_node = jnp.take(z, edge_label_index[1], axis=0)
    return (start_node * end_node).sum(axis=-1)

if __name__ == "__main__":
    import jax
    _d = setup_inputs()
    print(jax.jit(kernel)(*tuple(_d.values())))

</pallas_src>

<mosaic_0001>
#map = affine_map<(d0, d1) -> (0, 0)>
#map1 = affine_map<(d0, d1) -> (0, 0, 0)>
module attributes {stable_mosaic.version = 14 : i64} {
  func.func @_sc_agg(%arg0: i32, %arg1: i32, %arg2: memref<10240x128xf32, #tpu.memory_space<hbm>>, %arg3: memref<32x79x128xi32, #tpu.memory_space<hbm>>, %arg4: memref<32x79x128xi32, #tpu.memory_space<hbm>>, %arg5: memref<20480x128xf32, #tpu.memory_space<hbm>>, %arg6: memref<79x128xi32, #tpu.memory_space<vmem>>, %arg7: memref<79x128xi32, #tpu.memory_space<vmem>>, %arg8: memref<128x128xf32, #tpu.memory_space<vmem>>, %arg9: memref<10240x128xf32, #tpu.memory_space<vmem_shared>>, %arg10: memref<!tpu.dma_semaphore, #tpu.memory_space<semaphore_mem>>) attributes {dimension_semantics = [#tpu.dimension_semantics<core_parallel>, #tpu.dimension_semantics<subcore_parallel>], iteration_bounds = array<i64: 2, 16>, scalar_prefetch = 0 : i64, scratch_operands = 5 : i64, tpu.core_type = #tpu.core_type<sc_vector_subcore>, window_params = [{transform_indices = #map}, {transform_indices = #map1}, {transform_indices = #map1}, {transform_indices = #map}]} {
    %mul3A = arith.constant 16 : i32
    %mul3A_0 = arith.muli %arg0, %mul3A : i32
    %add3A = arith.addi %mul3A_0, %arg1 : i32
    "tpu.region"() ({
      %run_scoped3A = tpu.sem_alloc : memref<!tpu.dma_semaphore, #tpu.memory_space<semaphore_mem>>
      %dma_start3A = arith.constant 0 : i32
      %dma_start3A_29 = arith.constant 0 : i32
      %dma_start3A_30 = tpu.memref_slice %arg3[%add3A, %dma_start3A, %dma_start3A_29] : memref<32x79x128xi32, #tpu.memory_space<hbm>> -> memref<1x79x128xi32, #tpu.memory_space<hbm>>
      %dma_start3A_31 = tpu.memref_squeeze %dma_start3A_30 : memref<1x79x128xi32, #tpu.memory_space<hbm>> -> memref<79x128xi32, #tpu.memory_space<hbm>>
      %dma_start3A_32 = arith.constant 0 : i32
      %dma_start3A_33 = arith.constant 0 : i32
      %dma_start3A_34 = tpu.memref_slice %arg3[%add3A, %dma_start3A_32, %dma_start3A_33] : memref<32x79x128xi32, #tpu.memory_space<hbm>> -> memref<1x79x128xi32, #tpu.memory_space<hbm>>
      %dma_start3A_35 = tpu.memref_squeeze %dma_start3A_34 : memref<1x79x128xi32, #tpu.memory_space<hbm>> -> memref<79x128xi32, #tpu.memory_space<hbm>>
      tpu.enqueue_dma source(%dma_start3A_35 : memref<79x128xi32, #tpu.memory_space<hbm>>) target(%arg6 : memref<79x128xi32, #tpu.memory_space<vmem>>) target_semaphore(%run_scoped3A : memref<!tpu.dma_semaphore, #tpu.memory_space<semaphore_mem>>)
      %dma_wait3A = arith.constant 0 : i32
      %dma_wait3A_36 = arith.constant 0 : i32
      %dma_wait3A_37 = tpu.memref_slice %arg3[%add3A, %dma_wait3A, %dma_wait3A_36] : memref<32x79x128xi32, #tpu.memory_space<hbm>> -> memref<1x79x128xi32, #tpu.memory_space<hbm>>
      %dma_wait3A_38 = tpu.memref_squeeze %dma_wait3A_37 : memref<1x79x128xi32, #tpu.memory_space<hbm>> -> memref<79x128xi32, #tpu.memory_space<hbm>>
      %dma_wait3A_39 = arith.constant 0 : i32
      %dma_wait3A_40 = arith.constant 0 : i32
      %dma_wait3A_41 = tpu.memref_slice %arg3[%add3A, %dma_wait3A_39, %dma_wait3A_40] : memref<32x79x128xi32, #tpu.memory_space<hbm>> -> memref<1x79x128xi32, #tpu.memory_space<hbm>>
      %dma_wait3A_42 = tpu.memref_squeeze %dma_wait3A_41 : memref<1x79x128xi32, #tpu.memory_space<hbm>> -> memref<79x128xi32, #tpu.memory_space<hbm>>
      tpu.wait_dma2 semaphore(%run_scoped3A : memref<!tpu.dma_semaphore, #tpu.memory_space<semaphore_mem>>) src(%dma_wait3A_42 : memref<79x128xi32, #tpu.memory_space<hbm>>) dst(%arg6 : memref<79x128xi32, #tpu.memory_space<vmem>>)
      tpu.yield
    }) : () -> ()
    "tpu.region"() ({
      %run_scoped3A = tpu.sem_alloc : memref<!tpu.dma_semaphore, #tpu.memory_space<semaphore_mem>>
      %dma_start3A = arith.constant 0 : i32
      %dma_start3A_29 = arith.constant 0 : i32
      %dma_start3A_30 = tpu.memref_slice %arg4[%add3A, %dma_start3A, %dma_start3A_29] : memref<32x79x128xi32, #tpu.memory_space<hbm>> -> memref<1x79x128xi32, #tpu.memory_space<hbm>>
      %dma_start3A_31 = tpu.memref_squeeze %dma_start3A_30 : memref<1x79x128xi32, #tpu.memory_space<hbm>> -> memref<79x128xi32, #tpu.memory_space<hbm>>
      %dma_start3A_32 = arith.constant 0 : i32
      %dma_start3A_33 = arith.constant 0 : i32
      %dma_start3A_34 = tpu.memref_slice %arg4[%add3A, %dma_start3A_32, %dma_start3A_33] : memref<32x79x128xi32, #tpu.memory_space<hbm>> -> memref<1x79x128xi32, #tpu.memory_space<hbm>>
      %dma_start3A_35 = tpu.memref_squeeze %dma_start3A_34 : memref<1x79x128xi32, #tpu.memory_space<hbm>> -> memref<79x128xi32, #tpu.memory_space<hbm>>
      tpu.enqueue_dma source(%dma_start3A_35 : memref<79x128xi32, #tpu.memory_space<hbm>>) target(%arg7 : memref<79x128xi32, #tpu.memory_space<vmem>>) target_semaphore(%run_scoped3A : memref<!tpu.dma_semaphore, #tpu.memory_space<semaphore_mem>>)
      %dma_wait3A = arith.constant 0 : i32
      %dma_wait3A_36 = arith.constant 0 : i32
      %dma_wait3A_37 = tpu.memref_slice %arg4[%add3A, %dma_wait3A, %dma_wait3A_36] : memref<32x79x128xi32, #tpu.memory_space<hbm>> -> memref<1x79x128xi32, #tpu.memory_space<hbm>>
      %dma_wait3A_38 = tpu.memref_squeeze %dma_wait3A_37 : memref<1x79x128xi32, #tpu.memory_space<hbm>> -> memref<79x128xi32, #tpu.memory_space<hbm>>
      %dma_wait3A_39 = arith.constant 0 : i32
      %dma_wait3A_40 = arith.constant 0 : i32
      %dma_wait3A_41 = tpu.memref_slice %arg4[%add3A, %dma_wait3A_39, %dma_wait3A_40] : memref<32x79x128xi32, #tpu.memory_space<hbm>> -> memref<1x79x128xi32, #tpu.memory_space<hbm>>
      %dma_wait3A_42 = tpu.memref_squeeze %dma_wait3A_41 : memref<1x79x128xi32, #tpu.memory_space<hbm>> -> memref<79x128xi32, #tpu.memory_space<hbm>>
      tpu.wait_dma2 semaphore(%run_scoped3A : memref<!tpu.dma_semaphore, #tpu.memory_space<semaphore_mem>>) src(%dma_wait3A_42 : memref<79x128xi32, #tpu.memory_space<hbm>>) dst(%arg7 : memref<79x128xi32, #tpu.memory_space<vmem>>)
      tpu.yield
    }) : () -> ()
    %scan3A = arith.constant 0 : i32
    %scan3A_1 = arith.constant 0 : i32
    %scan3A_2 = arith.constant 128 : i32
    %scan3A_3 = arith.addi %scan3A_1, %scan3A_2 : i32
    %scan3A_4 = arith.constant 1 : i32
    %scan3A_5 = scf.for %scan3A_29 = %scan3A_1 to %scan3A_3 step %scan3A_4 iter_args(%scan3A_30 = %scan3A) -> (i32)  : i32 {
      %scan3A_31 = arith.constant 0 : i32
      %scan3A_32 = arith.constant 0 : i32
      %scan3A_33 = arith.constant 8 : i32
      %scan3A_34 = arith.addi %scan3A_32, %scan3A_33 : i32
      %scan3A_35 = arith.constant 1 : i32
      %scan3A_36 = scf.for %scan3A_39 = %scan3A_32 to %scan3A_34 step %scan3A_35 iter_args(%scan3A_40 = %scan3A_31) -> (i32)  : i32 {
        %broadcast_in_dim3A = arith.constant 0.000000e+00 : f32
        %broadcast_in_dim3A_41 = vector.broadcast %broadcast_in_dim3A : f32 to vector<16xf32>
        %mul3A_42 = arith.constant 16 : i32
        %mul3A_43 = arith.muli %scan3A_39, %mul3A_42 : i32
        %swap3A = arith.index_cast %scan3A_29 : i32 to index
        %swap3A_44 = arith.index_cast %mul3A_43 : i32 to index
        %swap3A_45 = tpu.vector_load %arg8[%swap3A, %swap3A_44] {strides = array<i32>} : memref<128x128xf32, #tpu.memory_space<vmem>>, vector<1x16xf32>,
        %swap3A_46 = vector.shape_cast %swap3A_45 : vector<1x16xf32> to vector<16xf32>
        %swap3A_47 = vector.shape_cast %broadcast_in_dim3A_41 : vector<16xf32> to vector<1x16xf32>
        tpu.vector_store %arg8[%swap3A, %swap3A_44], %swap3A_47 {strides = array<i32>} : memref<128x128xf32, #tpu.memory_space<vmem>>, vector<1x16xf32>,
        %scan3A_48 = arith.constant 0 : i32
        scf.yield %scan3A_48 : i32
      }
      %scan3A_37 = arith.constant 8 : i32
      %scan3A_38 = arith.constant 0 : i32
      scf.yield %scan3A_38 : i32
    }
    %scan3A_6 = arith.constant 128 : i32
    %scan3A_7 = arith.constant 0 : i32
    %scan3A_8 = arith.constant 0 : i32
    %scan3A_9 = arith.constant 5 : i32
    %scan3A_10 = arith.addi %scan3A_8, %scan3A_9 : i32
    %scan3A_11 = arith.constant 1 : i32
    %scan3A_12 = scf.for %scan3A_29 = %scan3A_8 to %scan3A_10 step %scan3A_11 iter_args(%scan3A_30 = %scan3A_7) -> (i32)  : i32 {
      %mul3A_31 = arith.constant 640 : i32
      %mul3A_32 = arith.muli %arg1, %mul3A_31 : i32
      %mul3A_33 = arith.constant 128 : i32
      %mul3A_34 = arith.muli %scan3A_29, %mul3A_33 : i32
      %add3A_35 = arith.addi %mul3A_32, %mul3A_34 : i32
      "tpu.region"() ({
        %run_scoped3A = tpu.sem_alloc : memref<!tpu.dma_semaphore, #tpu.memory_space<semaphore_mem>>
        %dma_start3A = arith.constant 0 : i32
        %dma_start3A_37 = tpu.memref_slice %arg9[%add3A_35, %dma_start3A] : memref<10240x128xf32, #tpu.memory_space<vmem_shared>> -> memref<128x128xf32, #tpu.memory_space<vmem_shared>>
        %dma_start3A_38 = arith.constant 0 : i32
        %dma_start3A_39 = tpu.memref_slice %arg9[%add3A_35, %dma_start3A_38] : memref<10240x128xf32, #tpu.memory_space<vmem_shared>> -> memref<128x128xf32, #tpu.memory_space<vmem_shared>>
        tpu.enqueue_dma source(%arg8 : memref<128x128xf32, #tpu.memory_space<vmem>>) target(%dma_start3A_39 : memref<128x128xf32, #tpu.memory_space<vmem_shared>>) target_semaphore(%run_scoped3A : memref<!tpu.dma_semaphore, #tpu.memory_space<semaphore_mem>>)
        %dma_wait3A = arith.constant 0 : i32
        %dma_wait3A_40 = tpu.memref_slice %arg9[%add3A_35, %dma_wait3A] : memref<10240x128xf32, #tpu.memory_space<vmem_shared>> -> memref<128x128xf32, #tpu.memory_space<vmem_shared>>
        %dma_wait3A_41 = arith.constant 0 : i32
        %dma_wait3A_42 = tpu.memref_slice %arg9[%add3A_35, %dma_wait3A_41] : memref<10240x128xf32, #tpu.memory_space<vmem_shared>> -> memref<128x128xf32, #tpu.memory_space<vmem_shared>>
        tpu.wait_dma2 semaphore(%run_scoped3A : memref<!tpu.dma_semaphore, #tpu.memory_space<semaphore_mem>>) src(%arg8 : memref<128x128xf32, #tpu.memory_space<vmem>>) dst(%dma_wait3A_42 : memref<128x128xf32, #tpu.memory_space<vmem_shared>>)
        tpu.yield
      }) : () -> ()
      %scan3A_36 = arith.constant 0 : i32
      scf.yield %scan3A_36 : i32
    }
    %scan3A_13 = arith.constant 5 : i32
    %barrier3A = arith.constant 0 : index
    tpu.barrier barrier_id(%barrier3A)
    %scan3A_14 = arith.constant 0 : i32
    %scan3A_15 = arith.constant 0 : i32
    %scan3A_16 = arith.constant 79 : i32
    %scan3A_17 = arith.addi %scan3A_15, %scan3A_16 : i32
    %scan3A_18 = arith.constant 1 : i32
    %scan3A_19 = scf.for %scan3A_29 = %scan3A_15 to %scan3A_17 step %scan3A_18 iter_args(%scan3A_30 = %scan3A_14) -> (i32)  : i32 {
      %dma_start3A = arith.constant 0 : i32
      %dma_start3A_31 = tpu.memref_slice %arg6[%scan3A_29, %dma_start3A] : memref<79x128xi32, #tpu.memory_space<vmem>> -> memref<1x128xi32, #tpu.memory_space<vmem>>
      %dma_start3A_32 = tpu.memref_squeeze %dma_start3A_31 : memref<1x128xi32, #tpu.memory_space<vmem>> -> memref<128xi32, #tpu.memory_space<vmem>>
      %dma_start3A_33 = arith.constant 0 : i32
      %dma_start3A_34 = arith.constant 0 : i32
      %dma_start3A_35 = tpu.memref_slice %arg2[%dma_start3A_33, %dma_start3A_34] : memref<10240x128xf32, #tpu.memory_space<hbm>> -> memref<10240x128xf32, #tpu.memory_space<hbm>>
      tpu.enqueue_indirect_dma source(%dma_start3A_35 : memref<10240x128xf32, #tpu.memory_space<hbm>>) target(%arg8 : memref<128x128xf32, #tpu.memory_space<vmem>>) offsets(%dma_start3A_32 : memref<128xi32, #tpu.memory_space<vmem>>) semaphore(%arg10 : memref<!tpu.dma_semaphore, #tpu.memory_space<semaphore_mem>>)
      %dma_wait3A = arith.constant 0 : i32
      %dma_wait3A_36 = tpu.memref_slice %arg6[%scan3A_29, %dma_wait3A] : memref<79x128xi32, #tpu.memory_space<vmem>> -> memref<1x128xi32, #tpu.memory_space<vmem>>
      %dma_wait3A_37 = tpu.memref_squeeze %dma_wait3A_36 : memref<1x128xi32, #tpu.memory_space<vmem>> -> memref<128xi32, #tpu.memory_space<vmem>>
      %dma_wait3A_38 = arith.constant 0 : i32
      %dma_wait3A_39 = arith.constant 0 : i32
      %dma_wait3A_40 = tpu.memref_slice %arg2[%dma_wait3A_38, %dma_wait3A_39] : memref<10240x128xf32, #tpu.memory_space<hbm>> -> memref<10240x128xf32, #tpu.memory_space<hbm>>
      tpu.wait_indirect_dma semaphore(%arg10 : memref<!tpu.dma_semaphore, #tpu.memory_space<semaphore_mem>>) src(%dma_wait3A_40 : memref<10240x128xf32, #tpu.memory_space<hbm>>) dst(%arg8 : memref<128x128xf32, #tpu.memory_space<vmem>>)
      "tpu.region"() ({
        %run_scoped3A = tpu.sem_alloc : memref<!tpu.dma_semaphore, #tpu.memory_space<semaphore_mem>>
        %dma_start3A_42 = arith.constant 0 : i32
        %dma_start3A_43 = tpu.memref_slice %arg7[%scan3A_29, %dma_start3A_42] : memref<79x128xi32, #tpu.memory_space<vmem>> -> memref<1x128xi32, #tpu.memory_space<vmem>>
        %dma_start3A_44 = tpu.memref_squeeze %dma_start3A_43 : memref<1x128xi32, #tpu.memory_space<vmem>> -> memref<128xi32, #tpu.memory_space<vmem>>
        %dma_start3A_45 = arith.constant 0 : i32
        %dma_start3A_46 = arith.constant 0 : i32
        %dma_start3A_47 = tpu.memref_slice %arg9[%dma_start3A_45, %dma_start3A_46] : memref<10240x128xf32, #tpu.memory_space<vmem_shared>> -> memref<10240x128xf32, #tpu.memory_space<vmem_shared>>
        tpu.enqueue_indirect_dma source(%arg8 : memref<128x128xf32, #tpu.memory_space<vmem>>) target(%dma_start3A_47 : memref<10240x128xf32, #tpu.memory_space<vmem_shared>>) offsets(%dma_start3A_44 : memref<128xi32, #tpu.memory_space<vmem>>) semaphore(%run_scoped3A : memref<!tpu.dma_semaphore, #tpu.memory_space<semaphore_mem>>) {add = true}
        %dma_wait3A_48 = arith.constant 0 : i32
        %dma_wait3A_49 = tpu.memref_slice %arg7[%scan3A_29, %dma_wait3A_48] : memref<79x128xi32, #tpu.memory_space<vmem>> -> memref<1x128xi32, #tpu.memory_space<vmem>>
        %dma_wait3A_50 = tpu.memref_squeeze %dma_wait3A_49 : memref<1x128xi32, #tpu.memory_space<vmem>> -> memref<128xi32, #tpu.memory_space<vmem>>
        %dma_wait3A_51 = arith.constant 0 : i32
        %dma_wait3A_52 = arith.constant 0 : i32
        %dma_wait3A_53 = tpu.memref_slice %arg9[%dma_wait3A_51, %dma_wait3A_52] : memref<10240x128xf32, #tpu.memory_space<vmem_shared>> -> memref<10240x128xf32, #tpu.memory_space<vmem_shared>>
        tpu.wait_indirect_dma semaphore(%run_scoped3A : memref<!tpu.dma_semaphore, #tpu.memory_space<semaphore_mem>>) src(%arg8 : memref<128x128xf32, #tpu.memory_space<vmem>>) dst(%dma_wait3A_53 : memref<10240x128xf32, #tpu.memory_space<vmem_shared>>)
        tpu.yield
      }) : () -> ()
      %scan3A_41 = arith.constant 0 : i32
      scf.yield %scan3A_41 : i32
    }
    %scan3A_20 = arith.constant 79 : i32
    %barrier3A_21 = arith.constant 0 : index
    tpu.barrier barrier_id(%barrier3A_21)
    %scan3A_22 = arith.constant 0 : i32
    %scan3A_23 = arith.constant 0 : i32
    %scan3A_24 = arith.constant 5 : i32
    %scan3A_25 = arith.addi %scan3A_23, %scan3A_24 : i32
    %scan3A_26 = arith.constant 1 : i32
    %scan3A_27 = scf.for %scan3A_29 = %scan3A_23 to %scan3A_25 step %scan3A_26 iter_args(%scan3A_30 = %scan3A_22) -> (i32)  : i32 {
      %mul3A_31 = arith.constant 640 : i32
      %mul3A_32 = arith.muli %arg1, %mul3A_31 : i32
      %mul3A_33 = arith.constant 128 : i32
      %mul3A_34 = arith.muli %scan3A_29, %mul3A_33 : i32
      %add3A_35 = arith.addi %mul3A_32, %mul3A_34 : i32
      "tpu.region"() ({
        %run_scoped3A = tpu.sem_alloc : memref<!tpu.dma_semaphore, #tpu.memory_space<semaphore_mem>>
        %dma_start3A = arith.constant 0 : i32
        %dma_start3A_40 = tpu.memref_slice %arg9[%add3A_35, %dma_start3A] : memref<10240x128xf32, #tpu.memory_space<vmem_shared>> -> memref<128x128xf32, #tpu.memory_space<vmem_shared>>
        %dma_start3A_41 = arith.constant 0 : i32
        %dma_start3A_42 = tpu.memref_slice %arg9[%add3A_35, %dma_start3A_41] : memref<10240x128xf32, #tpu.memory_space<vmem_shared>> -> memref<128x128xf32, #tpu.memory_space<vmem_shared>>
        tpu.enqueue_dma source(%dma_start3A_42 : memref<128x128xf32, #tpu.memory_space<vmem_shared>>) target(%arg8 : memref<128x128xf32, #tpu.memory_space<vmem>>) target_semaphore(%run_scoped3A : memref<!tpu.dma_semaphore, #tpu.memory_space<semaphore_mem>>)
        %dma_wait3A = arith.constant 0 : i32
        %dma_wait3A_43 = tpu.memref_slice %arg9[%add3A_35, %dma_wait3A] : memref<10240x128xf32, #tpu.memory_space<vmem_shared>> -> memref<128x128xf32, #tpu.memory_space<vmem_shared>>
        %dma_wait3A_44 = arith.constant 0 : i32
        %dma_wait3A_45 = tpu.memref_slice %arg9[%add3A_35, %dma_wait3A_44] : memref<10240x128xf32, #tpu.memory_space<vmem_shared>> -> memref<128x128xf32, #tpu.memory_space<vmem_shared>>
        tpu.wait_dma2 semaphore(%run_scoped3A : memref<!tpu.dma_semaphore, #tpu.memory_space<semaphore_mem>>) src(%dma_wait3A_45 : memref<128x128xf32, #tpu.memory_space<vmem_shared>>) dst(%arg8 : memref<128x128xf32, #tpu.memory_space<vmem>>)
        tpu.yield
      }) : () -> ()
      %mul3A_36 = arith.constant 10240 : i32
      %mul3A_37 = arith.muli %arg0, %mul3A_36 : i32
      %add3A_38 = arith.addi %mul3A_37, %add3A_35 : i32
      "tpu.region"() ({
        %run_scoped3A = tpu.sem_alloc : memref<!tpu.dma_semaphore, #tpu.memory_space<semaphore_mem>>
        %dma_start3A = arith.constant 0 : i32
        %dma_start3A_40 = tpu.memref_slice %arg5[%add3A_38, %dma_start3A] : memref<20480x128xf32, #tpu.memory_space<hbm>> -> memref<128x128xf32, #tpu.memory_space<hbm>>
        %dma_start3A_41 = arith.constant 0 : i32
        %dma_start3A_42 = tpu.memref_slice %arg5[%add3A_38, %dma_start3A_41] : memref<20480x128xf32, #tpu.memory_space<hbm>> -> memref<128x128xf32, #tpu.memory_space<hbm>>
        tpu.enqueue_dma source(%arg8 : memref<128x128xf32, #tpu.memory_space<vmem>>) target(%dma_start3A_42 : memref<128x128xf32, #tpu.memory_space<hbm>>) target_semaphore(%run_scoped3A : memref<!tpu.dma_semaphore, #tpu.memory_space<semaphore_mem>>)
        %dma_wait3A = arith.constant 0 : i32
        %dma_wait3A_43 = tpu.memref_slice %arg5[%add3A_38, %dma_wait3A] : memref<20480x128xf32, #tpu.memory_space<hbm>> -> memref<128x128xf32, #tpu.memory_space<hbm>>
        %dma_wait3A_44 = arith.constant 0 : i32
        %dma_wait3A_45 = tpu.memref_slice %arg5[%add3A_38, %dma_wait3A_44] : memref<20480x128xf32, #tpu.memory_space<hbm>> -> memref<128x128xf32, #tpu.memory_space<hbm>>
        tpu.wait_dma2 semaphore(%run_scoped3A : memref<!tpu.dma_semaphore, #tpu.memory_space<semaphore_mem>>) src(%arg8 : memref<128x128xf32, #tpu.memory_space<vmem>>) dst(%dma_wait3A_45 : memref<128x128xf32, #tpu.memory_space<hbm>>)
        tpu.yield
      }) : () -> ()
      %scan3A_39 = arith.constant 0 : i32
      scf.yield %scan3A_39 : i32
    }
    %scan3A_28 = arith.constant 5 : i32
    return
  }
}

#map = affine_map<(d0, d1) -> (0, 0, 0)>
#map1 = affine_map<(d0, d1) -> (0, 0)>
module attributes {stable_mosaic.version = 14 : i64} {
  func.func @_sc_count(%arg0: i32, %arg1: i32, %arg2: memref<32x79x128xi32, #tpu.memory_space<hbm>>, %arg3: memref<20480x128xf32, #tpu.memory_space<hbm>>, %arg4: memref<79x128xi32, #tpu.memory_space<vmem>>, %arg5: memref<128x128xf32, #tpu.memory_space<vmem>>, %arg6: memref<10240x128xf32, #tpu.memory_space<vmem_shared>>) attributes {dimension_semantics = [#tpu.dimension_semantics<core_parallel>, #tpu.dimension_semantics<subcore_parallel>], iteration_bounds = array<i64: 2, 16>, scalar_prefetch = 0 : i64, scratch_operands = 3 : i64, tpu.core_type = #tpu.core_type<sc_vector_subcore>, window_params = [{transform_indices = #map}, {transform_indices = #map1}]} {
    %mul3A = arith.constant 16 : i32
    %mul3A_0 = arith.muli %arg0, %mul3A : i32
    %add3A = arith.addi %mul3A_0, %arg1 : i32
    "tpu.region"() ({
      %run_scoped3A = tpu.sem_alloc : memref<!tpu.dma_semaphore, #tpu.memory_space<semaphore_mem>>
      %dma_start3A = arith.constant 0 : i32
      %dma_start3A_36 = arith.constant 0 : i32
      %dma_start3A_37 = tpu.memref_slice %arg2[%add3A, %dma_start3A, %dma_start3A_36] : memref<32x79x128xi32, #tpu.memory_space<hbm>> -> memref<1x79x128xi32, #tpu.memory_space<hbm>>
      %dma_start3A_38 = tpu.memref_squeeze %dma_start3A_37 : memref<1x79x128xi32, #tpu.memory_space<hbm>> -> memref<79x128xi32, #tpu.memory_space<hbm>>
      %dma_start3A_39 = arith.constant 0 : i32
      %dma_start3A_40 = arith.constant 0 : i32
      %dma_start3A_41 = tpu.memref_slice %arg2[%add3A, %dma_start3A_39, %dma_start3A_40] : memref<32x79x128xi32, #tpu.memory_space<hbm>> -> memref<1x79x128xi32, #tpu.memory_space<hbm>>
      %dma_start3A_42 = tpu.memref_squeeze %dma_start3A_41 : memref<1x79x128xi32, #tpu.memory_space<hbm>> -> memref<79x128xi32, #tpu.memory_space<hbm>>
      tpu.enqueue_dma source(%dma_start3A_42 : memref<79x128xi32, #tpu.memory_space<hbm>>) target(%arg4 : memref<79x128xi32, #tpu.memory_space<vmem>>) target_semaphore(%run_scoped3A : memref<!tpu.dma_semaphore, #tpu.memory_space<semaphore_mem>>)
      %dma_wait3A = arith.constant 0 : i32
      %dma_wait3A_43 = arith.constant 0 : i32
      %dma_wait3A_44 = tpu.memref_slice %arg2[%add3A, %dma_wait3A, %dma_wait3A_43] : memref<32x79x128xi32, #tpu.memory_space<hbm>> -> memref<1x79x128xi32, #tpu.memory_space<hbm>>
      %dma_wait3A_45 = tpu.memref_squeeze %dma_wait3A_44 : memref<1x79x128xi32, #tpu.memory_space<hbm>> -> memref<79x128xi32, #tpu.memory_space<hbm>>
      %dma_wait3A_46 = arith.constant 0 : i32
      %dma_wait3A_47 = arith.constant 0 : i32
      %dma_wait3A_48 = tpu.memref_slice %arg2[%add3A, %dma_wait3A_46, %dma_wait3A_47] : memref<32x79x128xi32, #tpu.memory_space<hbm>> -> memref<1x79x128xi32, #tpu.memory_space<hbm>>
      %dma_wait3A_49 = tpu.memref_squeeze %dma_wait3A_48 : memref<1x79x128xi32, #tpu.memory_space<hbm>> -> memref<79x128xi32, #tpu.memory_space<hbm>>
      tpu.wait_dma2 semaphore(%run_scoped3A : memref<!tpu.dma_semaphore, #tpu.memory_space<semaphore_mem>>) src(%dma_wait3A_49 : memref<79x128xi32, #tpu.memory_space<hbm>>) dst(%arg4 : memref<79x128xi32, #tpu.memory_space<vmem>>)
      tpu.yield
    }) : () -> ()
    %scan3A = arith.constant 0 : i32
    %scan3A_1 = arith.constant 0 : i32
    %scan3A_2 = arith.constant 128 : i32
    %scan3A_3 = arith.addi %scan3A_1, %scan3A_2 : i32
    %scan3A_4 = arith.constant 1 : i32
    %scan3A_5 = scf.for %scan3A_36 = %scan3A_1 to %scan3A_3 step %scan3A_4 iter_args(%scan3A_37 = %scan3A) -> (i32)  : i32 {
      %scan3A_38 = arith.constant 0 : i32
      %scan3A_39 = arith.constant 0 : i32
      %scan3A_40 = arith.constant 8 : i32
      %scan3A_41 = arith.addi %scan3A_39, %scan3A_40 : i32
      %scan3A_42 = arith.constant 1 : i32
      %scan3A_43 = scf.for %scan3A_46 = %scan3A_39 to %scan3A_41 step %scan3A_42 iter_args(%scan3A_47 = %scan3A_38) -> (i32)  : i32 {
        %broadcast_in_dim3A = arith.constant 0.000000e+00 : f32
        %broadcast_in_dim3A_48 = vector.broadcast %broadcast_in_dim3A : f32 to vector<16xf32>
        %mul3A_49 = arith.constant 16 : i32
        %mul3A_50 = arith.muli %scan3A_46, %mul3A_49 : i32
        %swap3A = arith.index_cast %scan3A_36 : i32 to index
        %swap3A_51 = arith.index_cast %mul3A_50 : i32 to index
        %swap3A_52 = tpu.vector_load %arg5[%swap3A, %swap3A_51] {strides = array<i32>} : memref<128x128xf32, #tpu.memory_space<vmem>>, vector<1x16xf32>,
        %swap3A_53 = vector.shape_cast %swap3A_52 : vector<1x16xf32> to vector<16xf32>
        %swap3A_54 = vector.shape_cast %broadcast_in_dim3A_48 : vector<16xf32> to vector<1x16xf32>
        tpu.vector_store %arg5[%swap3A, %swap3A_51], %swap3A_54 {strides = array<i32>} : memref<128x128xf32, #tpu.memory_space<vmem>>, vector<1x16xf32>,
        %scan3A_55 = arith.constant 0 : i32
        scf.yield %scan3A_55 : i32
      }
      %scan3A_44 = arith.constant 8 : i32
      %scan3A_45 = arith.constant 0 : i32
      scf.yield %scan3A_45 : i32
    }
    %scan3A_6 = arith.constant 128 : i32
    %scan3A_7 = arith.constant 0 : i32
    %scan3A_8 = arith.constant 0 : i32
    %scan3A_9 = arith.constant 5 : i32
    %scan3A_10 = arith.addi %scan3A_8, %scan3A_9 : i32
    %scan3A_11 = arith.constant 1 : i32
    %scan3A_12 = scf.for %scan3A_36 = %scan3A_8 to %scan3A_10 step %scan3A_11 iter_args(%scan3A_37 = %scan3A_7) -> (i32)  : i32 {
      %mul3A_38 = arith.constant 640 : i32
      %mul3A_39 = arith.muli %arg1, %mul3A_38 : i32
      %mul3A_40 = arith.constant 128 : i32
      %mul3A_41 = arith.muli %scan3A_36, %mul3A_40 : i32
      %add3A_42 = arith.addi %mul3A_39, %mul3A_41 : i32
      "tpu.region"() ({
        %run_scoped3A = tpu.sem_alloc : memref<!tpu.dma_semaphore, #tpu.memory_space<semaphore_mem>>
        %dma_start3A = arith.constant 0 : i32
        %dma_start3A_44 = tpu.memref_slice %arg6[%add3A_42, %dma_start3A] : memref<10240x128xf32, #tpu.memory_space<vmem_shared>> -> memref<128x128xf32, #tpu.memory_space<vmem_shared>>
        %dma_start3A_45 = arith.constant 0 : i32
        %dma_start3A_46 = tpu.memref_slice %arg6[%add3A_42, %dma_start3A_45] : memref<10240x128xf32, #tpu.memory_space<vmem_shared>> -> memref<128x128xf32, #tpu.memory_space<vmem_shared>>
        tpu.enqueue_dma source(%arg5 : memref<128x128xf32, #tpu.memory_space<vmem>>) target(%dma_start3A_46 : memref<128x128xf32, #tpu.memory_space<vmem_shared>>) target_semaphore(%run_scoped3A : memref<!tpu.dma_semaphore, #tpu.memory_space<semaphore_mem>>)
        %dma_wait3A = arith.constant 0 : i32
        %dma_wait3A_47 = tpu.memref_slice %arg6[%add3A_42, %dma_wait3A] : memref<10240x128xf32, #tpu.memory_space<vmem_shared>> -> memref<128x128xf32, #tpu.memory_space<vmem_shared>>
        %dma_wait3A_48 = arith.constant 0 : i32
        %dma_wait3A_49 = tpu.memref_slice %arg6[%add3A_42, %dma_wait3A_48] : memref<10240x128xf32, #tpu.memory_space<vmem_shared>> -> memref<128x128xf32, #tpu.memory_space<vmem_shared>>
        tpu.wait_dma2 semaphore(%run_scoped3A : memref<!tpu.dma_semaphore, #tpu.memory_space<semaphore_mem>>) src(%arg5 : memref<128x128xf32, #tpu.memory_space<vmem>>) dst(%dma_wait3A_49 : memref<128x128xf32, #tpu.memory_space<vmem_shared>>)
        tpu.yield
      }) : () -> ()
      %scan3A_43 = arith.constant 0 : i32
      scf.yield %scan3A_43 : i32
    }
    %scan3A_13 = arith.constant 5 : i32
    %scan3A_14 = arith.constant 0 : i32
    %scan3A_15 = arith.constant 0 : i32
    %scan3A_16 = arith.constant 128 : i32
    %scan3A_17 = arith.addi %scan3A_15, %scan3A_16 : i32
    %scan3A_18 = arith.constant 1 : i32
    %scan3A_19 = scf.for %scan3A_36 = %scan3A_15 to %scan3A_17 step %scan3A_18 iter_args(%scan3A_37 = %scan3A_14) -> (i32)  : i32 {
      %scan3A_38 = arith.constant 0 : i32
      %scan3A_39 = arith.constant 0 : i32
      %scan3A_40 = arith.constant 8 : i32
      %scan3A_41 = arith.addi %scan3A_39, %scan3A_40 : i32
      %scan3A_42 = arith.constant 1 : i32
      %scan3A_43 = scf.for %scan3A_46 = %scan3A_39 to %scan3A_41 step %scan3A_42 iter_args(%scan3A_47 = %scan3A_38) -> (i32)  : i32 {
        %broadcast_in_dim3A = arith.constant 1.000000e+00 : f32
        %broadcast_in_dim3A_48 = vector.broadcast %broadcast_in_dim3A : f32 to vector<16xf32>
        %mul3A_49 = arith.constant 16 : i32
        %mul3A_50 = arith.muli %scan3A_46, %mul3A_49 : i32
        %swap3A = arith.index_cast %scan3A_36 : i32 to index
        %swap3A_51 = arith.index_cast %mul3A_50 : i32 to index
        %swap3A_52 = tpu.vector_load %arg5[%swap3A, %swap3A_51] {strides = array<i32>} : memref<128x128xf32, #tpu.memory_space<vmem>>, vector<1x16xf32>,
        %swap3A_53 = vector.shape_cast %swap3A_52 : vector<1x16xf32> to vector<16xf32>
        %swap3A_54 = vector.shape_cast %broadcast_in_dim3A_48 : vector<16xf32> to vector<1x16xf32>
        tpu.vector_store %arg5[%swap3A, %swap3A_51], %swap3A_54 {strides = array<i32>} : memref<128x128xf32, #tpu.memory_space<vmem>>, vector<1x16xf32>,
        %scan3A_55 = arith.constant 0 : i32
        scf.yield %scan3A_55 : i32
      }
      %scan3A_44 = arith.constant 8 : i32
      %scan3A_45 = arith.constant 0 : i32
      scf.yield %scan3A_45 : i32
    }
    %scan3A_20 = arith.constant 128 : i32
    %barrier3A = arith.constant 0 : index
    tpu.barrier barrier_id(%barrier3A)
    %scan3A_21 = arith.constant 0 : i32
    %scan3A_22 = arith.constant 0 : i32
    %scan3A_23 = arith.constant 79 : i32
    %scan3A_24 = arith.addi %scan3A_22, %scan3A_23 : i32
    %scan3A_25 = arith.constant 1 : i32
    %scan3A_26 = scf.for %scan3A_36 = %scan3A_22 to %scan3A_24 step %scan3A_25 iter_args(%scan3A_37 = %scan3A_21) -> (i32)  : i32 {
      "tpu.region"() ({
        %run_scoped3A = tpu.sem_alloc : memref<!tpu.dma_semaphore, #tpu.memory_space<semaphore_mem>>
        %dma_start3A = arith.constant 0 : i32
        %dma_start3A_39 = tpu.memref_slice %arg4[%scan3A_36, %dma_start3A] : memref<79x128xi32, #tpu.memory_space<vmem>> -> memref<1x128xi32, #tpu.memory_space<vmem>>
        %dma_start3A_40 = tpu.memref_squeeze %dma_start3A_39 : memref<1x128xi32, #tpu.memory_space<vmem>> -> memref<128xi32, #tpu.memory_space<vmem>>
        %dma_start3A_41 = arith.constant 0 : i32
        %dma_start3A_42 = arith.constant 0 : i32
        %dma_start3A_43 = tpu.memref_slice %arg6[%dma_start3A_41, %dma_start3A_42] : memref<10240x128xf32, #tpu.memory_space<vmem_shared>> -> memref<10240x128xf32, #tpu.memory_space<vmem_shared>>
        tpu.enqueue_indirect_dma source(%arg5 : memref<128x128xf32, #tpu.memory_space<vmem>>) target(%dma_start3A_43 : memref<10240x128xf32, #tpu.memory_space<vmem_shared>>) offsets(%dma_start3A_40 : memref<128xi32, #tpu.memory_space<vmem>>) semaphore(%run_scoped3A : memref<!tpu.dma_semaphore, #tpu.memory_space<semaphore_mem>>) {add = true}
        %dma_wait3A = arith.constant 0 : i32
        %dma_wait3A_44 = tpu.memref_slice %arg4[%scan3A_36, %dma_wait3A] : memref<79x128xi32, #tpu.memory_space<vmem>> -> memref<1x128xi32, #tpu.memory_space<vmem>>
        %dma_wait3A_45 = tpu.memref_squeeze %dma_wait3A_44 : memref<1x128xi32, #tpu.memory_space<vmem>> -> memref<128xi32, #tpu.memory_space<vmem>>
        %dma_wait3A_46 = arith.constant 0 : i32
        %dma_wait3A_47 = arith.constant 0 : i32
        %dma_wait3A_48 = tpu.memref_slice %arg6[%dma_wait3A_46, %dma_wait3A_47] : memref<10240x128xf32, #tpu.memory_space<vmem_shared>> -> memref<10240x128xf32, #tpu.memory_space<vmem_shared>>
        tpu.wait_indirect_dma semaphore(%run_scoped3A : memref<!tpu.dma_semaphore, #tpu.memory_space<semaphore_mem>>) src(%arg5 : memref<128x128xf32, #tpu.memory_space<vmem>>) dst(%dma_wait3A_48 : memref<10240x128xf32, #tpu.memory_space<vmem_shared>>)
        tpu.yield
      }) : () -> ()
      %scan3A_38 = arith.constant 0 : i32
      scf.yield %scan3A_38 : i32
    }
    %scan3A_27 = arith.constant 79 : i32
    %barrier3A_28 = arith.constant 0 : index
    tpu.barrier barrier_id(%barrier3A_28)
    %scan3A_29 = arith.constant 0 : i32
    %scan3A_30 = arith.constant 0 : i32
    %scan3A_31 = arith.constant 5 : i32
    %scan3A_32 = arith.addi %scan3A_30, %scan3A_31 : i32
    %scan3A_33 = arith.constant 1 : i32
    %scan3A_34 = scf.for %scan3A_36 = %scan3A_30 to %scan3A_32 step %scan3A_33 iter_args(%scan3A_37 = %scan3A_29) -> (i32)  : i32 {
      %mul3A_38 = arith.constant 640 : i32
      %mul3A_39 = arith.muli %arg1, %mul3A_38 : i32
      %mul3A_40 = arith.constant 128 : i32
      %mul3A_41 = arith.muli %scan3A_36, %mul3A_40 : i32
      %add3A_42 = arith.addi %mul3A_39, %mul3A_41 : i32
      "tpu.region"() ({
        %run_scoped3A = tpu.sem_alloc : memref<!tpu.dma_semaphore, #tpu.memory_space<semaphore_mem>>
        %dma_start3A = arith.constant 0 : i32
        %dma_start3A_47 = tpu.memref_slice %arg6[%add3A_42, %dma_start3A] : memref<10240x128xf32, #tpu.memory_space<vmem_shared>> -> memref<128x128xf32, #tpu.memory_space<vmem_shared>>
        %dma_start3A_48 = arith.constant 0 : i32
        %dma_start3A_49 = tpu.memref_slice %arg6[%add3A_42, %dma_start3A_48] : memref<10240x128xf32, #tpu.memory_space<vmem_shared>> -> memref<128x128xf32, #tpu.memory_space<vmem_shared>>
        tpu.enqueue_dma source(%dma_start3A_49 : memref<128x128xf32, #tpu.memory_space<vmem_shared>>) target(%arg5 : memref<128x128xf32, #tpu.memory_space<vmem>>) target_semaphore(%run_scoped3A : memref<!tpu.dma_semaphore, #tpu.memory_space<semaphore_mem>>)
        %dma_wait3A = arith.constant 0 : i32
        %dma_wait3A_50 = tpu.memref_slice %arg6[%add3A_42, %dma_wait3A] : memref<10240x128xf32, #tpu.memory_space<vmem_shared>> -> memref<128x128xf32, #tpu.memory_space<vmem_shared>>
        %dma_wait3A_51 = arith.constant 0 : i32
        %dma_wait3A_52 = tpu.memref_slice %arg6[%add3A_42, %dma_wait3A_51] : memref<10240x128xf32, #tpu.memory_space<vmem_shared>> -> memref<128x128xf32, #tpu.memory_space<vmem_shared>>
        tpu.wait_dma2 semaphore(%run_scoped3A : memref<!tpu.dma_semaphore, #tpu.memory_space<semaphore_mem>>) src(%dma_wait3A_52 : memref<128x128xf32, #tpu.memory_space<vmem_shared>>) dst(%arg5 : memref<128x128xf32, #tpu.memory_space<vmem>>)
        tpu.yield
      }) : () -> ()
      %mul3A_43 = arith.constant 10240 : i32
      %mul3A_44 = arith.muli %arg0, %mul3A_43 : i32
      %add3A_45 = arith.addi %mul3A_44, %add3A_42 : i32
      "tpu.region"() ({
        %run_scoped3A = tpu.sem_alloc : memref<!tpu.dma_semaphore, #tpu.memory_space<semaphore_mem>>
        %dma_start3A = arith.constant 0 : i32
        %dma_start3A_47 = tpu.memref_slice %arg3[%add3A_45, %dma_start3A] : memref<20480x128xf32, #tpu.memory_space<hbm>> -> memref<128x128xf32, #tpu.memory_space<hbm>>
        %dma_start3A_48 = arith.constant 0 : i32
        %dma_start3A_49 = tpu.memref_slice %arg3[%add3A_45, %dma_start3A_48] : memref<20480x128xf32, #tpu.memory_space<hbm>> -> memref<128x128xf32, #tpu.memory_space<hbm>>
        tpu.enqueue_dma source(%arg5 : memref<128x128xf32, #tpu.memory_space<vmem>>) target(%dma_start3A_49 : memref<128x128xf32, #tpu.memory_space<hbm>>) target_semaphore(%run_scoped3A : memref<!tpu.dma_semaphore, #tpu.memory_space<semaphore_mem>>)
        %dma_wait3A = arith.constant 0 : i32
        %dma_wait3A_50 = tpu.memref_slice %arg3[%add3A_45, %dma_wait3A] : memref<20480x128xf32, #tpu.memory_space<hbm>> -> memref<128x128xf32, #tpu.memory_space<hbm>>
        %dma_wait3A_51 = arith.constant 0 : i32
        %dma_wait3A_52 = tpu.memref_slice %arg3[%add3A_45, %dma_wait3A_51] : memref<20480x128xf32, #tpu.memory_space<hbm>> -> memref<128x128xf32, #tpu.memory_space<hbm>>
        tpu.wait_dma2 semaphore(%run_scoped3A : memref<!tpu.dma_semaphore, #tpu.memory_space<semaphore_mem>>) src(%arg5 : memref<128x128xf32, #tpu.memory_space<vmem>>) dst(%dma_wait3A_52 : memref<128x128xf32, #tpu.memory_space<hbm>>)
        tpu.yield
      }) : () -> ()
      %scan3A_46 = arith.constant 0 : i32
      scf.yield %scan3A_46 : i32
    }
    %scan3A_35 = arith.constant 5 : i32
    return
  }
}

#map = affine_map<(d0, d1) -> (0, 0)>
#map1 = affine_map<(d0, d1) -> (0, 0, 0)>
module attributes {stable_mosaic.version = 14 : i64} {
  func.func @_sc_agg(%arg0: i32, %arg1: i32, %arg2: memref<10240x128xf32, #tpu.memory_space<hbm>>, %arg3: memref<32x79x128xi32, #tpu.memory_space<hbm>>, %arg4: memref<32x79x128xi32, #tpu.memory_space<hbm>>, %arg5: memref<20480x128xf32, #tpu.memory_space<hbm>>, %arg6: memref<79x128xi32, #tpu.memory_space<vmem>>, %arg7: memref<79x128xi32, #tpu.memory_space<vmem>>, %arg8: memref<128x128xf32, #tpu.memory_space<vmem>>, %arg9: memref<10240x128xf32, #tpu.memory_space<vmem_shared>>, %arg10: memref<!tpu.dma_semaphore, #tpu.memory_space<semaphore_mem>>) attributes {dimension_semantics = [#tpu.dimension_semantics<core_parallel>, #tpu.dimension_semantics<subcore_parallel>], iteration_bounds = array<i64: 2, 16>, scalar_prefetch = 0 : i64, scratch_operands = 5 : i64, tpu.core_type = #tpu.core_type<sc_vector_subcore>, window_params = [{transform_indices = #map}, {transform_indices = #map1}, {transform_indices = #map1}, {transform_indices = #map}]} {
    %mul3A = arith.constant 16 : i32
    %mul3A_0 = arith.muli %arg0, %mul3A : i32
    %add3A = arith.addi %mul3A_0, %arg1 : i32
    "tpu.region"() ({
      %run_scoped3A = tpu.sem_alloc : memref<!tpu.dma_semaphore, #tpu.memory_space<semaphore_mem>>
      %dma_start3A = arith.constant 0 : i32
      %dma_start3A_29 = arith.constant 0 : i32
      %dma_start3A_30 = tpu.memref_slice %arg3[%add3A, %dma_start3A, %dma_start3A_29] : memref<32x79x128xi32, #tpu.memory_space<hbm>> -> memref<1x79x128xi32, #tpu.memory_space<hbm>>
      %dma_start3A_31 = tpu.memref_squeeze %dma_start3A_30 : memref<1x79x128xi32, #tpu.memory_space<hbm>> -> memref<79x128xi32, #tpu.memory_space<hbm>>
      %dma_start3A_32 = arith.constant 0 : i32
      %dma_start3A_33 = arith.constant 0 : i32
      %dma_start3A_34 = tpu.memref_slice %arg3[%add3A, %dma_start3A_32, %dma_start3A_33] : memref<32x79x128xi32, #tpu.memory_space<hbm>> -> memref<1x79x128xi32, #tpu.memory_space<hbm>>
      %dma_start3A_35 = tpu.memref_squeeze %dma_start3A_34 : memref<1x79x128xi32, #tpu.memory_space<hbm>> -> memref<79x128xi32, #tpu.memory_space<hbm>>
      tpu.enqueue_dma source(%dma_start3A_35 : memref<79x128xi32, #tpu.memory_space<hbm>>) target(%arg6 : memref<79x128xi32, #tpu.memory_space<vmem>>) target_semaphore(%run_scoped3A : memref<!tpu.dma_semaphore, #tpu.memory_space<semaphore_mem>>)
      %dma_wait3A = arith.constant 0 : i32
      %dma_wait3A_36 = arith.constant 0 : i32
      %dma_wait3A_37 = tpu.memref_slice %arg3[%add3A, %dma_wait3A, %dma_wait3A_36] : memref<32x79x128xi32, #tpu.memory_space<hbm>> -> memref<1x79x128xi32, #tpu.memory_space<hbm>>
      %dma_wait3A_38 = tpu.memref_squeeze %dma_wait3A_37 : memref<1x79x128xi32, #tpu.memory_space<hbm>> -> memref<79x128xi32, #tpu.memory_space<hbm>>
      %dma_wait3A_39 = arith.constant 0 : i32
      %dma_wait3A_40 = arith.constant 0 : i32
      %dma_wait3A_41 = tpu.memref_slice %arg3[%add3A, %dma_wait3A_39, %dma_wait3A_40] : memref<32x79x128xi32, #tpu.memory_space<hbm>> -> memref<1x79x128xi32, #tpu.memory_space<hbm>>
      %dma_wait3A_42 = tpu.memref_squeeze %dma_wait3A_41 : memref<1x79x128xi32, #tpu.memory_space<hbm>> -> memref<79x128xi32, #tpu.memory_space<hbm>>
      tpu.wait_dma2 semaphore(%run_scoped3A : memref<!tpu.dma_semaphore, #tpu.memory_space<semaphore_mem>>) src(%dma_wait3A_42 : memref<79x128xi32, #tpu.memory_space<hbm>>) dst(%arg6 : memref<79x128xi32, #tpu.memory_space<vmem>>)
      tpu.yield
    }) : () -> ()
    "tpu.region"() ({
      %run_scoped3A = tpu.sem_alloc : memref<!tpu.dma_semaphore, #tpu.memory_space<semaphore_mem>>
      %dma_start3A = arith.constant 0 : i32
      %dma_start3A_29 = arith.constant 0 : i32
      %dma_start3A_30 = tpu.memref_slice %arg4[%add3A, %dma_start3A, %dma_start3A_29] : memref<32x79x128xi32, #tpu.memory_space<hbm>> -> memref<1x79x128xi32, #tpu.memory_space<hbm>>
      %dma_start3A_31 = tpu.memref_squeeze %dma_start3A_30 : memref<1x79x128xi32, #tpu.memory_space<hbm>> -> memref<79x128xi32, #tpu.memory_space<hbm>>
      %dma_start3A_32 = arith.constant 0 : i32
      %dma_start3A_33 = arith.constant 0 : i32
      %dma_start3A_34 = tpu.memref_slice %arg4[%add3A, %dma_start3A_32, %dma_start3A_33] : memref<32x79x128xi32, #tpu.memory_space<hbm>> -> memref<1x79x128xi32, #tpu.memory_space<hbm>>
      %dma_start3A_35 = tpu.memref_squeeze %dma_start3A_34 : memref<1x79x128xi32, #tpu.memory_space<hbm>> -> memref<79x128xi32, #tpu.memory_space<hbm>>
      tpu.enqueue_dma source(%dma_start3A_35 : memref<79x128xi32, #tpu.memory_space<hbm>>) target(%arg7 : memref<79x128xi32, #tpu.memory_space<vmem>>) target_semaphore(%run_scoped3A : memref<!tpu.dma_semaphore, #tpu.memory_space<semaphore_mem>>)
      %dma_wait3A = arith.constant 0 : i32
      %dma_wait3A_36 = arith.constant 0 : i32
      %dma_wait3A_37 = tpu.memref_slice %arg4[%add3A, %dma_wait3A, %dma_wait3A_36] : memref<32x79x128xi32, #tpu.memory_space<hbm>> -> memref<1x79x128xi32, #tpu.memory_space<hbm>>
      %dma_wait3A_38 = tpu.memref_squeeze %dma_wait3A_37 : memref<1x79x128xi32, #tpu.memory_space<hbm>> -> memref<79x128xi32, #tpu.memory_space<hbm>>
      %dma_wait3A_39 = arith.constant 0 : i32
      %dma_wait3A_40 = arith.constant 0 : i32
      %dma_wait3A_41 = tpu.memref_slice %arg4[%add3A, %dma_wait3A_39, %dma_wait3A_40] : memref<32x79x128xi32, #tpu.memory_space<hbm>> -> memref<1x79x128xi32, #tpu.memory_space<hbm>>
      %dma_wait3A_42 = tpu.memref_squeeze %dma_wait3A_41 : memref<1x79x128xi32, #tpu.memory_space<hbm>> -> memref<79x128xi32, #tpu.memory_space<hbm>>
      tpu.wait_dma2 semaphore(%run_scoped3A : memref<!tpu.dma_semaphore, #tpu.memory_space<semaphore_mem>>) src(%dma_wait3A_42 : memref<79x128xi32, #tpu.memory_space<hbm>>) dst(%arg7 : memref<79x128xi32, #tpu.memory_space<vmem>>)
      tpu.yield
    }) : () -> ()
    %scan3A = arith.constant 0 : i32
    %scan3A_1 = arith.constant 0 : i32
    %scan3A_2 = arith.constant 128 : i32
    %scan3A_3 = arith.addi %scan3A_1, %scan3A_2 : i32
    %scan3A_4 = arith.constant 1 : i32
    %scan3A_5 = scf.for %scan3A_29 = %scan3A_1 to %scan3A_3 step %scan3A_4 iter_args(%scan3A_30 = %scan3A) -> (i32)  : i32 {
      %scan3A_31 = arith.constant 0 : i32
      %scan3A_32 = arith.constant 0 : i32
      %scan3A_33 = arith.constant 8 : i32
      %scan3A_34 = arith.addi %scan3A_32, %scan3A_33 : i32
      %scan3A_35 = arith.constant 1 : i32
      %scan3A_36 = scf.for %scan3A_39 = %scan3A_32 to %scan3A_34 step %scan3A_35 iter_args(%scan3A_40 = %scan3A_31) -> (i32)  : i32 {
        %broadcast_in_dim3A = arith.constant 0.000000e+00 : f32
        %broadcast_in_dim3A_41 = vector.broadcast %broadcast_in_dim3A : f32 to vector<16xf32>
        %mul3A_42 = arith.constant 16 : i32
        %mul3A_43 = arith.muli %scan3A_39, %mul3A_42 : i32
        %swap3A = arith.index_cast %scan3A_29 : i32 to index
        %swap3A_44 = arith.index_cast %mul3A_43 : i32 to index
        %swap3A_45 = tpu.vector_load %arg8[%swap3A, %swap3A_44] {strides = array<i32>} : memref<128x128xf32, #tpu.memory_space<vmem>>, vector<1x16xf32>,
        %swap3A_46 = vector.shape_cast %swap3A_45 : vector<1x16xf32> to vector<16xf32>
        %swap3A_47 = vector.shape_cast %broadcast_in_dim3A_41 : vector<16xf32> to vector<1x16xf32>
        tpu.vector_store %arg8[%swap3A, %swap3A_44], %swap3A_47 {strides = array<i32>} : memref<128x128xf32, #tpu.memory_space<vmem>>, vector<1x16xf32>,
        %scan3A_48 = arith.constant 0 : i32
        scf.yield %scan3A_48 : i32
      }
      %scan3A_37 = arith.constant 8 : i32
      %scan3A_38 = arith.constant 0 : i32
      scf.yield %scan3A_38 : i32
    }
    %scan3A_6 = arith.constant 128 : i32
    %scan3A_7 = arith.constant 0 : i32
    %scan3A_8 = arith.constant 0 : i32
    %scan3A_9 = arith.constant 5 : i32
    %scan3A_10 = arith.addi %scan3A_8, %scan3A_9 : i32
    %scan3A_11 = arith.constant 1 : i32
    %scan3A_12 = scf.for %scan3A_29 = %scan3A_8 to %scan3A_10 step %scan3A_11 iter_args(%scan3A_30 = %scan3A_7) -> (i32)  : i32 {
      %mul3A_31 = arith.constant 640 : i32
      %mul3A_32 = arith.muli %arg1, %mul3A_31 : i32
      %mul3A_33 = arith.constant 128 : i32
      %mul3A_34 = arith.muli %scan3A_29, %mul3A_33 : i32
      %add3A_35 = arith.addi %mul3A_32, %mul3A_34 : i32
      "tpu.region"() ({
        %run_scoped3A = tpu.sem_alloc : memref<!tpu.dma_semaphore, #tpu.memory_space<semaphore_mem>>
        %dma_start3A = arith.constant 0 : i32
        %dma_start3A_37 = tpu.memref_slice %arg9[%add3A_35, %dma_start3A] : memref<10240x128xf32, #tpu.memory_space<vmem_shared>> -> memref<128x128xf32, #tpu.memory_space<vmem_shared>>
        %dma_start3A_38 = arith.constant 0 : i32
        %dma_start3A_39 = tpu.memref_slice %arg9[%add3A_35, %dma_start3A_38] : memref<10240x128xf32, #tpu.memory_space<vmem_shared>> -> memref<128x128xf32, #tpu.memory_space<vmem_shared>>
        tpu.enqueue_dma source(%arg8 : memref<128x128xf32, #tpu.memory_space<vmem>>) target(%dma_start3A_39 : memref<128x128xf32, #tpu.memory_space<vmem_shared>>) target_semaphore(%run_scoped3A : memref<!tpu.dma_semaphore, #tpu.memory_space<semaphore_mem>>)
        %dma_wait3A = arith.constant 0 : i32
        %dma_wait3A_40 = tpu.memref_slice %arg9[%add3A_35, %dma_wait3A] : memref<10240x128xf32, #tpu.memory_space<vmem_shared>> -> memref<128x128xf32, #tpu.memory_space<vmem_shared>>
        %dma_wait3A_41 = arith.constant 0 : i32
        %dma_wait3A_42 = tpu.memref_slice %arg9[%add3A_35, %dma_wait3A_41] : memref<10240x128xf32, #tpu.memory_space<vmem_shared>> -> memref<128x128xf32, #tpu.memory_space<vmem_shared>>
        tpu.wait_dma2 semaphore(%run_scoped3A : memref<!tpu.dma_semaphore, #tpu.memory_space<semaphore_mem>>) src(%arg8 : memref<128x128xf32, #tpu.memory_space<vmem>>) dst(%dma_wait3A_42 : memref<128x128xf32, #tpu.memory_space<vmem_shared>>)
        tpu.yield
      }) : () -> ()
      %scan3A_36 = arith.constant 0 : i32
      scf.yield %scan3A_36 : i32
    }
    %scan3A_13 = arith.constant 5 : i32
    %barrier3A = arith.constant 0 : index
    tpu.barrier barrier_id(%barrier3A)
    %scan3A_14 = arith.constant 0 : i32
    %scan3A_15 = arith.constant 0 : i32
    %scan3A_16 = arith.constant 79 : i32
    %scan3A_17 = arith.addi %scan3A_15, %scan3A_16 : i32
    %scan3A_18 = arith.constant 1 : i32
    %scan3A_19 = scf.for %scan3A_29 = %scan3A_15 to %scan3A_17 step %scan3A_18 iter_args(%scan3A_30 = %scan3A_14) -> (i32)  : i32 {
      %dma_start3A = arith.constant 0 : i32
      %dma_start3A_31 = tpu.memref_slice %arg6[%scan3A_29, %dma_start3A] : memref<79x128xi32, #tpu.memory_space<vmem>> -> memref<1x128xi32, #tpu.memory_space<vmem>>
      %dma_start3A_32 = tpu.memref_squeeze %dma_start3A_31 : memref<1x128xi32, #tpu.memory_space<vmem>> -> memref<128xi32, #tpu.memory_space<vmem>>
      %dma_start3A_33 = arith.constant 0 : i32
      %dma_start3A_34 = arith.constant 0 : i32
      %dma_start3A_35 = tpu.memref_slice %arg2[%dma_start3A_33, %dma_start3A_34] : memref<10240x128xf32, #tpu.memory_space<hbm>> -> memref<10240x128xf32, #tpu.memory_space<hbm>>
      tpu.enqueue_indirect_dma source(%dma_start3A_35 : memref<10240x128xf32, #tpu.memory_space<hbm>>) target(%arg8 : memref<128x128xf32, #tpu.memory_space<vmem>>) offsets(%dma_start3A_32 : memref<128xi32, #tpu.memory_space<vmem>>) semaphore(%arg10 : memref<!tpu.dma_semaphore, #tpu.memory_space<semaphore_mem>>)
      %dma_wait3A = arith.constant 0 : i32
      %dma_wait3A_36 = tpu.memref_slice %arg6[%scan3A_29, %dma_wait3A] : memref<79x128xi32, #tpu.memory_space<vmem>> -> memref<1x128xi32, #tpu.memory_space<vmem>>
      %dma_wait3A_37 = tpu.memref_squeeze %dma_wait3A_36 : memref<1x128xi32, #tpu.memory_space<vmem>> -> memref<128xi32, #tpu.memory_space<vmem>>
      %dma_wait3A_38 = arith.constant 0 : i32
      %dma_wait3A_39 = arith.constant 0 : i32
      %dma_wait3A_40 = tpu.memref_slice %arg2[%dma_wait3A_38, %dma_wait3A_39] : memref<10240x128xf32, #tpu.memory_space<hbm>> -> memref<10240x128xf32, #tpu.memory_space<hbm>>
      tpu.wait_indirect_dma semaphore(%arg10 : memref<!tpu.dma_semaphore, #tpu.memory_space<semaphore_mem>>) src(%dma_wait3A_40 : memref<10240x128xf32, #tpu.memory_space<hbm>>) dst(%arg8 : memref<128x128xf32, #tpu.memory_space<vmem>>)
      "tpu.region"() ({
        %run_scoped3A = tpu.sem_alloc : memref<!tpu.dma_semaphore, #tpu.memory_space<semaphore_mem>>
        %dma_start3A_42 = arith.constant 0 : i32
        %dma_start3A_43 = tpu.memref_slice %arg7[%scan3A_29, %dma_start3A_42] : memref<79x128xi32, #tpu.memory_space<vmem>> -> memref<1x128xi32, #tpu.memory_space<vmem>>
        %dma_start3A_44 = tpu.memref_squeeze %dma_start3A_43 : memref<1x128xi32, #tpu.memory_space<vmem>> -> memref<128xi32, #tpu.memory_space<vmem>>
        %dma_start3A_45 = arith.constant 0 : i32
        %dma_start3A_46 = arith.constant 0 : i32
        %dma_start3A_47 = tpu.memref_slice %arg9[%dma_start3A_45, %dma_start3A_46] : memref<10240x128xf32, #tpu.memory_space<vmem_shared>> -> memref<10240x128xf32, #tpu.memory_space<vmem_shared>>
        tpu.enqueue_indirect_dma source(%arg8 : memref<128x128xf32, #tpu.memory_space<vmem>>) target(%dma_start3A_47 : memref<10240x128xf32, #tpu.memory_space<vmem_shared>>) offsets(%dma_start3A_44 : memref<128xi32, #tpu.memory_space<vmem>>) semaphore(%run_scoped3A : memref<!tpu.dma_semaphore, #tpu.memory_space<semaphore_mem>>) {add = true}
        %dma_wait3A_48 = arith.constant 0 : i32
        %dma_wait3A_49 = tpu.memref_slice %arg7[%scan3A_29, %dma_wait3A_48] : memref<79x128xi32, #tpu.memory_space<vmem>> -> memref<1x128xi32, #tpu.memory_space<vmem>>
        %dma_wait3A_50 = tpu.memref_squeeze %dma_wait3A_49 : memref<1x128xi32, #tpu.memory_space<vmem>> -> memref<128xi32, #tpu.memory_space<vmem>>
        %dma_wait3A_51 = arith.constant 0 : i32
        %dma_wait3A_52 = arith.constant 0 : i32
        %dma_wait3A_53 = tpu.memref_slice %arg9[%dma_wait3A_51, %dma_wait3A_52] : memref<10240x128xf32, #tpu.memory_space<vmem_shared>> -> memref<10240x128xf32, #tpu.memory_space<vmem_shared>>
        tpu.wait_indirect_dma semaphore(%run_scoped3A : memref<!tpu.dma_semaphore, #tpu.memory_space<semaphore_mem>>) src(%arg8 : memref<128x128xf32, #tpu.memory_space<vmem>>) dst(%dma_wait3A_53 : memref<10240x128xf32, #tpu.memory_space<vmem_shared>>)
        tpu.yield
      }) : () -> ()
      %scan3A_41 = arith.constant 0 : i32
      scf.yield %scan3A_41 : i32
    }
    %scan3A_20 = arith.constant 79 : i32
    %barrier3A_21 = arith.constant 0 : index
    tpu.barrier barrier_id(%barrier3A_21)
    %scan3A_22 = arith.constant 0 : i32
    %scan3A_23 = arith.constant 0 : i32
    %scan3A_24 = arith.constant 5 : i32
    %scan3A_25 = arith.addi %scan3A_23, %scan3A_24 : i32
    %scan3A_26 = arith.constant 1 : i32
    %scan3A_27 = scf.for %scan3A_29 = %scan3A_23 to %scan3A_25 step %scan3A_26 iter_args(%scan3A_30 = %scan3A_22) -> (i32)  : i32 {
      %mul3A_31 = arith.constant 640 : i32
      %mul3A_32 = arith.muli %arg1, %mul3A_31 : i32
      %mul3A_33 = arith.constant 128 : i32
      %mul3A_34 = arith.muli %scan3A_29, %mul3A_33 : i32
      %add3A_35 = arith.addi %mul3A_32, %mul3A_34 : i32
      "tpu.region"() ({
        %run_scoped3A = tpu.sem_alloc : memref<!tpu.dma_semaphore, #tpu.memory_space<semaphore_mem>>
        %dma_start3A = arith.constant 0 : i32
        %dma_start3A_40 = tpu.memref_slice %arg9[%add3A_35, %dma_start3A] : memref<10240x128xf32, #tpu.memory_space<vmem_shared>> -> memref<128x128xf32, #tpu.memory_space<vmem_shared>>
        %dma_start3A_41 = arith.constant 0 : i32
        %dma_start3A_42 = tpu.memref_slice %arg9[%add3A_35, %dma_start3A_41] : memref<10240x128xf32, #tpu.memory_space<vmem_shared>> -> memref<128x128xf32, #tpu.memory_space<vmem_shared>>
        tpu.enqueue_dma source(%dma_start3A_42 : memref<128x128xf32, #tpu.memory_space<vmem_shared>>) target(%arg8 : memref<128x128xf32, #tpu.memory_space<vmem>>) target_semaphore(%run_scoped3A : memref<!tpu.dma_semaphore, #tpu.memory_space<semaphore_mem>>)
        %dma_wait3A = arith.constant 0 : i32
        %dma_wait3A_43 = tpu.memref_slice %arg9[%add3A_35, %dma_wait3A] : memref<10240x128xf32, #tpu.memory_space<vmem_shared>> -> memref<128x128xf32, #tpu.memory_space<vmem_shared>>
        %dma_wait3A_44 = arith.constant 0 : i32
        %dma_wait3A_45 = tpu.memref_slice %arg9[%add3A_35, %dma_wait3A_44] : memref<10240x128xf32, #tpu.memory_space<vmem_shared>> -> memref<128x128xf32, #tpu.memory_space<vmem_shared>>
        tpu.wait_dma2 semaphore(%run_scoped3A : memref<!tpu.dma_semaphore, #tpu.memory_space<semaphore_mem>>) src(%dma_wait3A_45 : memref<128x128xf32, #tpu.memory_space<vmem_shared>>) dst(%arg8 : memref<128x128xf32, #tpu.memory_space<vmem>>)
        tpu.yield
      }) : () -> ()
      %mul3A_36 = arith.constant 10240 : i32
      %mul3A_37 = arith.muli %arg0, %mul3A_36 : i32
      %add3A_38 = arith.addi %mul3A_37, %add3A_35 : i32
      "tpu.region"() ({
        %run_scoped3A = tpu.sem_alloc : memref<!tpu.dma_semaphore, #tpu.memory_space<semaphore_mem>>
        %dma_start3A = arith.constant 0 : i32
        %dma_start3A_40 = tpu.memref_slice %arg5[%add3A_38, %dma_start3A] : memref<20480x128xf32, #tpu.memory_space<hbm>> -> memref<128x128xf32, #tpu.memory_space<hbm>>
        %dma_start3A_41 = arith.constant 0 : i32
        %dma_start3A_42 = tpu.memref_slice %arg5[%add3A_38, %dma_start3A_41] : memref<20480x128xf32, #tpu.memory_space<hbm>> -> memref<128x128xf32, #tpu.memory_space<hbm>>
        tpu.enqueue_dma source(%arg8 : memref<128x128xf32, #tpu.memory_space<vmem>>) target(%dma_start3A_42 : memref<128x128xf32, #tpu.memory_space<hbm>>) target_semaphore(%run_scoped3A : memref<!tpu.dma_semaphore, #tpu.memory_space<semaphore_mem>>)
        %dma_wait3A = arith.constant 0 : i32
        %dma_wait3A_43 = tpu.memref_slice %arg5[%add3A_38, %dma_wait3A] : memref<20480x128xf32, #tpu.memory_space<hbm>> -> memref<128x128xf32, #tpu.memory_space<hbm>>
        %dma_wait3A_44 = arith.constant 0 : i32
        %dma_wait3A_45 = tpu.memref_slice %arg5[%add3A_38, %dma_wait3A_44] : memref<20480x128xf32, #tpu.memory_space<hbm>> -> memref<128x128xf32, #tpu.memory_space<hbm>>
        tpu.wait_dma2 semaphore(%run_scoped3A : memref<!tpu.dma_semaphore, #tpu.memory_space<semaphore_mem>>) src(%arg8 : memref<128x128xf32, #tpu.memory_space<vmem>>) dst(%dma_wait3A_45 : memref<128x128xf32, #tpu.memory_space<hbm>>)
        tpu.yield
      }) : () -> ()
      %scan3A_39 = arith.constant 0 : i32
      scf.yield %scan3A_39 : i32
    }
    %scan3A_28 = arith.constant 5 : i32
    return
  }
}

#map = affine_map<(d0, d1) -> (0, 0)>
#map1 = affine_map<(d0, d1) -> (0, 0, 0)>
module attributes {stable_mosaic.version = 14 : i64} {
  func.func @_sc_agg(%arg0: i32, %arg1: i32, %arg2: memref<10240x128xf32, #tpu.memory_space<hbm>>, %arg3: memref<32x79x128xi32, #tpu.memory_space<hbm>>, %arg4: memref<32x79x128xi32, #tpu.memory_space<hbm>>, %arg5: memref<20480x128xf32, #tpu.memory_space<hbm>>, %arg6: memref<79x128xi32, #tpu.memory_space<vmem>>, %arg7: memref<79x128xi32, #tpu.memory_space<vmem>>, %arg8: memref<128x128xf32, #tpu.memory_space<vmem>>, %arg9: memref<10240x128xf32, #tpu.memory_space<vmem_shared>>, %arg10: memref<!tpu.dma_semaphore, #tpu.memory_space<semaphore_mem>>) attributes {dimension_semantics = [#tpu.dimension_semantics<core_parallel>, #tpu.dimension_semantics<subcore_parallel>], iteration_bounds = array<i64: 2, 16>, scalar_prefetch = 0 : i64, scratch_operands = 5 : i64, tpu.core_type = #tpu.core_type<sc_vector_subcore>, window_params = [{transform_indices = #map}, {transform_indices = #map1}, {transform_indices = #map1}, {transform_indices = #map}]} {
    %mul3A = arith.constant 16 : i32
    %mul3A_0 = arith.muli %arg0, %mul3A : i32
    %add3A = arith.addi %mul3A_0, %arg1 : i32
    "tpu.region"() ({
      %run_scoped3A = tpu.sem_alloc : memref<!tpu.dma_semaphore, #tpu.memory_space<semaphore_mem>>
      %dma_start3A = arith.constant 0 : i32
      %dma_start3A_29 = arith.constant 0 : i32
      %dma_start3A_30 = tpu.memref_slice %arg3[%add3A, %dma_start3A, %dma_start3A_29] : memref<32x79x128xi32, #tpu.memory_space<hbm>> -> memref<1x79x128xi32, #tpu.memory_space<hbm>>
      %dma_start3A_31 = tpu.memref_squeeze %dma_start3A_30 : memref<1x79x128xi32, #tpu.memory_space<hbm>> -> memref<79x128xi32, #tpu.memory_space<hbm>>
      %dma_start3A_32 = arith.constant 0 : i32
      %dma_start3A_33 = arith.constant 0 : i32
      %dma_start3A_34 = tpu.memref_slice %arg3[%add3A, %dma_start3A_32, %dma_start3A_33] : memref<32x79x128xi32, #tpu.memory_space<hbm>> -> memref<1x79x128xi32, #tpu.memory_space<hbm>>
      %dma_start3A_35 = tpu.memref_squeeze %dma_start3A_34 : memref<1x79x128xi32, #tpu.memory_space<hbm>> -> memref<79x128xi32, #tpu.memory_space<hbm>>
      tpu.enqueue_dma source(%dma_start3A_35 : memref<79x128xi32, #tpu.memory_space<hbm>>) target(%arg6 : memref<79x128xi32, #tpu.memory_space<vmem>>) target_semaphore(%run_scoped3A : memref<!tpu.dma_semaphore, #tpu.memory_space<semaphore_mem>>)
      %dma_wait3A = arith.constant 0 : i32
      %dma_wait3A_36 = arith.constant 0 : i32
      %dma_wait3A_37 = tpu.memref_slice %arg3[%add3A, %dma_wait3A, %dma_wait3A_36] : memref<32x79x128xi32, #tpu.memory_space<hbm>> -> memref<1x79x128xi32, #tpu.memory_space<hbm>>
      %dma_wait3A_38 = tpu.memref_squeeze %dma_wait3A_37 : memref<1x79x128xi32, #tpu.memory_space<hbm>> -> memref<79x128xi32, #tpu.memory_space<hbm>>
      %dma_wait3A_39 = arith.constant 0 : i32
      %dma_wait3A_40 = arith.constant 0 : i32
      %dma_wait3A_41 = tpu.memref_slice %arg3[%add3A, %dma_wait3A_39, %dma_wait3A_40] : memref<32x79x128xi32, #tpu.memory_space<hbm>> -> memref<1x79x128xi32, #tpu.memory_space<hbm>>
      %dma_wait3A_42 = tpu.memref_squeeze %dma_wait3A_41 : memref<1x79x128xi32, #tpu.memory_space<hbm>> -> memref<79x128xi32, #tpu.memory_space<hbm>>
      tpu.wait_dma2 semaphore(%run_scoped3A : memref<!tpu.dma_semaphore, #tpu.memory_space<semaphore_mem>>) src(%dma_wait3A_42 : memref<79x128xi32, #tpu.memory_space<hbm>>) dst(%arg6 : memref<79x128xi32, #tpu.memory_space<vmem>>)
      tpu.yield
    }) : () -> ()
    "tpu.region"() ({
      %run_scoped3A = tpu.sem_alloc : memref<!tpu.dma_semaphore, #tpu.memory_space<semaphore_mem>>
      %dma_start3A = arith.constant 0 : i32
      %dma_start3A_29 = arith.constant 0 : i32
      %dma_start3A_30 = tpu.memref_slice %arg4[%add3A, %dma_start3A, %dma_start3A_29] : memref<32x79x128xi32, #tpu.memory_space<hbm>> -> memref<1x79x128xi32, #tpu.memory_space<hbm>>
      %dma_start3A_31 = tpu.memref_squeeze %dma_start3A_30 : memref<1x79x128xi32, #tpu.memory_space<hbm>> -> memref<79x128xi32, #tpu.memory_space<hbm>>
      %dma_start3A_32 = arith.constant 0 : i32
      %dma_start3A_33 = arith.constant 0 : i32
      %dma_start3A_34 = tpu.memref_slice %arg4[%add3A, %dma_start3A_32, %dma_start3A_33] : memref<32x79x128xi32, #tpu.memory_space<hbm>> -> memref<1x79x128xi32, #tpu.memory_space<hbm>>
      %dma_start3A_35 = tpu.memref_squeeze %dma_start3A_34 : memref<1x79x128xi32, #tpu.memory_space<hbm>> -> memref<79x128xi32, #tpu.memory_space<hbm>>
      tpu.enqueue_dma source(%dma_start3A_35 : memref<79x128xi32, #tpu.memory_space<hbm>>) target(%arg7 : memref<79x128xi32, #tpu.memory_space<vmem>>) target_semaphore(%run_scoped3A : memref<!tpu.dma_semaphore, #tpu.memory_space<semaphore_mem>>)
      %dma_wait3A = arith.constant 0 : i32
      %dma_wait3A_36 = arith.constant 0 : i32
      %dma_wait3A_37 = tpu.memref_slice %arg4[%add3A, %dma_wait3A, %dma_wait3A_36] : memref<32x79x128xi32, #tpu.memory_space<hbm>> -> memref<1x79x128xi32, #tpu.memory_space<hbm>>
      %dma_wait3A_38 = tpu.memref_squeeze %dma_wait3A_37 : memref<1x79x128xi32, #tpu.memory_space<hbm>> -> memref<79x128xi32, #tpu.memory_space<hbm>>
      %dma_wait3A_39 = arith.constant 0 : i32
      %dma_wait3A_40 = arith.constant 0 : i32
      %dma_wait3A_41 = tpu.memref_slice %arg4[%add3A, %dma_wait3A_39, %dma_wait3A_40] : memref<32x79x128xi32, #tpu.memory_space<hbm>> -> memref<1x79x128xi32, #tpu.memory_space<hbm>>
      %dma_wait3A_42 = tpu.memref_squeeze %dma_wait3A_41 : memref<1x79x128xi32, #tpu.memory_space<hbm>> -> memref<79x128xi32, #tpu.memory_space<hbm>>
      tpu.wait_dma2 semaphore(%run_scoped3A : memref<!tpu.dma_semaphore, #tpu.memory_space<semaphore_mem>>) src(%dma_wait3A_42 : memref<79x128xi32, #tpu.memory_space<hbm>>) dst(%arg7 : memref<79x128xi32, #tpu.memory_space<vmem>>)
      tpu.yield
    }) : () -> ()
    %scan3A = arith.constant 0 : i32
    %scan3A_1 = arith.constant 0 : i32
    %scan3A_2 = arith.constant 128 : i32
    %scan3A_3 = arith.addi %scan3A_1, %scan3A_2 : i32
    %scan3A_4 = arith.constant 1 : i32
    %scan3A_5 = scf.for %scan3A_29 = %scan3A_1 to %scan3A_3 step %scan3A_4 iter_args(%scan3A_30 = %scan3A) -> (i32)  : i32 {
      %scan3A_31 = arith.constant 0 : i32
      %scan3A_32 = arith.constant 0 : i32
      %scan3A_33 = arith.constant 8 : i32
      %scan3A_34 = arith.addi %scan3A_32, %scan3A_33 : i32
      %scan3A_35 = arith.constant 1 : i32
      %scan3A_36 = scf.for %scan3A_39 = %scan3A_32 to %scan3A_34 step %scan3A_35 iter_args(%scan3A_40 = %scan3A_31) -> (i32)  : i32 {
        %broadcast_in_dim3A = arith.constant 0.000000e+00 : f32
        %broadcast_in_dim3A_41 = vector.broadcast %broadcast_in_dim3A : f32 to vector<16xf32>
        %mul3A_42 = arith.constant 16 : i32
        %mul3A_43 = arith.muli %scan3A_39, %mul3A_42 : i32
        %swap3A = arith.index_cast %scan3A_29 : i32 to index
        %swap3A_44 = arith.index_cast %mul3A_43 : i32 to index
        %swap3A_45 = tpu.vector_load %arg8[%swap3A, %swap3A_44] {strides = array<i32>} : memref<128x128xf32, #tpu.memory_space<vmem>>, vector<1x16xf32>,
        %swap3A_46 = vector.shape_cast %swap3A_45 : vector<1x16xf32> to vector<16xf32>
        %swap3A_47 = vector.shape_cast %broadcast_in_dim3A_41 : vector<16xf32> to vector<1x16xf32>
        tpu.vector_store %arg8[%swap3A, %swap3A_44], %swap3A_47 {strides = array<i32>} : memref<128x128xf32, #tpu.memory_space<vmem>>, vector<1x16xf32>,
        %scan3A_48 = arith.constant 0 : i32
        scf.yield %scan3A_48 : i32
      }
      %scan3A_37 = arith.constant 8 : i32
      %scan3A_38 = arith.constant 0 : i32
      scf.yield %scan3A_38 : i32
    }
    %scan3A_6 = arith.constant 128 : i32
    %scan3A_7 = arith.constant 0 : i32
    %scan3A_8 = arith.constant 0 : i32
    %scan3A_9 = arith.constant 5 : i32
    %scan3A_10 = arith.addi %scan3A_8, %scan3A_9 : i32
    %scan3A_11 = arith.constant 1 : i32
    %scan3A_12 = scf.for %scan3A_29 = %scan3A_8 to %scan3A_10 step %scan3A_11 iter_args(%scan3A_30 = %scan3A_7) -> (i32)  : i32 {
      %mul3A_31 = arith.constant 640 : i32
      %mul3A_32 = arith.muli %arg1, %mul3A_31 : i32
      %mul3A_33 = arith.constant 128 : i32
      %mul3A_34 = arith.muli %scan3A_29, %mul3A_33 : i32
      %add3A_35 = arith.addi %mul3A_32, %mul3A_34 : i32
      "tpu.region"() ({
        %run_scoped3A = tpu.sem_alloc : memref<!tpu.dma_semaphore, #tpu.memory_space<semaphore_mem>>
        %dma_start3A = arith.constant 0 : i32
        %dma_start3A_37 = tpu.memref_slice %arg9[%add3A_35, %dma_start3A] : memref<10240x128xf32, #tpu.memory_space<vmem_shared>> -> memref<128x128xf32, #tpu.memory_space<vmem_shared>>
        %dma_start3A_38 = arith.constant 0 : i32
        %dma_start3A_39 = tpu.memref_slice %arg9[%add3A_35, %dma_start3A_38] : memref<10240x128xf32, #tpu.memory_space<vmem_shared>> -> memref<128x128xf32, #tpu.memory_space<vmem_shared>>
        tpu.enqueue_dma source(%arg8 : memref<128x128xf32, #tpu.memory_space<vmem>>) target(%dma_start3A_39 : memref<128x128xf32, #tpu.memory_space<vmem_shared>>) target_semaphore(%run_scoped3A : memref<!tpu.dma_semaphore, #tpu.memory_space<semaphore_mem>>)
        %dma_wait3A = arith.constant 0 : i32
        %dma_wait3A_40 = tpu.memref_slice %arg9[%add3A_35, %dma_wait3A] : memref<10240x128xf32, #tpu.memory_space<vmem_shared>> -> memref<128x128xf32, #tpu.memory_space<vmem_shared>>
        %dma_wait3A_41 = arith.constant 0 : i32
        %dma_wait3A_42 = tpu.memref_slice %arg9[%add3A_35, %dma_wait3A_41] : memref<10240x128xf32, #tpu.memory_space<vmem_shared>> -> memref<128x128xf32, #tpu.memory_space<vmem_shared>>
        tpu.wait_dma2 semaphore(%run_scoped3A : memref<!tpu.dma_semaphore, #tpu.memory_space<semaphore_mem>>) src(%arg8 : memref<128x128xf32, #tpu.memory_space<vmem>>) dst(%dma_wait3A_42 : memref<128x128xf32, #tpu.memory_space<vmem_shared>>)
        tpu.yield
      }) : () -> ()
      %scan3A_36 = arith.constant 0 : i32
      scf.yield %scan3A_36 : i32
    }
    %scan3A_13 = arith.constant 5 : i32
    %barrier3A = arith.constant 0 : index
    tpu.barrier barrier_id(%barrier3A)
    %scan3A_14 = arith.constant 0 : i32
    %scan3A_15 = arith.constant 0 : i32
    %scan3A_16 = arith.constant 79 : i32
    %scan3A_17 = arith.addi %scan3A_15, %scan3A_16 : i32
    %scan3A_18 = arith.constant 1 : i32
    %scan3A_19 = scf.for %scan3A_29 = %scan3A_15 to %scan3A_17 step %scan3A_18 iter_args(%scan3A_30 = %scan3A_14) -> (i32)  : i32 {
      %dma_start3A = arith.constant 0 : i32
      %dma_start3A_31 = tpu.memref_slice %arg6[%scan3A_29, %dma_start3A] : memref<79x128xi32, #tpu.memory_space<vmem>> -> memref<1x128xi32, #tpu.memory_space<vmem>>
      %dma_start3A_32 = tpu.memref_squeeze %dma_start3A_31 : memref<1x128xi32, #tpu.memory_space<vmem>> -> memref<128xi32, #tpu.memory_space<vmem>>
      %dma_start3A_33 = arith.constant 0 : i32
      %dma_start3A_34 = arith.constant 0 : i32
      %dma_start3A_35 = tpu.memref_slice %arg2[%dma_start3A_33, %dma_start3A_34] : memref<10240x128xf32, #tpu.memory_space<hbm>> -> memref<10240x128xf32, #tpu.memory_space<hbm>>
      tpu.enqueue_indirect_dma source(%dma_start3A_35 : memref<10240x128xf32, #tpu.memory_space<hbm>>) target(%arg8 : memref<128x128xf32, #tpu.memory_space<vmem>>) offsets(%dma_start3A_32 : memref<128xi32, #tpu.memory_space<vmem>>) semaphore(%arg10 : memref<!tpu.dma_semaphore, #tpu.memory_space<semaphore_mem>>)
      %dma_wait3A = arith.constant 0 : i32
      %dma_wait3A_36 = tpu.memref_slice %arg6[%scan3A_29, %dma_wait3A] : memref<79x128xi32, #tpu.memory_space<vmem>> -> memref<1x128xi32, #tpu.memory_space<vmem>>
      %dma_wait3A_37 = tpu.memref_squeeze %dma_wait3A_36 : memref<1x128xi32, #tpu.memory_space<vmem>> -> memref<128xi32, #tpu.memory_space<vmem>>
      %dma_wait3A_38 = arith.constant 0 : i32
      %dma_wait3A_39 = arith.constant 0 : i32
      %dma_wait3A_40 = tpu.memref_slice %arg2[%dma_wait3A_38, %dma_wait3A_39] : memref<10240x128xf32, #tpu.memory_space<hbm>> -> memref<10240x128xf32, #tpu.memory_space<hbm>>
      tpu.wait_indirect_dma semaphore(%arg10 : memref<!tpu.dma_semaphore, #tpu.memory_space<semaphore_mem>>) src(%dma_wait3A_40 : memref<10240x128xf32, #tpu.memory_space<hbm>>) dst(%arg8 : memref<128x128xf32, #tpu.memory_space<vmem>>)
      "tpu.region"() ({
        %run_scoped3A = tpu.sem_alloc : memref<!tpu.dma_semaphore, #tpu.memory_space<semaphore_mem>>
        %dma_start3A_42 = arith.constant 0 : i32
        %dma_start3A_43 = tpu.memref_slice %arg7[%scan3A_29, %dma_start3A_42] : memref<79x128xi32, #tpu.memory_space<vmem>> -> memref<1x128xi32, #tpu.memory_space<vmem>>
        %dma_start3A_44 = tpu.memref_squeeze %dma_start3A_43 : memref<1x128xi32, #tpu.memory_space<vmem>> -> memref<128xi32, #tpu.memory_space<vmem>>
        %dma_start3A_45 = arith.constant 0 : i32
        %dma_start3A_46 = arith.constant 0 : i32
        %dma_start3A_47 = tpu.memref_slice %arg9[%dma_start3A_45, %dma_start3A_46] : memref<10240x128xf32, #tpu.memory_space<vmem_shared>> -> memref<10240x128xf32, #tpu.memory_space<vmem_shared>>
        tpu.enqueue_indirect_dma source(%arg8 : memref<128x128xf32, #tpu.memory_space<vmem>>) target(%dma_start3A_47 : memref<10240x128xf32, #tpu.memory_space<vmem_shared>>) offsets(%dma_start3A_44 : memref<128xi32, #tpu.memory_space<vmem>>) semaphore(%run_scoped3A : memref<!tpu.dma_semaphore, #tpu.memory_space<semaphore_mem>>) {add = true}
        %dma_wait3A_48 = arith.constant 0 : i32
        %dma_wait3A_49 = tpu.memref_slice %arg7[%scan3A_29, %dma_wait3A_48] : memref<79x128xi32, #tpu.memory_space<vmem>> -> memref<1x128xi32, #tpu.memory_space<vmem>>
        %dma_wait3A_50 = tpu.memref_squeeze %dma_wait3A_49 : memref<1x128xi32, #tpu.memory_space<vmem>> -> memref<128xi32, #tpu.memory_space<vmem>>
        %dma_wait3A_51 = arith.constant 0 : i32
        %dma_wait3A_52 = arith.constant 0 : i32
        %dma_wait3A_53 = tpu.memref_slice %arg9[%dma_wait3A_51, %dma_wait3A_52] : memref<10240x128xf32, #tpu.memory_space<vmem_shared>> -> memref<10240x128xf32, #tpu.memory_space<vmem_shared>>
        tpu.wait_indirect_dma semaphore(%run_scoped3A : memref<!tpu.dma_semaphore, #tpu.memory_space<semaphore_mem>>) src(%arg8 : memref<128x128xf32, #tpu.memory_space<vmem>>) dst(%dma_wait3A_53 : memref<10240x128xf32, #tpu.memory_space<vmem_shared>>)
        tpu.yield
      }) : () -> ()
      %scan3A_41 = arith.constant 0 : i32
      scf.yield %scan3A_41 : i32
    }
    %scan3A_20 = arith.constant 79 : i32
    %barrier3A_21 = arith.constant 0 : index
    tpu.barrier barrier_id(%barrier3A_21)
    %scan3A_22 = arith.constant 0 : i32
    %scan3A_23 = arith.constant 0 : i32
    %scan3A_24 = arith.constant 5 : i32
    %scan3A_25 = arith.addi %scan3A_23, %scan3A_24 : i32
    %scan3A_26 = arith.constant 1 : i32
    %scan3A_27 = scf.for %scan3A_29 = %scan3A_23 to %scan3A_25 step %scan3A_26 iter_args(%scan3A_30 = %scan3A_22) -> (i32)  : i32 {
      %mul3A_31 = arith.constant 640 : i32
      %mul3A_32 = arith.muli %arg1, %mul3A_31 : i32
      %mul3A_33 = arith.constant 128 : i32
      %mul3A_34 = arith.muli %scan3A_29, %mul3A_33 : i32
      %add3A_35 = arith.addi %mul3A_32, %mul3A_34 : i32
      "tpu.region"() ({
        %run_scoped3A = tpu.sem_alloc : memref<!tpu.dma_semaphore, #tpu.memory_space<semaphore_mem>>
        %dma_start3A = arith.constant 0 : i32
        %dma_start3A_40 = tpu.memref_slice %arg9[%add3A_35, %dma_start3A] : memref<10240x128xf32, #tpu.memory_space<vmem_shared>> -> memref<128x128xf32, #tpu.memory_space<vmem_shared>>
        %dma_start3A_41 = arith.constant 0 : i32
        %dma_start3A_42 = tpu.memref_slice %arg9[%add3A_35, %dma_start3A_41] : memref<10240x128xf32, #tpu.memory_space<vmem_shared>> -> memref<128x128xf32, #tpu.memory_space<vmem_shared>>
        tpu.enqueue_dma source(%dma_start3A_42 : memref<128x128xf32, #tpu.memory_space<vmem_shared>>) target(%arg8 : memref<128x128xf32, #tpu.memory_space<vmem>>) target_semaphore(%run_scoped3A : memref<!tpu.dma_semaphore, #tpu.memory_space<semaphore_mem>>)
        %dma_wait3A = arith.constant 0 : i32
        %dma_wait3A_43 = tpu.memref_slice %arg9[%add3A_35, %dma_wait3A] : memref<10240x128xf32, #tpu.memory_space<vmem_shared>> -> memref<128x128xf32, #tpu.memory_space<vmem_shared>>
        %dma_wait3A_44 = arith.constant 0 : i32
        %dma_wait3A_45 = tpu.memref_slice %arg9[%add3A_35, %dma_wait3A_44] : memref<10240x128xf32, #tpu.memory_space<vmem_shared>> -> memref<128x128xf32, #tpu.memory_space<vmem_shared>>
        tpu.wait_dma2 semaphore(%run_scoped3A : memref<!tpu.dma_semaphore, #tpu.memory_space<semaphore_mem>>) src(%dma_wait3A_45 : memref<128x128xf32, #tpu.memory_space<vmem_shared>>) dst(%arg8 : memref<128x128xf32, #tpu.memory_space<vmem>>)
        tpu.yield
      }) : () -> ()
      %mul3A_36 = arith.constant 10240 : i32
      %mul3A_37 = arith.muli %arg0, %mul3A_36 : i32
      %add3A_38 = arith.addi %mul3A_37, %add3A_35 : i32
      "tpu.region"() ({
        %run_scoped3A = tpu.sem_alloc : memref<!tpu.dma_semaphore, #tpu.memory_space<semaphore_mem>>
        %dma_start3A = arith.constant 0 : i32
        %dma_start3A_40 = tpu.memref_slice %arg5[%add3A_38, %dma_start3A] : memref<20480x128xf32, #tpu.memory_space<hbm>> -> memref<128x128xf32, #tpu.memory_space<hbm>>
        %dma_start3A_41 = arith.constant 0 : i32
        %dma_start3A_42 = tpu.memref_slice %arg5[%add3A_38, %dma_start3A_41] : memref<20480x128xf32, #tpu.memory_space<hbm>> -> memref<128x128xf32, #tpu.memory_space<hbm>>
        tpu.enqueue_dma source(%arg8 : memref<128x128xf32, #tpu.memory_space<vmem>>) target(%dma_start3A_42 : memref<128x128xf32, #tpu.memory_space<hbm>>) target_semaphore(%run_scoped3A : memref<!tpu.dma_semaphore, #tpu.memory_space<semaphore_mem>>)
        %dma_wait3A = arith.constant 0 : i32
        %dma_wait3A_43 = tpu.memref_slice %arg5[%add3A_38, %dma_wait3A] : memref<20480x128xf32, #tpu.memory_space<hbm>> -> memref<128x128xf32, #tpu.memory_space<hbm>>
        %dma_wait3A_44 = arith.constant 0 : i32
        %dma_wait3A_45 = tpu.memref_slice %arg5[%add3A_38, %dma_wait3A_44] : memref<20480x128xf32, #tpu.memory_space<hbm>> -> memref<128x128xf32, #tpu.memory_space<hbm>>
        tpu.wait_dma2 semaphore(%run_scoped3A : memref<!tpu.dma_semaphore, #tpu.memory_space<semaphore_mem>>) src(%arg8 : memref<128x128xf32, #tpu.memory_space<vmem>>) dst(%dma_wait3A_45 : memref<128x128xf32, #tpu.memory_space<hbm>>)
        tpu.yield
      }) : () -> ()
      %scan3A_39 = arith.constant 0 : i32
      scf.yield %scan3A_39 : i32
    }
    %scan3A_28 = arith.constant 5 : i32
    return
  }
}

#map = affine_map<(d0, d1) -> (0, 0)>
#map1 = affine_map<(d0, d1) -> (0, 0, 0)>
module attributes {stable_mosaic.version = 14 : i64} {
  func.func @_sc_decode(%arg0: i32, %arg1: i32, %arg2: memref<10240x128xf32, #tpu.memory_space<hbm>>, %arg3: memref<32x25x128xi32, #tpu.memory_space<hbm>>, %arg4: memref<32x25x128xi32, #tpu.memory_space<hbm>>, %arg5: memref<102400x16xf32, #tpu.memory_space<hbm>>, %arg6: memref<25x128xi32, #tpu.memory_space<vmem>>, %arg7: memref<25x128xi32, #tpu.memory_space<vmem>>, %arg8: memref<128x128xf32, #tpu.memory_space<vmem>>, %arg9: memref<128x128xf32, #tpu.memory_space<vmem>>, %arg10: memref<128x16xf32, #tpu.memory_space<vmem>>, %arg11: memref<!tpu.dma_semaphore, #tpu.memory_space<semaphore_mem>>, %arg12: memref<!tpu.dma_semaphore, #tpu.memory_space<semaphore_mem>>) attributes {dimension_semantics = [#tpu.dimension_semantics<core_parallel>, #tpu.dimension_semantics<subcore_parallel>], iteration_bounds = array<i64: 2, 16>, scalar_prefetch = 0 : i64, scratch_operands = 7 : i64, tpu.core_type = #tpu.core_type<sc_vector_subcore>, window_params = [{transform_indices = #map}, {transform_indices = #map1}, {transform_indices = #map1}, {transform_indices = #map}]} {
    %mul3A = arith.constant 16 : i32
    %mul3A_0 = arith.muli %arg0, %mul3A : i32
    %add3A = arith.addi %mul3A_0, %arg1 : i32
    "tpu.region"() ({
      %run_scoped3A = tpu.sem_alloc : memref<!tpu.dma_semaphore, #tpu.memory_space<semaphore_mem>>
      %dma_start3A = arith.constant 0 : i32
      %dma_start3A_9 = arith.constant 0 : i32
      %dma_start3A_10 = tpu.memref_slice %arg3[%add3A, %dma_start3A, %dma_start3A_9] : memref<32x25x128xi32, #tpu.memory_space<hbm>> -> memref<1x25x128xi32, #tpu.memory_space<hbm>>
      %dma_start3A_11 = tpu.memref_squeeze %dma_start3A_10 : memref<1x25x128xi32, #tpu.memory_space<hbm>> -> memref<25x128xi32, #tpu.memory_space<hbm>>
      %dma_start3A_12 = arith.constant 0 : i32
      %dma_start3A_13 = arith.constant 0 : i32
      %dma_start3A_14 = tpu.memref_slice %arg3[%add3A, %dma_start3A_12, %dma_start3A_13] : memref<32x25x128xi32, #tpu.memory_space<hbm>> -> memref<1x25x128xi32, #tpu.memory_space<hbm>>
      %dma_start3A_15 = tpu.memref_squeeze %dma_start3A_14 : memref<1x25x128xi32, #tpu.memory_space<hbm>> -> memref<25x128xi32, #tpu.memory_space<hbm>>
      tpu.enqueue_dma source(%dma_start3A_15 : memref<25x128xi32, #tpu.memory_space<hbm>>) target(%arg6 : memref<25x128xi32, #tpu.memory_space<vmem>>) target_semaphore(%run_scoped3A : memref<!tpu.dma_semaphore, #tpu.memory_space<semaphore_mem>>)
      %dma_wait3A = arith.constant 0 : i32
      %dma_wait3A_16 = arith.constant 0 : i32
      %dma_wait3A_17 = tpu.memref_slice %arg3[%add3A, %dma_wait3A, %dma_wait3A_16] : memref<32x25x128xi32, #tpu.memory_space<hbm>> -> memref<1x25x128xi32, #tpu.memory_space<hbm>>
      %dma_wait3A_18 = tpu.memref_squeeze %dma_wait3A_17 : memref<1x25x128xi32, #tpu.memory_space<hbm>> -> memref<25x128xi32, #tpu.memory_space<hbm>>
      %dma_wait3A_19 = arith.constant 0 : i32
      %dma_wait3A_20 = arith.constant 0 : i32
      %dma_wait3A_21 = tpu.memref_slice %arg3[%add3A, %dma_wait3A_19, %dma_wait3A_20] : memref<32x25x128xi32, #tpu.memory_space<hbm>> -> memref<1x25x128xi32, #tpu.memory_space<hbm>>
      %dma_wait3A_22 = tpu.memref_squeeze %dma_wait3A_21 : memref<1x25x128xi32, #tpu.memory_space<hbm>> -> memref<25x128xi32, #tpu.memory_space<hbm>>
      tpu.wait_dma2 semaphore(%run_scoped3A : memref<!tpu.dma_semaphore, #tpu.memory_space<semaphore_mem>>) src(%dma_wait3A_22 : memref<25x128xi32, #tpu.memory_space<hbm>>) dst(%arg6 : memref<25x128xi32, #tpu.memory_space<vmem>>)
      tpu.yield
    }) : () -> ()
    "tpu.region"() ({
      %run_scoped3A = tpu.sem_alloc : memref<!tpu.dma_semaphore, #tpu.memory_space<semaphore_mem>>
      %dma_start3A = arith.constant 0 : i32
      %dma_start3A_9 = arith.constant 0 : i32
      %dma_start3A_10 = tpu.memref_slice %arg4[%add3A, %dma_start3A, %dma_start3A_9] : memref<32x25x128xi32, #tpu.memory_space<hbm>> -> memref<1x25x128xi32, #tpu.memory_space<hbm>>
      %dma_start3A_11 = tpu.memref_squeeze %dma_start3A_10 : memref<1x25x128xi32, #tpu.memory_space<hbm>> -> memref<25x128xi32, #tpu.memory_space<hbm>>
      %dma_start3A_12 = arith.constant 0 : i32
      %dma_start3A_13 = arith.constant 0 : i32
      %dma_start3A_14 = tpu.memref_slice %arg4[%add3A, %dma_start3A_12, %dma_start3A_13] : memref<32x25x128xi32, #tpu.memory_space<hbm>> -> memref<1x25x128xi32, #tpu.memory_space<hbm>>
      %dma_start3A_15 = tpu.memref_squeeze %dma_start3A_14 : memref<1x25x128xi32, #tpu.memory_space<hbm>> -> memref<25x128xi32, #tpu.memory_space<hbm>>
      tpu.enqueue_dma source(%dma_start3A_15 : memref<25x128xi32, #tpu.memory_space<hbm>>) target(%arg7 : memref<25x128xi32, #tpu.memory_space<vmem>>) target_semaphore(%run_scoped3A : memref<!tpu.dma_semaphore, #tpu.memory_space<semaphore_mem>>)
      %dma_wait3A = arith.constant 0 : i32
      %dma_wait3A_16 = arith.constant 0 : i32
      %dma_wait3A_17 = tpu.memref_slice %arg4[%add3A, %dma_wait3A, %dma_wait3A_16] : memref<32x25x128xi32, #tpu.memory_space<hbm>> -> memref<1x25x128xi32, #tpu.memory_space<hbm>>
      %dma_wait3A_18 = tpu.memref_squeeze %dma_wait3A_17 : memref<1x25x128xi32, #tpu.memory_space<hbm>> -> memref<25x128xi32, #tpu.memory_space<hbm>>
      %dma_wait3A_19 = arith.constant 0 : i32
      %dma_wait3A_20 = arith.constant 0 : i32
      %dma_wait3A_21 = tpu.memref_slice %arg4[%add3A, %dma_wait3A_19, %dma_wait3A_20] : memref<32x25x128xi32, #tpu.memory_space<hbm>> -> memref<1x25x128xi32, #tpu.memory_space<hbm>>
      %dma_wait3A_22 = tpu.memref_squeeze %dma_wait3A_21 : memref<1x25x128xi32, #tpu.memory_space<hbm>> -> memref<25x128xi32, #tpu.memory_space<hbm>>
      tpu.wait_dma2 semaphore(%run_scoped3A : memref<!tpu.dma_semaphore, #tpu.memory_space<semaphore_mem>>) src(%dma_wait3A_22 : memref<25x128xi32, #tpu.memory_space<hbm>>) dst(%arg7 : memref<25x128xi32, #tpu.memory_space<vmem>>)
      tpu.yield
    }) : () -> ()
    %mul3A_1 = arith.constant 3200 : i32
    %mul3A_2 = arith.muli %add3A, %mul3A_1 : i32
    %scan3A = arith.constant 0 : i32
    %scan3A_3 = arith.constant 0 : i32
    %scan3A_4 = arith.constant 25 : i32
    %scan3A_5 = arith.addi %scan3A_3, %scan3A_4 : i32
    %scan3A_6 = arith.constant 1 : i32
    %scan3A_7 = scf.for %scan3A_9 = %scan3A_3 to %scan3A_5 step %scan3A_6 iter_args(%scan3A_10 = %scan3A) -> (i32)  : i32 {
      %mul3A_11 = arith.constant 128 : i32
      %mul3A_12 = arith.muli %scan3A_9, %mul3A_11 : i32
      %add3A_13 = arith.addi %mul3A_2, %mul3A_12 : i32
      %dma_start3A = arith.constant 0 : i32
      %dma_start3A_14 = tpu.memref_slice %arg6[%scan3A_9, %dma_start3A] : memref<25x128xi32, #tpu.memory_space<vmem>> -> memref<1x128xi32, #tpu.memory_space<vmem>>
      %dma_start3A_15 = tpu.memref_squeeze %dma_start3A_14 : memref<1x128xi32, #tpu.memory_space<vmem>> -> memref<128xi32, #tpu.memory_space<vmem>>
      %dma_start3A_16 = arith.constant 0 : i32
      %dma_start3A_17 = arith.constant 0 : i32
      %dma_start3A_18 = tpu.memref_slice %arg2[%dma_start3A_16, %dma_start3A_17] : memref<10240x128xf32, #tpu.memory_space<hbm>> -> memref<10240x128xf32, #tpu.memory_space<hbm>>
      tpu.enqueue_indirect_dma source(%dma_start3A_18 : memref<10240x128xf32, #tpu.memory_space<hbm>>) target(%arg8 : memref<128x128xf32, #tpu.memory_space<vmem>>) offsets(%dma_start3A_15 : memref<128xi32, #tpu.memory_space<vmem>>) semaphore(%arg11 : memref<!tpu.dma_semaphore, #tpu.memory_space<semaphore_mem>>)
      %dma_start3A_19 = arith.constant 0 : i32
      %dma_start3A_20 = tpu.memref_slice %arg7[%scan3A_9, %dma_start3A_19] : memref<25x128xi32, #tpu.memory_space<vmem>> -> memref<1x128xi32, #tpu.memory_space<vmem>>
      %dma_start3A_21 = tpu.memref_squeeze %dma_start3A_20 : memref<1x128xi32, #tpu.memory_space<vmem>> -> memref<128xi32, #tpu.memory_space<vmem>>
      %dma_start3A_22 = arith.constant 0 : i32
      %dma_start3A_23 = arith.constant 0 : i32
      %dma_start3A_24 = tpu.memref_slice %arg2[%dma_start3A_22, %dma_start3A_23] : memref<10240x128xf32, #tpu.memory_space<hbm>> -> memref<10240x128xf32, #tpu.memory_space<hbm>>
      tpu.enqueue_indirect_dma source(%dma_start3A_24 : memref<10240x128xf32, #tpu.memory_space<hbm>>) target(%arg9 : memref<128x128xf32, #tpu.memory_space<vmem>>) offsets(%dma_start3A_21 : memref<128xi32, #tpu.memory_space<vmem>>) semaphore(%arg12 : memref<!tpu.dma_semaphore, #tpu.memory_space<semaphore_mem>>)
      %dma_wait3A = arith.constant 0 : i32
      %dma_wait3A_25 = tpu.memref_slice %arg6[%scan3A_9, %dma_wait3A] : memref<25x128xi32, #tpu.memory_space<vmem>> -> memref<1x128xi32, #tpu.memory_space<vmem>>
      %dma_wait3A_26 = tpu.memref_squeeze %dma_wait3A_25 : memref<1x128xi32, #tpu.memory_space<vmem>> -> memref<128xi32, #tpu.memory_space<vmem>>
      %dma_wait3A_27 = arith.constant 0 : i32
      %dma_wait3A_28 = arith.constant 0 : i32
      %dma_wait3A_29 = tpu.memref_slice %arg2[%dma_wait3A_27, %dma_wait3A_28] : memref<10240x128xf32, #tpu.memory_space<hbm>> -> memref<10240x128xf32, #tpu.memory_space<hbm>>
      tpu.wait_indirect_dma semaphore(%arg11 : memref<!tpu.dma_semaphore, #tpu.memory_space<semaphore_mem>>) src(%dma_wait3A_29 : memref<10240x128xf32, #tpu.memory_space<hbm>>) dst(%arg8 : memref<128x128xf32, #tpu.memory_space<vmem>>)
      %dma_wait3A_30 = arith.constant 0 : i32
      %dma_wait3A_31 = tpu.memref_slice %arg7[%scan3A_9, %dma_wait3A_30] : memref<25x128xi32, #tpu.memory_space<vmem>> -> memref<1x128xi32, #tpu.memory_space<vmem>>
      %dma_wait3A_32 = tpu.memref_squeeze %dma_wait3A_31 : memref<1x128xi32, #tpu.memory_space<vmem>> -> memref<128xi32, #tpu.memory_space<vmem>>
      %dma_wait3A_33 = arith.constant 0 : i32
      %dma_wait3A_34 = arith.constant 0 : i32
      %dma_wait3A_35 = tpu.memref_slice %arg2[%dma_wait3A_33, %dma_wait3A_34] : memref<10240x128xf32, #tpu.memory_space<hbm>> -> memref<10240x128xf32, #tpu.memory_space<hbm>>
      tpu.wait_indirect_dma semaphore(%arg12 : memref<!tpu.dma_semaphore, #tpu.memory_space<semaphore_mem>>) src(%dma_wait3A_35 : memref<10240x128xf32, #tpu.memory_space<hbm>>) dst(%arg9 : memref<128x128xf32, #tpu.memory_space<vmem>>)
      %scan3A_36 = arith.constant 0 : i32
      %scan3A_37 = arith.constant 0 : i32
      %scan3A_38 = arith.constant 128 : i32
      %scan3A_39 = arith.addi %scan3A_37, %scan3A_38 : i32
      %scan3A_40 = arith.constant 1 : i32
      %scan3A_41 = scf.for %scan3A_44 = %scan3A_37 to %scan3A_39 step %scan3A_40 iter_args(%scan3A_45 = %scan3A_36) -> (i32)  : i32 {
        %get3A = arith.index_cast %scan3A_44 : i32 to index
        %get3A_46 = arith.constant 0 : index
        %get3A_47 = tpu.vector_load %arg8[%get3A, %get3A_46] {strides = array<i32>} : memref<128x128xf32, #tpu.memory_space<vmem>>, vector<1x16xf32>,
        %get3A_48 = vector.shape_cast %get3A_47 : vector<1x16xf32> to vector<16xf32>
        %get3A_49 = arith.index_cast %scan3A_44 : i32 to index
        %get3A_50 = arith.constant 0 : index
        %get3A_51 = tpu.vector_load %arg9[%get3A_49, %get3A_50] {strides = array<i32>} : memref<128x128xf32, #tpu.memory_space<vmem>>, vector<1x16xf32>,
        %get3A_52 = vector.shape_cast %get3A_51 : vector<1x16xf32> to vector<16xf32>
        %mul3A_53 = arith.mulf %get3A_48, %get3A_52 : vector<16xf32>
        %get3A_54 = arith.index_cast %scan3A_44 : i32 to index
        %get3A_55 = arith.constant 16 : index
        %get3A_56 = tpu.vector_load %arg8[%get3A_54, %get3A_55] {strides = array<i32>} : memref<128x128xf32, #tpu.memory_space<vmem>>, vector<1x16xf32>,
        %get3A_57 = vector.shape_cast %get3A_56 : vector<1x16xf32> to vector<16xf32>
        %get3A_58 = arith.index_cast %scan3A_44 : i32 to index
        %get3A_59 = arith.constant 16 : index
        %get3A_60 = tpu.vector_load %arg9[%get3A_58, %get3A_59] {strides = array<i32>} : memref<128x128xf32, #tpu.memory_space<vmem>>, vector<1x16xf32>,
        %get3A_61 = vector.shape_cast %get3A_60 : vector<1x16xf32> to vector<16xf32>
        %mul3A_62 = arith.mulf %get3A_57, %get3A_61 : vector<16xf32>
        %add3A_63 = arith.addf %mul3A_53, %mul3A_62 : vector<16xf32>
        %get3A_64 = arith.index_cast %scan3A_44 : i32 to index
        %get3A_65 = arith.constant 32 : index
        %get3A_66 = tpu.vector_load %arg8[%get3A_64, %get3A_65] {strides = array<i32>} : memref<128x128xf32, #tpu.memory_space<vmem>>, vector<1x16xf32>,
        %get3A_67 = vector.shape_cast %get3A_66 : vector<1x16xf32> to vector<16xf32>
        %get3A_68 = arith.index_cast %scan3A_44 : i32 to index
        %get3A_69 = arith.constant 32 : index
        %get3A_70 = tpu.vector_load %arg9[%get3A_68, %get3A_69] {strides = array<i32>} : memref<128x128xf32, #tpu.memory_space<vmem>>, vector<1x16xf32>,
        %get3A_71 = vector.shape_cast %get3A_70 : vector<1x16xf32> to vector<16xf32>
        %mul3A_72 = arith.mulf %get3A_67, %get3A_71 : vector<16xf32>
        %add3A_73 = arith.addf %add3A_63, %mul3A_72 : vector<16xf32>
        %get3A_74 = arith.index_cast %scan3A_44 : i32 to index
        %get3A_75 = arith.constant 48 : index
        %get3A_76 = tpu.vector_load %arg8[%get3A_74, %get3A_75] {strides = array<i32>} : memref<128x128xf32, #tpu.memory_space<vmem>>, vector<1x16xf32>,
        %get3A_77 = vector.shape_cast %get3A_76 : vector<1x16xf32> to vector<16xf32>
        %get3A_78 = arith.index_cast %scan3A_44 : i32 to index
        %get3A_79 = arith.constant 48 : index
        %get3A_80 = tpu.vector_load %arg9[%get3A_78, %get3A_79] {strides = array<i32>} : memref<128x128xf32, #tpu.memory_space<vmem>>, vector<1x16xf32>,
        %get3A_81 = vector.shape_cast %get3A_80 : vector<1x16xf32> to vector<16xf32>
        %mul3A_82 = arith.mulf %get3A_77, %get3A_81 : vector<16xf32>
        %add3A_83 = arith.addf %add3A_73, %mul3A_82 : vector<16xf32>
        %get3A_84 = arith.index_cast %scan3A_44 : i32 to index
        %get3A_85 = arith.constant 64 : index
        %get3A_86 = tpu.vector_load %arg8[%get3A_84, %get3A_85] {strides = array<i32>} : memref<128x128xf32, #tpu.memory_space<vmem>>, vector<1x16xf32>,
        %get3A_87 = vector.shape_cast %get3A_86 : vector<1x16xf32> to vector<16xf32>
        %get3A_88 = arith.index_cast %scan3A_44 : i32 to index
        %get3A_89 = arith.constant 64 : index
        %get3A_90 = tpu.vector_load %arg9[%get3A_88, %get3A_89] {strides = array<i32>} : memref<128x128xf32, #tpu.memory_space<vmem>>, vector<1x16xf32>,
        %get3A_91 = vector.shape_cast %get3A_90 : vector<1x16xf32> to vector<16xf32>
        %mul3A_92 = arith.mulf %get3A_87, %get3A_91 : vector<16xf32>
        %add3A_93 = arith.addf %add3A_83, %mul3A_92 : vector<16xf32>
        %get3A_94 = arith.index_cast %scan3A_44 : i32 to index
        %get3A_95 = arith.constant 80 : index
        %get3A_96 = tpu.vector_load %arg8[%get3A_94, %get3A_95] {strides = array<i32>} : memref<128x128xf32, #tpu.memory_space<vmem>>, vector<1x16xf32>,
        %get3A_97 = vector.shape_cast %get3A_96 : vector<1x16xf32> to vector<16xf32>
        %get3A_98 = arith.index_cast %scan3A_44 : i32 to index
        %get3A_99 = arith.constant 80 : index
        %get3A_100 = tpu.vector_load %arg9[%get3A_98, %get3A_99] {strides = array<i32>} : memref<128x128xf32, #tpu.memory_space<vmem>>, vector<1x16xf32>,
        %get3A_101 = vector.shape_cast %get3A_100 : vector<1x16xf32> to vector<16xf32>
        %mul3A_102 = arith.mulf %get3A_97, %get3A_101 : vector<16xf32>
        %add3A_103 = arith.addf %add3A_93, %mul3A_102 : vector<16xf32>
        %get3A_104 = arith.index_cast %scan3A_44 : i32 to index
        %get3A_105 = arith.constant 96 : index
        %get3A_106 = tpu.vector_load %arg8[%get3A_104, %get3A_105] {strides = array<i32>} : memref<128x128xf32, #tpu.memory_space<vmem>>, vector<1x16xf32>,
        %get3A_107 = vector.shape_cast %get3A_106 : vector<1x16xf32> to vector<16xf32>
        %get3A_108 = arith.index_cast %scan3A_44 : i32 to index
        %get3A_109 = arith.constant 96 : index
        %get3A_110 = tpu.vector_load %arg9[%get3A_108, %get3A_109] {strides = array<i32>} : memref<128x128xf32, #tpu.memory_space<vmem>>, vector<1x16xf32>,
        %get3A_111 = vector.shape_cast %get3A_110 : vector<1x16xf32> to vector<16xf32>
        %mul3A_112 = arith.mulf %get3A_107, %get3A_111 : vector<16xf32>
        %add3A_113 = arith.addf %add3A_103, %mul3A_112 : vector<16xf32>
        %get3A_114 = arith.index_cast %scan3A_44 : i32 to index
        %get3A_115 = arith.constant 112 : index
        %get3A_116 = tpu.vector_load %arg8[%get3A_114, %get3A_115] {strides = array<i32>} : memref<128x128xf32, #tpu.memory_space<vmem>>, vector<1x16xf32>,
        %get3A_117 = vector.shape_cast %get3A_116 : vector<1x16xf32> to vector<16xf32>
        %get3A_118 = arith.index_cast %scan3A_44 : i32 to index
        %get3A_119 = arith.constant 112 : index
        %get3A_120 = tpu.vector_load %arg9[%get3A_118, %get3A_119] {strides = array<i32>} : memref<128x128xf32, #tpu.memory_space<vmem>>, vector<1x16xf32>,
        %get3A_121 = vector.shape_cast %get3A_120 : vector<1x16xf32> to vector<16xf32>
        %mul3A_122 = arith.mulf %get3A_117, %get3A_121 : vector<16xf32>
        %add3A_123 = arith.addf %add3A_113, %mul3A_122 : vector<16xf32>
        %swap3A = arith.index_cast %scan3A_44 : i32 to index
        %swap3A_124 = arith.constant 0 : index
        %swap3A_125 = tpu.vector_load %arg10[%swap3A, %swap3A_124] {strides = array<i32>} : memref<128x16xf32, #tpu.memory_space<vmem>>, vector<1x16xf32>,
        %swap3A_126 = vector.shape_cast %swap3A_125 : vector<1x16xf32> to vector<16xf32>
        %swap3A_127 = vector.shape_cast %add3A_123 : vector<16xf32> to vector<1x16xf32>
        tpu.vector_store %arg10[%swap3A, %swap3A_124], %swap3A_127 {strides = array<i32>} : memref<128x16xf32, #tpu.memory_space<vmem>>, vector<1x16xf32>,
        %scan3A_128 = arith.constant 0 : i32
        scf.yield %scan3A_128 : i32
      }
      %scan3A_42 = arith.constant 128 : i32
      "tpu.region"() ({
        %run_scoped3A = tpu.sem_alloc : memref<!tpu.dma_semaphore, #tpu.memory_space<semaphore_mem>>
        %dma_start3A_44 = arith.constant 0 : i32
        %dma_start3A_45 = tpu.memref_slice %arg5[%add3A_13, %dma_start3A_44] : memref<102400x16xf32, #tpu.memory_space<hbm>> -> memref<128x16xf32, #tpu.memory_space<hbm>>
        %dma_start3A_46 = arith.constant 0 : i32
        %dma_start3A_47 = tpu.memref_slice %arg5[%add3A_13, %dma_start3A_46] : memref<102400x16xf32, #tpu.memory_space<hbm>> -> memref<128x16xf32, #tpu.memory_space<hbm>>
        tpu.enqueue_dma source(%arg10 : memref<128x16xf32, #tpu.memory_space<vmem>>) target(%dma_start3A_47 : memref<128x16xf32, #tpu.memory_space<hbm>>) target_semaphore(%run_scoped3A : memref<!tpu.dma_semaphore, #tpu.memory_space<semaphore_mem>>)
        %dma_wait3A_48 = arith.constant 0 : i32
        %dma_wait3A_49 = tpu.memref_slice %arg5[%add3A_13, %dma_wait3A_48] : memref<102400x16xf32, #tpu.memory_space<hbm>> -> memref<128x16xf32, #tpu.memory_space<hbm>>
        %dma_wait3A_50 = arith.constant 0 : i32
        %dma_wait3A_51 = tpu.memref_slice %arg5[%add3A_13, %dma_wait3A_50] : memref<102400x16xf32, #tpu.memory_space<hbm>> -> memref<128x16xf32, #tpu.memory_space<hbm>>
        tpu.wait_dma2 semaphore(%run_scoped3A : memref<!tpu.dma_semaphore, #tpu.memory_space<semaphore_mem>>) src(%arg10 : memref<128x16xf32, #tpu.memory_space<vmem>>) dst(%dma_wait3A_51 : memref<128x16xf32, #tpu.memory_space<hbm>>)
        tpu.yield
      }) : () -> ()
      %scan3A_43 = arith.constant 0 : i32
      scf.yield %scan3A_43 : i32
    }
    %scan3A_8 = arith.constant 25 : i32
    return
  }
}

module attributes {stable_mosaic.version = 14 : i64} {
  func.func @_tc1_body(%arg0: i32, %arg1: memref<512x128xf32, #tpu.memory_space<vmem>>, %arg2: memref<128x128xf32, #tpu.memory_space<vmem>>, %arg3: memref<512x128xf32, #tpu.memory_space<vmem>>, %arg4: memref<512x128xf32, #tpu.memory_space<vmem>>, %arg5: memref<512x128xf32, #tpu.memory_space<vmem>>, %arg6: memref<512x128xf32, #tpu.memory_space<vmem>>) attributes {dimension_semantics = [#tpu.dimension_semantics<arbitrary>], iteration_bounds = array<i64: 20>, scalar_prefetch = 0 : i64, scratch_operands = 0 : i64, tpu.core_type = #tpu.core_type<tc>, window_params = [{transform_indices = @transform_0, window_bounds = array<i64: 512, 128>}, {pipeline_mode = #tpu.pipeline_mode<synchronous>, transform_indices = @transform_1, window_bounds = array<i64: 128, 128>}, {transform_indices = @transform_2, window_bounds = array<i64: 512, 128>}, {transform_indices = @transform_3, window_bounds = array<i64: 512, 128>}, {transform_indices = @transform_4, window_bounds = array<i64: 512, 128>}, {transform_indices = @transform_5, window_bounds = array<i64: 512, 128>}]} {
    %get3A = arith.constant 0 : index
    %get3A_0 = arith.constant 0 : index
    %get3A_1 = vector.load %arg3[%get3A, %get3A_0] : memref<512x128xf32, #tpu.memory_space<vmem>>, vector<512x1xf32>
    %get3A_2 = arith.constant 0 : index
    %get3A_3 = arith.constant 0 : index
    %get3A_4 = vector.load %arg4[%get3A_2, %get3A_3] : memref<512x128xf32, #tpu.memory_space<vmem>>, vector<512x1xf32>
    %add3A = arith.addf %get3A_1, %get3A_4 : vector<512x1xf32>
    %add3A_5 = arith.constant 1.000000e+00 : f32
    %add3A_6 = vector.broadcast %add3A_5 : f32 to vector<512x1xf32>
    %add3A_7 = arith.addf %add3A, %add3A_6 : vector<512x1xf32>
    %sqrt3A = math.sqrt %add3A_7 : vector<512x1xf32>
    %div3A = arith.constant 1.000000e+00 : f32
    %div3A_8 = vector.broadcast %div3A : f32 to vector<512x1xf32>
    %div3A_9 = arith.divf %div3A_8, %sqrt3A : vector<512x1xf32>
    %get3A_10 = arith.constant 0 : index
    %get3A_11 = arith.constant 0 : index
    %get3A_12 = vector.load %arg1[%get3A_10, %get3A_11] : memref<512x128xf32, #tpu.memory_space<vmem>>, vector<512x128xf32>
    %get3A_13 = arith.constant 0 : index
    %get3A_14 = arith.constant 0 : index
    %get3A_15 = vector.load %arg2[%get3A_13, %get3A_14] : memref<128x128xf32, #tpu.memory_space<vmem>>, vector<128x128xf32>
    %dot_general3A = arith.constant dense<0.000000e+00> : vector<512x128xf32>
    %dot_general3A_16 = tpu.matmul %get3A_12, %get3A_15, %dot_general3A {dimension_numbers = #tpu.dot_dimension_numbers<[1], [0], [0], [1], [0, 0, 1, 1], [], []>, precision = #tpu.contract_precision<fp32>, transpose_lhs_hint = false} : vector<512x128xf32>, vector<128x128xf32>, vector<512x128xf32> -> vector<512x128xf32>
    %mul3A = vector.broadcast %div3A_9 : vector<512x1xf32> to vector<512x128xf32>
    %mul3A_17 = arith.mulf %mul3A, %dot_general3A_16 : vector<512x128xf32>
    %swap3A = arith.constant 0 : index
    %swap3A_18 = arith.constant 0 : index
    %swap3A_19 = vector.load %arg5[%swap3A, %swap3A_18] : memref<512x128xf32, #tpu.memory_space<vmem>>, vector<512x128xf32>
    tpu.vector_store %arg5[%swap3A, %swap3A_18], %mul3A_17 {strides = array<i32>} : memref<512x128xf32, #tpu.memory_space<vmem>>, vector<512x128xf32>,
    %broadcast_in_dim3A = vector.shape_cast %div3A_9 : vector<512x1xf32> to vector<512x1xf32>
    %broadcast_in_dim3A_20 = vector.broadcast %broadcast_in_dim3A : vector<512x1xf32> to vector<512x128xf32>
    %swap3A_21 = arith.constant 0 : index
    %swap3A_22 = arith.constant 0 : index
    %swap3A_23 = vector.load %arg6[%swap3A_21, %swap3A_22] : memref<512x128xf32, #tpu.memory_space<vmem>>, vector<512x128xf32>
    tpu.vector_store %arg6[%swap3A_21, %swap3A_22], %broadcast_in_dim3A_20 {strides = array<i32>} : memref<512x128xf32, #tpu.memory_space<vmem>>, vector<512x128xf32>,
    return
  }
  func.func @transform_0(%arg0: i32) -> (i32, i32) {
    %c0_i32 = arith.constant 0 : i32
    %c0_i32_0 = arith.constant 0 : i32
    return %arg0, %c0_i32 : i32, i32
  }
  func.func @transform_1(%arg0: i32) -> (i32, i32) {
    %c0_i32 = arith.constant 0 : i32
    %c0_i32_0 = arith.constant 0 : i32
    %c0_i32_1 = arith.constant 0 : i32
    return %c0_i32, %c0_i32_0 : i32, i32
  }
  func.func @transform_2(%arg0: i32) -> (i32, i32) {
    %c0_i32 = arith.constant 0 : i32
    %c0_i32_0 = arith.constant 0 : i32
    return %arg0, %c0_i32 : i32, i32
  }
  func.func @transform_3(%arg0: i32) -> (i32, i32) {
    %add3A = arith.constant 20 : i32
    %add3A_0 = arith.addi %arg0, %add3A : i32
    %c0_i32 = arith.constant 0 : i32
    %c0_i32_1 = arith.constant 0 : i32
    return %add3A_0, %c0_i32 : i32, i32
  }
  func.func @transform_4(%arg0: i32) -> (i32, i32) {
    %c0_i32 = arith.constant 0 : i32
    %c0_i32_0 = arith.constant 0 : i32
    return %arg0, %c0_i32 : i32, i32
  }
  func.func @transform_5(%arg0: i32) -> (i32, i32) {
    %c0_i32 = arith.constant 0 : i32
    %c0_i32_0 = arith.constant 0 : i32
    return %arg0, %c0_i32 : i32, i32
  }
}

module attributes {stable_mosaic.version = 14 : i64} {
  func.func @_tc_mid_body(%arg0: i32, %arg1: memref<512x128xf32, #tpu.memory_space<vmem>>, %arg2: memref<512x128xf32, #tpu.memory_space<vmem>>, %arg3: memref<512x128xf32, #tpu.memory_space<vmem>>, %arg4: memref<512x128xf32, #tpu.memory_space<vmem>>, %arg5: memref<1x128xf32, #tpu.memory_space<vmem>>, %arg6: memref<128x128xf32, #tpu.memory_space<vmem>>, %arg7: memref<512x128xf32, #tpu.memory_space<vmem>>) attributes {dimension_semantics = [#tpu.dimension_semantics<arbitrary>], iteration_bounds = array<i64: 20>, scalar_prefetch = 0 : i64, scratch_operands = 0 : i64, tpu.core_type = #tpu.core_type<tc>, window_params = [{transform_indices = @transform_0, window_bounds = array<i64: 512, 128>}, {transform_indices = @transform_1, window_bounds = array<i64: 512, 128>}, {transform_indices = @transform_2, window_bounds = array<i64: 512, 128>}, {transform_indices = @transform_3, window_bounds = array<i64: 512, 128>}, {pipeline_mode = #tpu.pipeline_mode<synchronous>, transform_indices = @transform_4, window_bounds = array<i64: 1, 128>}, {pipeline_mode = #tpu.pipeline_mode<synchronous>, transform_indices = @transform_5, window_bounds = array<i64: 128, 128>}, {transform_indices = @transform_6, window_bounds = array<i64: 512, 128>}]} {
    %get3A = arith.constant 0 : index
    %get3A_0 = arith.constant 0 : index
    %get3A_1 = vector.load %arg4[%get3A, %get3A_0] : memref<512x128xf32, #tpu.memory_space<vmem>>, vector<512x128xf32>
    %get3A_2 = arith.constant 0 : index
    %get3A_3 = arith.constant 0 : index
    %get3A_4 = vector.load %arg1[%get3A_2, %get3A_3] : memref<512x128xf32, #tpu.memory_space<vmem>>, vector<512x128xf32>
    %get3A_5 = arith.constant 0 : index
    %get3A_6 = arith.constant 0 : index
    %get3A_7 = vector.load %arg2[%get3A_5, %get3A_6] : memref<512x128xf32, #tpu.memory_space<vmem>>, vector<512x128xf32>
    %add3A = arith.addf %get3A_4, %get3A_7 : vector<512x128xf32>
    %get3A_8 = arith.constant 0 : index
    %get3A_9 = arith.constant 0 : index
    %get3A_10 = vector.load %arg3[%get3A_8, %get3A_9] : memref<512x128xf32, #tpu.memory_space<vmem>>, vector<512x128xf32>
    %add3A_11 = arith.addf %add3A, %get3A_10 : vector<512x128xf32>
    %mul3A = arith.mulf %get3A_1, %add3A_11 : vector<512x128xf32>
    %get3A_12 = arith.constant 0 : index
    %get3A_13 = arith.constant 0 : index
    %get3A_14 = vector.load %arg5[%get3A_12, %get3A_13] : memref<1x128xf32, #tpu.memory_space<vmem>>, vector<1x128xf32>
    %add3A_15 = vector.broadcast %get3A_14 : vector<1x128xf32> to vector<512x128xf32>
    %add3A_16 = arith.addf %mul3A, %add3A_15 : vector<512x128xf32>
    %max3A = arith.constant 0.000000e+00 : f32
    %max3A_17 = vector.broadcast %max3A : f32 to vector<512x128xf32>
    %max3A_18 = arith.maximumf %add3A_16, %max3A_17 : vector<512x128xf32>
    %get3A_19 = arith.constant 0 : index
    %get3A_20 = arith.constant 0 : index
    %get3A_21 = vector.load %arg6[%get3A_19, %get3A_20] : memref<128x128xf32, #tpu.memory_space<vmem>>, vector<128x128xf32>
    %dot_general3A = arith.constant dense<0.000000e+00> : vector<512x128xf32>
    %dot_general3A_22 = tpu.matmul %max3A_18, %get3A_21, %dot_general3A {dimension_numbers = #tpu.dot_dimension_numbers<[1], [0], [0], [1], [0, 0, 1, 1], [], []>, precision = #tpu.contract_precision<fp32>, transpose_lhs_hint = false} : vector<512x128xf32>, vector<128x128xf32>, vector<512x128xf32> -> vector<512x128xf32>
    %mul3A_23 = arith.mulf %get3A_1, %dot_general3A_22 : vector<512x128xf32>
    %swap3A = arith.constant 0 : index
    %swap3A_24 = arith.constant 0 : index
    %swap3A_25 = vector.load %arg7[%swap3A, %swap3A_24] : memref<512x128xf32, #tpu.memory_space<vmem>>, vector<512x128xf32>
    tpu.vector_store %arg7[%swap3A, %swap3A_24], %mul3A_23 {strides = array<i32>} : memref<512x128xf32, #tpu.memory_space<vmem>>, vector<512x128xf32>,
    return
  }
  func.func @transform_0(%arg0: i32) -> (i32, i32) {
    %c0_i32 = arith.constant 0 : i32
    %c0_i32_0 = arith.constant 0 : i32
    return %arg0, %c0_i32 : i32, i32
  }
  func.func @transform_1(%arg0: i32) -> (i32, i32) {
    %add3A = arith.constant 20 : i32
    %add3A_0 = arith.addi %arg0, %add3A : i32
    %c0_i32 = arith.constant 0 : i32
    %c0_i32_1 = arith.constant 0 : i32
    return %add3A_0, %c0_i32 : i32, i32
  }
  func.func @transform_2(%arg0: i32) -> (i32, i32) {
    %c0_i32 = arith.constant 0 : i32
    %c0_i32_0 = arith.constant 0 : i32
    return %arg0, %c0_i32 : i32, i32
  }
  func.func @transform_3(%arg0: i32) -> (i32, i32) {
    %c0_i32 = arith.constant 0 : i32
    %c0_i32_0 = arith.constant 0 : i32
    return %arg0, %c0_i32 : i32, i32
  }
  func.func @transform_4(%arg0: i32) -> (i32, i32) {
    %c0_i32 = arith.constant 0 : i32
    %c0_i32_0 = arith.constant 0 : i32
    %c0_i32_1 = arith.constant 0 : i32
    return %c0_i32, %c0_i32_0 : i32, i32
  }
  func.func @transform_5(%arg0: i32) -> (i32, i32) {
    %c0_i32 = arith.constant 0 : i32
    %c0_i32_0 = arith.constant 0 : i32
    %c0_i32_1 = arith.constant 0 : i32
    return %c0_i32, %c0_i32_0 : i32, i32
  }
  func.func @transform_6(%arg0: i32) -> (i32, i32) {
    %c0_i32 = arith.constant 0 : i32
    %c0_i32_0 = arith.constant 0 : i32
    return %arg0, %c0_i32 : i32, i32
  }
}

module attributes {stable_mosaic.version = 14 : i64} {
  func.func @_tc_fin_body(%arg0: i32, %arg1: memref<512x128xf32, #tpu.memory_space<vmem>>, %arg2: memref<512x128xf32, #tpu.memory_space<vmem>>, %arg3: memref<512x128xf32, #tpu.memory_space<vmem>>, %arg4: memref<512x128xf32, #tpu.memory_space<vmem>>, %arg5: memref<1x128xf32, #tpu.memory_space<vmem>>, %arg6: memref<512x128xf32, #tpu.memory_space<vmem>>) attributes {dimension_semantics = [#tpu.dimension_semantics<arbitrary>], iteration_bounds = array<i64: 20>, scalar_prefetch = 0 : i64, scratch_operands = 0 : i64, tpu.core_type = #tpu.core_type<tc>, window_params = [{transform_indices = @transform_0, window_bounds = array<i64: 512, 128>}, {transform_indices = @transform_1, window_bounds = array<i64: 512, 128>}, {transform_indices = @transform_2, window_bounds = array<i64: 512, 128>}, {transform_indices = @transform_3, window_bounds = array<i64: 512, 128>}, {pipeline_mode = #tpu.pipeline_mode<synchronous>, transform_indices = @transform_4, window_bounds = array<i64: 1, 128>}, {transform_indices = @transform_5, window_bounds = array<i64: 512, 128>}]} {
    %get3A = arith.constant 0 : index
    %get3A_0 = arith.constant 0 : index
    %get3A_1 = vector.load %arg4[%get3A, %get3A_0] : memref<512x128xf32, #tpu.memory_space<vmem>>, vector<512x128xf32>
    %get3A_2 = arith.constant 0 : index
    %get3A_3 = arith.constant 0 : index
    %get3A_4 = vector.load %arg1[%get3A_2, %get3A_3] : memref<512x128xf32, #tpu.memory_space<vmem>>, vector<512x128xf32>
    %get3A_5 = arith.constant 0 : index
    %get3A_6 = arith.constant 0 : index
    %get3A_7 = vector.load %arg2[%get3A_5, %get3A_6] : memref<512x128xf32, #tpu.memory_space<vmem>>, vector<512x128xf32>
    %add3A = arith.addf %get3A_4, %get3A_7 : vector<512x128xf32>
    %get3A_8 = arith.constant 0 : index
    %get3A_9 = arith.constant 0 : index
    %get3A_10 = vector.load %arg3[%get3A_8, %get3A_9] : memref<512x128xf32, #tpu.memory_space<vmem>>, vector<512x128xf32>
    %add3A_11 = arith.addf %add3A, %get3A_10 : vector<512x128xf32>
    %mul3A = arith.mulf %get3A_1, %add3A_11 : vector<512x128xf32>
    %get3A_12 = arith.constant 0 : index
    %get3A_13 = arith.constant 0 : index
    %get3A_14 = vector.load %arg5[%get3A_12, %get3A_13] : memref<1x128xf32, #tpu.memory_space<vmem>>, vector<1x128xf32>
    %add3A_15 = vector.broadcast %get3A_14 : vector<1x128xf32> to vector<512x128xf32>
    %add3A_16 = arith.addf %mul3A, %add3A_15 : vector<512x128xf32>
    %swap3A = arith.constant 0 : index
    %swap3A_17 = arith.constant 0 : index
    %swap3A_18 = vector.load %arg6[%swap3A, %swap3A_17] : memref<512x128xf32, #tpu.memory_space<vmem>>, vector<512x128xf32>
    tpu.vector_store %arg6[%swap3A, %swap3A_17], %add3A_16 {strides = array<i32>} : memref<512x128xf32, #tpu.memory_space<vmem>>, vector<512x128xf32>,
    return
  }
  func.func @transform_0(%arg0: i32) -> (i32, i32) {
    %c0_i32 = arith.constant 0 : i32
    %c0_i32_0 = arith.constant 0 : i32
    return %arg0, %c0_i32 : i32, i32
  }
  func.func @transform_1(%arg0: i32) -> (i32, i32) {
    %add3A = arith.constant 20 : i32
    %add3A_0 = arith.addi %arg0, %add3A : i32
    %c0_i32 = arith.constant 0 : i32
    %c0_i32_1 = arith.constant 0 : i32
    return %add3A_0, %c0_i32 : i32, i32
  }
  func.func @transform_2(%arg0: i32) -> (i32, i32) {
    %c0_i32 = arith.constant 0 : i32
    %c0_i32_0 = arith.constant 0 : i32
    return %arg0, %c0_i32 : i32, i32
  }
  func.func @transform_3(%arg0: i32) -> (i32, i32) {
    %c0_i32 = arith.constant 0 : i32
    %c0_i32_0 = arith.constant 0 : i32
    return %arg0, %c0_i32 : i32, i32
  }
  func.func @transform_4(%arg0: i32) -> (i32, i32) {
    %c0_i32 = arith.constant 0 : i32
    %c0_i32_0 = arith.constant 0 : i32
    %c0_i32_1 = arith.constant 0 : i32
    return %c0_i32, %c0_i32_0 : i32, i32
  }
  func.func @transform_5(%arg0: i32) -> (i32, i32) {
    %c0_i32 = arith.constant 0 : i32
    %c0_i32_0 = arith.constant 0 : i32
    return %arg0, %c0_i32 : i32, i32
  }
}

module attributes {stable_mosaic.version = 14 : i64} {
  func.func @_tc_lsum_body(%arg0: i32, %arg1: memref<2048x16xf32, #tpu.memory_space<vmem>>, %arg2: memref<2048xf32, #tpu.memory_space<vmem>>) attributes {dimension_semantics = [#tpu.dimension_semantics<arbitrary>], iteration_bounds = array<i64: 50>, scalar_prefetch = 0 : i64, scratch_operands = 0 : i64, tpu.core_type = #tpu.core_type<tc>, window_params = [{transform_indices = @transform_0, window_bounds = array<i64: 2048, 16>}, {transform_indices = @transform_1, window_bounds = array<i64: 2048>}]} {
    %get3A = arith.constant 0 : index
    %get3A_0 = arith.constant 0 : index
    %get3A_1 = vector.load %arg1[%get3A, %get3A_0] : memref<2048x16xf32, #tpu.memory_space<vmem>>, vector<2048x16xf32>
    %reduce_sum3A = arith.constant dense<0.000000e+00> : vector<2048xf32>
    %reduce_sum3A_2 = vector.multi_reduction <add>, %get3A_1, %reduce_sum3A [1] : vector<2048x16xf32> to vector<2048xf32>
    %swap3A = arith.constant 0 : index
    %swap3A_3 = vector.load %arg2[%swap3A] : memref<2048xf32, #tpu.memory_space<vmem>>, vector<2048xf32>
    tpu.vector_store %arg2[%swap3A], %reduce_sum3A_2 {strides = array<i32>} : memref<2048xf32, #tpu.memory_space<vmem>>, vector<2048xf32>,
    return
  }
  func.func @transform_0(%arg0: i32) -> (i32, i32) {
    %c0_i32 = arith.constant 0 : i32
    %c0_i32_0 = arith.constant 0 : i32
    return %arg0, %c0_i32 : i32, i32
  }
  func.func @transform_1(%arg0: i32) -> i32 {
    %c0_i32 = arith.constant 0 : i32
    return %arg0 : i32
  }
}

</mosaic_0001>

<sc_bundles>
// kernel: kernel.12.cloned.1.call-start
scs
__scs_entry_jumppad:
0x0: {  	(pc) =	sbr.rel $0x88, $3  }
0x1: {  	(tag) =	ssettag $0x0;
	lr =	simm.s32 $0x1  }
0x2: {  	[smem:$0x3F98] =	sst lr;
	_ =	strace $0xD0000000  }
0x3: {  	_ = 	snop  }
0x4: {  	_ = 	snop  }
0x5: {  	_ = 	snop  }
0x6: {  	_ = 	snop  }
0x7: {  	_ = 	snop  }
__scs_overlays_trampoline_lowered:
0x8: {  	[smem:$0x3FA7] =	sst s0  }
0x9: {  	[smem:$0x3FA8] =	sst s1  }
0xa: {  	[smem:$0x3FA9] =	sst s2  }
0xb: {  	[smem:$0x3FAA] =	sst s3  }
0xc: {  	[smem:$0x3FAB] =	sst s4  }
0xd: {  	[smem:$0x3FAC] =	sst s5  }
0xe: {  	[smem:$0x3FAD] =	sst s6  }
0xf: {  	[smem:$0x3FAE] =	sst s7  }
0x10: {  	[smem:$0x3FAF] =	sst s8  }
0x11: {  	[smem:$0x3FB0] =	sst s9;
	s0 =	simm.s32 @!p0 $0x0  }
0x12: {  	s1 =	sld [smem:$0x3F96];
	s0 =	simm.s32 @p0 $0x1  }
0x13: {  	[smem:$0x3FB1] =	sst s0;
	s0 =	simm.s32 @!p1 $0x0  }
0x14: {  	s2 =	sld [smem:$0x3F95];
	s0 =	simm.s32 @p1 $0x1  }
0x15: {  	[smem:$0x3FB2] =	sst s0;
	s0 =	simm.s32 @!p2 $0x0  }
0x16: {  	s3 =	sld [smem:$0x3FDB];
	s0 =	simm.s32 @p2 $0x1  }
0x17: {  	s4 =	simm.s32 $0x1BF5;
	[smem:$0x3FB4] =	sst s0  }
0x18: {  	s0 =	sld [smem:$0x3F97];
	_ =	swait.ge [sflag:s4], $0x0  }
0x19: {  	s7 =	sld [smem:$0x3F98]  }
0x1a: {  	s8 =	sadd.s32 $0xFFFFE003, lr  }
0x1b: {  	s9 =	sadd.s32 $0xFFFFFEF7, lr;
	s5 =	simm.s32 $0xFFFFFFFF;
	p2 =	slt.u32 s8, $0xFFFFF086  }
0x1c: {  	p1 =	slt.u32 s9, $0xF7A;
	s5 =	simm.s32 @!p2 $0x0  }
0x1d: {  	s5 =	simm.s32 @p1 $0x1;
	p0 =	seq.s32 s7, s2  }
0x1e: {  	s7 =	smul.u32 @!p0 $0xF7A, s2;
	p2 =	seq.s32 @!p0 s5, $0x0  }
0x1f: {  	s9 =	smul.u32 $0xF7A, s1;
	s8 =	simm.s32 @!p0 $0x1BF5;
	p2 =	por !p2, p0  }
0x20: {  	[sflag:s8] =	ssyncset.s32 @!p0 $0xFFFFF086;
	s6 =	sadd.s32 @!p0 s3, s7;
	s7 =	simm.s32 @!p0 $0x108  }
0x21: {  	s3 =	sadd.s32 s3, s9;
	s6 =	sadd.s32 @!p0 $0x88, s6;
	s7 =	simm.s32 @p2 $0x1082  }
0x22: {  	[simem:s7], [sflag:s8] =	dma.local @!p0 [hbm:s6], $0xF7A  }
0x23: {  	s9 =	sor.u32 $0xD0000000, s2;
	s6 =	simm.s32 $0x108;
	_ =	swait.ge @!p0 [sflag:s8], $0x0  }
0x24: {  	s3 =	sadd.s32 $0x88, s3;
	s6 =	simm.s32 @!p1 $0x1082;
	[sflag:s4] =	ssyncset.s32 $0xFFFFF086  }
0x25: {  	[simem:s6], [sflag:s4] =	dma.local [hbm:s3], $0xF7A  }
0x26: {  	[smem:$0x3F98] =	sst s1;
	(tag) =	ssettag s2;
	_ =	strace s9  }
0x27: {  	s1 =	sld [smem:$0x3FA8]  }
0x28: {  	s2 =	sld [smem:$0x3FA9]  }
0x29: {  	s4 =	sld [smem:$0x3FAB]  }
0x2a: {  	p0 =	seq.s32 s5, $0x0;
	s5 =	sld [smem:$0x3FAC]  }
0x2b: {  	s6 =	sld [smem:$0x3FAD]  }
0x2c: {  	s7 =	sld [smem:$0x3FAE]  }
0x2d: {  	s3 =	simm.s32 $0x108;
	s8 =	sld [smem:$0x3FAF]  }
0x2e: {  	s3 =	simm.s32 @!p0 $0x1082;
	s9 =	sld [smem:$0x3FB0]  }
0x2f: {  	lr =	sadd.s32 s0, s3;
	s0 =	sld [smem:$0x3FA7]  }
0x30: {  	s3 =	sld [smem:$0x3FAA]  }
0x31: {  	[smem:$0x3FB3] =	sst s10  }
0x32: {  	s10 =	sld [smem:$0x3FB1];
	_ =	sdelay $0x3  }
0x33: {  	p0 =	seq.s32 s10, $0x1;
	s10 =	sld [smem:$0x3FB3];
	_ =	sdelay $0x3  }
0x34: {  	[smem:$0x3FB3] =	sst s10  }
0x35: {  	s10 =	sld [smem:$0x3FB2];
	_ =	sdelay $0x3  }
0x36: {  	p1 =	seq.s32 s10, $0x1;
	s10 =	sld [smem:$0x3FB3];
	_ =	sdelay $0x3  }
0x37: {  	[smem:$0x3FB3] =	sst s10  }
0x38: {  	s10 =	sld [smem:$0x3FB4]  }
0x39: {  	_ = 	snop;
	(pc) =	sbr.ind lr, $3  }
0x3a: {  	_ = 	snop  }
0x3b: {  	_ = 	snop  }
0x3c: {  	p2 =	seq.s32 s10, $0x1;
	s10 =	sld [smem:$0x3FB3]  }
0x3d: {  	_ =	shalt  }
0x3e: {  	_ =	shalt  }
0x3f: {  	_ =	shalt  }
0x40: {  	_ =	shalt  }
0x41: {  	_ =	shalt  }
0x42: {  	_ =	shalt  }
0x43: {  	_ =	shalt  }
0x44: {  	_ =	shalt  }
0x45: {  	_ =	shalt  }
0x46: {  	_ =	shalt  }
0x47: {  	_ =	shalt  }
0x48: {  	_ =	shalt  }
0x49: {  	_ =	shalt  }
0x4a: {  	_ =	shalt  }
0x4b: {  	_ =	shalt  }
0x4c: {  	_ =	shalt  }
0x4d: {  	_ =	shalt  }
0x4e: {  	_ =	shalt  }
0x4f: {  	_ =	shalt  }
0x50: {  	_ =	shalt  }
0x51: {  	_ =	shalt  }
0x52: {  	_ =	shalt  }
0x53: {  	_ =	shalt  }
0x54: {  	_ =	shalt  }
0x55: {  	_ =	shalt  }
0x56: {  	_ =	shalt  }
0x57: {  	_ =	shalt  }
0x58: {  	_ =	shalt  }
0x59: {  	_ =	shalt  }
0x5a: {  	_ =	shalt  }
0x5b: {  	_ =	shalt  }
0x5c: {  	_ =	shalt  }
0x5d: {  	_ =	shalt  }
0x5e: {  	_ =	shalt  }
0x5f: {  	_ =	shalt  }
0x60: {  	_ =	shalt  }
0x61: {  	_ =	shalt  }
0x62: {  	_ =	shalt  }
0x63: {  	_ =	shalt  }
0x64: {  	_ =	shalt  }
0x65: {  	_ =	shalt  }
0x66: {  	_ =	shalt  }
0x67: {  	_ =	shalt  }
0x68: {  	_ =	shalt  }
0x69: {  	_ =	shalt  }
0x6a: {  	_ =	shalt  }
0x6b: {  	_ =	shalt  }
0x6c: {  	_ =	shalt  }
0x6d: {  	_ =	shalt  }
0x6e: {  	_ =	shalt  }
0x6f: {  	_ =	shalt  }
0x70: {  	_ =	shalt  }
0x71: {  	_ =	shalt  }
0x72: {  	_ =	shalt  }
0x73: {  	_ =	shalt  }
0x74: {  	_ =	shalt  }
0x75: {  	_ =	shalt  }
0x76: {  	_ =	shalt  }
0x77: {  	_ =	shalt  }
0x78: {  	_ =	shalt  }
0x79: {  	_ =	shalt  }
0x7a: {  	_ =	shalt  }
0x7b: {  	_ =	shalt  }
0x7c: {  	_ =	shalt  }
0x7d: {  	_ =	shalt  }
0x7e: {  	_ =	shalt  }
0x7f: {  	_ =	shalt  }
0x80: {  	_ =	shalt  }
0x81: {  	_ =	shalt  }
0x82: {  	_ =	shalt  }
0x83: {  	_ =	shalt  }
0x84: {  	_ =	shalt  }
0x85: {  	_ =	shalt  }
0x86: {  	_ =	shalt  }
0x87: {  	_ =	shalt  }
.Lfunc_end0:
.L_simem_size_0:
called_computation_lowered:
.L_overlay_start_0:
0x88: {  	s2 =	sld [smem:$0x3FD9]  }
0x89: {  	s3 =	sld [smem:$0x3FFE];
	_ =	sdelay $0x1  }
0x8a: {  	s1 =	srdreg.scid  }
0x8b: {  	s0 =	sand.u32 $0x1, s1  }
0x8c: {  	s16 =	sshll.u32 s0, $0xA;
	s2 =	sadd.s32 s3, s2  }
0x8d: {  	s2 =	sadd.s32 s2, s16  }
0x8e: {  	[smem:$0x3FBF] =	sst s2  }
0x8f: {  	_ = 	snop  }
0x90: {  	(tm) =	ssettm $0x1  }
0x91: {  	s17 =	sld [smem:$0x3FFB];
	_ =	sdelay $0x3  }
0x92: {  	_ =	strace s17  }
0x93: {  	s2 =	sld [smem:$0x3FFC];
	_ =	sdelay $0x3  }
0x94: {  	_ =	strace s2  }
0x95: {  	s2 =	sld [smem:$0x3FFD];
	_ =	sdelay $0x3  }
0x96: {  	_ =	strace s2  }
0x97: {  	_ =	strace $0x8FFFFFFF  }
0x98: {  	s18 =	sld [smem:$0x3FDB];
	_ =	sdelay $0x1  }
0x99: {  	s19 =	simm.s32 $_scs_section_size  }
0x9a: {  	s4 =	simm.s32 $_size__tile_overlayer_lowered;
	s5 =	simm.s32 $_tile_overlayer_lowered  }
0x9b: {  	s22 =	simm.s32 $0x1BFF;
	s21 =	sshll.u32 s5, $0x1;
	s2 =	sadd.s32 s19, s18  }
0x9c: {  	s6 =	simm.s32 $0x0;
	s20 =	sshll.u32 s4, $0x1;
	s4 =	sadd.s32 s21, s2  }
0x9d: {  	[timem:s6], [sflag:s22] =	dma.local [hbm:s4], s20  }
0x9e: {  	_ =	swait.ge [sflag:s22], s20  }
0x9f: {  	s3 =	ssub.s32 $0x0, s20;
	[sflag:s22] =	ssyncset.done $0x0  }
0xa0: {  	[sflag:s22] =	ssyncadd.s32 s3;
	_ =	sdelay $0x1  }
0xa1: {  	s23 =	simm.s32 $0x1B8B  }
0xa2: {  	_ =	swait.ge [sflag:s23], $0x1  }
0xa3: {  	[sflag:s23] =	ssyncset.done $0x0  }
0xa4: {  	s25 =	simm.s32 $0x1B8E;
	s24 =	sld [smem:$0x3FFE];
	[sflag:s23] =	ssyncadd.s32 $0xFFFFFFFF  }
0xa5: {  	s26 =	simm.s32 $execute0_lowered;
	[smem:$0x3FD2] =	sst s25  }
0xa6: {  	s4 =	sshll.u32 s26, $0x1;
	_ =	strace $0x80000046;
	[dreg:$0x1] =	wrdreg $0xFFFFFFFF  }
0xa7: {  	s28 =	simm.s32 $_size_execute0_lowered;
	s2 =	sadd.s32 s2, s4;
	[dreg:$0x0] =	wrdreg $0x0  }
0xa8: {  	s4 =	sshll.u32 s28, $0x1;
	[dreg:$0x2] =	wrdreg s2  }
0xa9: {  	[dreg:$0x3] =	wrdreg s4  }
0xaa: {  	[dreg:$0x4] =	wrdreg $0xC0  }
0xab: {  	_ =	task [dreg:s6], $0x5FFFF  }
0xac: {  	[dreg:$0x1] =	wrdreg $0xFFFFFFFF  }
0xad: {  	[dreg:$0x0] =	wrdreg $0x60  }
0xae: {  	[dreg:$0x2] =	wrdreg s24  }
0xaf: {  	[dreg:$0x3] =	wrdreg $0x68000  }
0xb0: {  	[dreg:$0x4] =	wrdreg $0x9  }
0xb1: {  	_ =	task.clear_ibuf [dreg:s6], $0x5FFFF;
	_ =	strace $0x90000046  }
0xb2: {  	s29 =	simm.s32 $0x9;
	_ =	strace $0x80000048  }
0xb3: {  	_ =	swait.ge [sflag:s29], $0x1  }
0xb4: {  	[sflag:s29] =	ssyncadd.s32 $0xFFFFFFFF  }
0xb5: {  	_ =	strace $0x90000048  }
0xb6: {  	_ =	sfence  }
0xb7: {  	s30 =	sld [smem:$0x0];
	_ =	sdelay $0x2  }
0xb8: {  	s31 =	sshll.u32 s1, $0xD;
	s1 =	sshrl.u32 s1, $0x2  }
0xb9: {  	s3 =	sand.u32 $0x4000, s31;
	s1 =	sadd.s32 s1, s30  }
0xba: {  	s0 =	sor.u32 s3, s0;
	s1 =	sshll.u32 s1, $0x11  }
0xbb: {  	s0 =	sor.u32 s1, s0  }
0xbc: {  	s0 =	sadd.s32 $0x8F2B, s0  }
0xbd: {  	[sflag:s0] =	ssyncadd.remote.s32 $0x1  }
0xbe: {  	_ =	sfence.sel $0xFFFF  }
0xbf: {  	[dreg:$0x0] =	wrdreg $0xFFFFFFFF;
	(pc) =	sbr.abs _section_cstart, $3  }
0xc0: {  	[dreg:$0x1] =	wrdreg $0xFFFFFFFF  }
0xc1: {  	_ =	task.clear_ibuf [dreg:s6], $0x2FFFF;
	_ =	strace $0x9FFFFFFF  }
0xc2: {  	(tm) =	ssettm $0x7FFFFFFF  }
0xc3: {  	_ =	shalt  }
tec
execute0_lowered:
.L_overlay_start_1:
0x0: {  	(tag) =	ssettag $0x1  }
0x1: {  	s0 =	srdreg.scid;
	s5 =	rddreg [dreg:$0x0]  }
0x2: {  	s2 =	rddreg [dreg:$0x1];
	s3 =	simm.s32 $0x0;
	s22 =	simm.s32 $0x80  }
0x3: {  	s23 =	simm.s32 $0x0;
	s4 =	sand.u32 $0x1, s0;
	s0 =	stileid.u32  }
0x4: {  	[smem:$0x7FF] =	sst s3;
	s19 =	sadd.s32 $0xD000, s5;
	s7 =	smul.u32 $0x50000, s0  }
0x5: {  	s1 =	sshll.u32 s4, $0x4;
	s25 =	ssub.s32 $0x2, s4;
	s16 =	smul.u32 $0x280, s0  }
0x6: {  	s17 =	smul.u32 $0x2800, s4;
	s6 =	sor.u32 s0, s1;
	s1 =	rddreg [dreg:$0x2]  }
0x7: {  	_ =	strace $0x80000047;
	s8 =	sshrl.u32 s25, $0x1;
	s6 =	smul.u32 $0x500, s6  }
0x8: {  	s7 =	sshrl.u32 s7, $0x2;
	s8 =	ssub.s32 s25, s8;
	s10 =	sadd.s32 s17, s16  }
0x9: {  	s12 =	sadd.s32 $0x80, s16;
	s15 =	sadd.s32 $0x100, s16;
	s29 =	sadd.s32 $0x180, s16  }
0xa: {  	s21 =	sadd.s32 $0x200, s16;
	s11 =	sshll.u32 s10, $0x4;
	s13 =	sshll.u32 s12, $0x7  }
0xb: {  	s14 =	sadd.s32 s17, s12;
	s28 =	sadd.s32 s17, s15;
	s15 =	sshll.u32 s15, $0x7  }
0xc: {  	s20 =	sshll.u32 s29, $0x7;
	s30 =	sadd.s32 s17, s21;
	s31 =	sshll.u32 s21, $0x7  }
0xd: {  	s21 =	simm.s32 $0x2800;
	s6 =	sadd.s32 s6, s5;
	s5 =	sadd.s32 s7, s2  }
0xe: {  	s11 =	sadd.s32 s19, s11;
	s12 =	sadd.s32 s13, s2;
	s26 =	sshll.u32 s14, $0x4  }
0xf: {  	s18 =	sshll.u32 s28, $0x4;
	s14 =	sadd.s32 s15, s2;
	s16 =	sadd.s32 s20, s2  }
0x10: {  	s20 =	sshll.u32 s30, $0x4;
	s4 =	sadd.s32 $0x3000, s6;
	s6 =	smax.u32 s8, $0x1  }
0x11: {  	s7 =	sadd.s32 $0x4000, s5;
	s15 =	sadd.s32 s19, s18;
	s18 =	sadd.s32 s17, s29  }
0x12: {  	s8 =	sadd.s32 $0x8000, s5;
	s9 =	sadd.s32 $0xC000, s5;
	s18 =	sshll.u32 s18, $0x4  }
0x13: {  	s10 =	sadd.s32 $0x10000, s5;
	s13 =	sadd.s32 s19, s26;
	s17 =	sadd.s32 s19, s18  }
0x14: {  	v0 =	vimm.f32 $0.0e+00;
	v1 =	vimm.f32 $1.000000000e+00;
	s18 =	sadd.s32 s31, s2;
	s19 =	sadd.s32 s19, s20;
	s20 =	simm.s32 $0x1  }
.LBB2_1:
0x15: {  	[tilespmem:s3], [sflag:$0x1] =	stream.linear.gather [hbm4b:s4+s3], $0x2780, $0x38;
	[tilespmem:$0x1A800] =	vst v63  }
0x16: {  	_ =	swait.ge [sflag:s20], $0x2780  }
0x17: {  	[sflag:s20] =	ssyncset.done $0x0  }
0x18: {  	s24 =	simm.s32 $0x0;
	s25 =	simm.s32 $0x200;
	[sflag:s20] =	ssyncadd.s32 $0xFFFFD880  }
.LBB2_2:
0x19: {  	p0 =	sne.s32 s25, $0xFE00;
	[tilespmem:s24+$0x2870] =	vst v0  }
0x1a: {  	[tilespmem:s24+$0x2800] =	vst v0  }
0x1b: {  	[tilespmem:s24+$0x2810] =	vst v0  }
.Ltmp0:
0x1c: {  	[tilespmem:s24+$0x2820] =	vst v0;
	(pc) =	sbr.rel @p0 .LBB2_2-.Ltmp0, $4  }
0x1d: {  	[tilespmem:s24+$0x2830] =	vst v0  }
0x1e: {  	[tilespmem:s24+$0x2840] =	vst v0  }
0x1f: {  	[tilespmem:s24+$0x2850] =	vst v0  }
0x20: {  	[tilespmem:s24+$0x2860] =	vst v0;
	s24 =	sshra.s32 s25, $0x2;
	s25 =	sadd.s32 $0x200, s25  }
0x21: {  	[tilespmem:s24+$0x2870] =	vst v0  }
0x22: {  	[tilespmem:s24+$0x2800] =	vst v0  }
0x23: {  	[tilespmem:s24+$0x2810] =	vst v0  }
0x24: {  	[tilespmem:s24+$0x2820] =	vst v0  }
0x25: {  	[tilespmem:s24+$0x2830] =	vst v0  }
0x26: {  	[tilespmem:s24+$0x2840] =	vst v0  }
0x27: {  	[tilespmem:s24+$0x2850] =	vst v0  }
0x28: {  	[tilespmem:s24+$0x2860] =	vst v0  }
0x29: {  	[spmem:s5] =	stream.linear.scatter [tilespmem:s21], [sflag:$0x1], $0x4000, $0x38;
	[tilespmem:$0x1A800] =	vst v63  }
0x2a: {  	_ =	swait.ge [sflag:s20], $0x4000  }
0x2b: {  	[sflag:s20] =	ssyncset.done $0x0  }
0x2c: {  	[sflag:s20] =	ssyncadd.s32 $0xFFFFC000  }
0x2d: {  	[spmem:s7] =	stream.linear.scatter [tilespmem:s21], [sflag:$0x1], $0x4000, $0x38;
	[tilespmem:$0x1A800] =	vst v63  }
0x2e: {  	_ =	swait.ge [sflag:s20], $0x4000  }
0x2f: {  	[sflag:s20] =	ssyncset.done $0x0  }
0x30: {  	[sflag:s20] =	ssyncadd.s32 $0xFFFFC000  }
0x31: {  	[spmem:s8] =	stream.linear.scatter [tilespmem:s21], [sflag:$0x1], $0x4000, $0x38;
	[tilespmem:$0x1A800] =	vst v63  }
0x32: {  	_ =	swait.ge [sflag:s20], $0x4000  }
0x33: {  	[sflag:s20] =	ssyncset.done $0x0  }
0x34: {  	[sflag:s20] =	ssyncadd.s32 $0xFFFFC000  }
0x35: {  	[spmem:s9] =	stream.linear.scatter [tilespmem:s21], [sflag:$0x1], $0x4000, $0x38;
	[tilespmem:$0x1A800] =	vst v63  }
0x36: {  	_ =	swait.ge [sflag:s20], $0x4000  }
0x37: {  	[sflag:s20] =	ssyncset.done $0x0  }
0x38: {  	[sflag:s20] =	ssyncadd.s32 $0xFFFFC000  }
0x39: {  	[spmem:s10] =	stream.linear.scatter [tilespmem:s21], [sflag:$0x1], $0x4000, $0x38;
	[tilespmem:$0x1A800] =	vst v63  }
0x3a: {  	_ =	swait.ge [sflag:s20], $0x4000  }
0x3b: {  	[sflag:s20] =	ssyncset.done $0x0  }
0x3c: {  	s24 =	simm.s32 $0x0;
	s25 =	simm.s32 $0x200;
	[sflag:s20] =	ssyncadd.s32 $0xFFFFC000  }
.LBB2_4:
0x3d: {  	p0 =	sne.s32 s25, $0xFE00;
	[tilespmem:s24+$0x2870] =	vst v1  }
0x3e: {  	[tilespmem:s24+$0x2800] =	vst v1  }
0x3f: {  	[tilespmem:s24+$0x2810] =	vst v1  }
.Ltmp1:
0x40: {  	[tilespmem:s24+$0x2820] =	vst v1;
	(pc) =	sbr.rel @p0 .LBB2_4-.Ltmp1, $4  }
0x41: {  	[tilespmem:s24+$0x2830] =	vst v1  }
0x42: {  	[tilespmem:s24+$0x2840] =	vst v1  }
0x43: {  	[tilespmem:s24+$0x2850] =	vst v1  }
0x44: {  	[tilespmem:s24+$0x2860] =	vst v1;
	s24 =	sshra.s32 s25, $0x2;
	s25 =	sadd.s32 $0x200, s25  }
0x45: {  	[tilespmem:s24+$0x2870] =	vst v1  }
0x46: {  	[tilespmem:s24+$0x2800] =	vst v1  }
0x47: {  	[tilespmem:s24+$0x2810] =	vst v1  }
0x48: {  	[tilespmem:s24+$0x2820] =	vst v1  }
0x49: {  	[tilespmem:s24+$0x2830] =	vst v1  }
0x4a: {  	[tilespmem:s24+$0x2840] =	vst v1  }
0x4b: {  	[tilespmem:s24+$0x2850] =	vst v1  }
0x4c: {  	[tilespmem:s24+$0x2860] =	vst v1  }
0x4d: {  	s31 =	simm.s32 $0x0;
	[bflag:$0x0] =	sbarrier.arrive $0xFFFF  }
0x4e: {  	[spmem:s2] =	stream.indirect.scatter.add.f32 [tilespmem:s21], [sflag:$0x1], $0x80, s31, s22, $0xb8;
	[tilespmem:$0x1A800] =	vst v63  }
0x4f: {  	_ =	swait.ge [sflag:s20], $0x4000  }
0x50: {  	s24 =	simm.s32 $0x200;
	[sflag:s20] =	ssyncset.done $0x0  }
.LBB2_6:
0x51: {  	s25 =	sshra.s32 s24, $0x2;
	[sflag:s20] =	ssyncadd.s32 $0xFFFFC000;
	p0 =	sne.s32 s24, $0x9C00  }
0x52: {  	[spmem:s2] =	stream.indirect.scatter.add.f32 [tilespmem:s21], [sflag:$0x1], $0x80, s25, s22, $0xb8;
	[tilespmem:$0x1A800] =	vst v63  }
.Ltmp2:
0x53: {  	_ = 	snop;
	(pc) =	sbr.rel @p0 .LBB2_6-.Ltmp2, $4  }
0x54: {  	_ = 	snop  }
0x55: {  	s24 =	sadd.s32 $0x200, s24  }
0x56: {  	_ =	swait.ge [sflag:s20], $0x4000  }
0x57: {  	[sflag:s20] =	ssyncset.done $0x0  }
0x58: {  	[sflag:s20] =	ssyncadd.s32 $0xFFFFC000  }
0x59: {  	[bflag:$0x0] =	sbarrier.arrive $0xFFFF  }
0x5a: {  	[tilespmem:s21], [sflag:$0x1] =	stream.linear.gather [spmem:s5], $0x4000, $0x38;
	[tilespmem:$0x1A800] =	vst v63  }
0x5b: {  	_ =	swait.ge [sflag:s20], $0x4000  }
0x5c: {  	[sflag:s20] =	ssyncset.done $0x0  }
0x5d: {  	[sflag:s20] =	ssyncadd.s32 $0xFFFFC000  }
0x5e: {  	[hbm4b:s11+s3] =	stream.linear.scatter [tilespmem:s21], [sflag:$0x1], $0x4000, $0x38;
	[tilespmem:$0x1A800] =	vst v63  }
0x5f: {  	_ =	swait.ge [sflag:s20], $0x4000  }
0x60: {  	[sflag:s20] =	ssyncset.done $0x0  }
0x61: {  	[sflag:s20] =	ssyncadd.s32 $0xFFFFC000  }
0x62: {  	[tilespmem:s21], [sflag:$0x1] =	stream.linear.gather [spmem:s12], $0x4000, $0x38;
	[tilespmem:$0x1A800] =	vst v63  }
0x63: {  	_ =	swait.ge [sflag:s20], $0x4000  }
0x64: {  	[sflag:s20] =	ssyncset.done $0x0  }
0x65: {  	[sflag:s20] =	ssyncadd.s32 $0xFFFFC000  }
0x66: {  	[hbm4b:s13+s3] =	stream.linear.scatter [tilespmem:s21], [sflag:$0x1], $0x4000, $0x38;
	[tilespmem:$0x1A800] =	vst v63  }
0x67: {  	_ =	swait.ge [sflag:s20], $0x4000  }
0x68: {  	[sflag:s20] =	ssyncset.done $0x0  }
0x69: {  	[sflag:s20] =	ssyncadd.s32 $0xFFFFC000  }
0x6a: {  	[tilespmem:s21], [sflag:$0x1] =	stream.linear.gather [spmem:s14], $0x4000, $0x38;
	[tilespmem:$0x1A800] =	vst v63  }
0x6b: {  	_ =	swait.ge [sflag:s20], $0x4000  }
0x6c: {  	[sflag:s20] =	ssyncset.done $0x0  }
0x6d: {  	[sflag:s20] =	ssyncadd.s32 $0xFFFFC000  }
0x6e: {  	[hbm4b:s15+s3] =	stream.linear.scatter [tilespmem:s21], [sflag:$0x1], $0x4000, $0x38;
	[tilespmem:$0x1A800] =	vst v63  }
0x6f: {  	_ =	swait.ge [sflag:s20], $0x4000  }
0x70: {  	[sflag:s20] =	ssyncset.done $0x0  }
0x71: {  	[sflag:s20] =	ssyncadd.s32 $0xFFFFC000  }
0x72: {  	[tilespmem:s21], [sflag:$0x1] =	stream.linear.gather [spmem:s16], $0x4000, $0x38;
	[tilespmem:$0x1A800] =	vst v63  }
0x73: {  	_ =	swait.ge [sflag:s20], $0x4000  }
0x74: {  	[sflag:s20] =	ssyncset.done $0x0  }
0x75: {  	[sflag:s20] =	ssyncadd.s32 $0xFFFFC000  }
0x76: {  	[hbm4b:s17+s3] =	stream.linear.scatter [tilespmem:s21], [sflag:$0x1], $0x4000, $0x38;
	[tilespmem:$0x1A800] =	vst v63  }
0x77: {  	_ =	swait.ge [sflag:s20], $0x4000  }
0x78: {  	[sflag:s20] =	ssyncset.done $0x0  }
0x79: {  	[sflag:s20] =	ssyncadd.s32 $0xFFFFC000  }
0x7a: {  	[tilespmem:s21], [sflag:$0x1] =	stream.linear.gather [spmem:s18], $0x4000, $0x38;
	[tilespmem:$0x1A800] =	vst v63  }
0x7b: {  	s23 =	sadd.s32 $0x1, s23;
	_ =	swait.ge [sflag:s20], $0x4000  }
0x7c: {  	p0 =	sne.s32 s23, s6;
	[sflag:s20] =	ssyncset.done $0x0  }
.Ltmp3:
0x7d: {  	[sflag:s20] =	ssyncadd.s32 $0xFFFFC000;
	(pc) =	sbr.rel @p0 .LBB2_1-.Ltmp3, $4  }
0x7e: {  	[hbm4b:s19+s3] =	stream.linear.scatter [tilespmem:s21], [sflag:$0x1], $0x4000, $0x38;
	[tilespmem:$0x1A800] =	vst v63  }
0x7f: {  	_ =	swait.ge [sflag:s20], $0x4000  }
0x80: {  	[sflag:s20] =	ssyncset.done $0x0  }
0x81: {  	[sflag:s20] =	ssyncadd.s32 $0xFFFFC000  }
0x82: {  	_ =	sfence.sel $0x180000  }
0x83: {  	[bflag:$0x0] =	sbarrier.arrive $0xFFFF  }
0x84: {  	p0 =	sne.s32 s0, $0x0;
	_ =	strace $0x90000047  }
0x85: {  	s0 =	sadd.s32 @!p0 $0x100000, s1;
	[bflag:$0x2] =	sbarrier.arrive $0xFFFF  }
0x86: {  	[sflag:s0] =	ssyncadd.tile.s32 @!p0 $0x1;
	_ =	shalt  }
.Lfunc_end2:
_tile_overlayer_lowered:
.L_overlay_start_2:
0x87: {  	(tag) =	ssettag $0x2  }
0x88: {  	s0 =	rddreg [dreg:$0x0];
	s2 =	stileid.u32  }
0x89: {  	s1 =	rddreg [dreg:$0x1];
	p0 =	sne.s32 s2, $0x0  }
0x8a: {  	s3 =	rddreg [dreg:$0x2];
	[bflag:$0x3] =	sbarrier.arrive $0xFFFF;
	s2 =	simm.s32 @!p0 $0x1C01  }
0x8b: {  	[timem:s3], [sflag:s2] =	dma.local @!p0 [hbm:s0], s1  }
0x8c: {  	s0 =	simm.s32 @!p0 $0x1  }
0x8d: {  	_ =	swait.ge @!p0 [sflag:s0], s1  }
0x8e: {  	s1 =	ssub.s32 @!p0 $0x0, s1;
	[sflag:s0] =	ssyncset.done @!p0 $0x0  }
0x8f: {  	[sflag:s0] =	ssyncadd.s32 @!p0 s1  }
0x90: {  	[bflag:$0x3] =	sbarrier.arrive $0xFFFF  }
0x91: {  	_ =	shalt  }

// kernel: kernel.15.cloned.1.call-start
scs
__scs_entry_jumppad:
0x0: {  	(pc) =	sbr.rel $0x88, $3  }
0x1: {  	(tag) =	ssettag $0x0;
	lr =	simm.s32 $0x1  }
0x2: {  	[smem:$0x3F98] =	sst lr;
	_ =	strace $0xD0000000  }
0x3: {  	_ = 	snop  }
0x4: {  	_ = 	snop  }
0x5: {  	_ = 	snop  }
0x6: {  	_ = 	snop  }
0x7: {  	_ = 	snop  }
__scs_overlays_trampoline_lowered:
0x8: {  	[smem:$0x3FA7] =	sst s0  }
0x9: {  	[smem:$0x3FA8] =	sst s1  }
0xa: {  	[smem:$0x3FA9] =	sst s2  }
0xb: {  	[smem:$0x3FAA] =	sst s3  }
0xc: {  	[smem:$0x3FAB] =	sst s4  }
0xd: {  	[smem:$0x3FAC] =	sst s5  }
0xe: {  	[smem:$0x3FAD] =	sst s6  }
0xf: {  	[smem:$0x3FAE] =	sst s7  }
0x10: {  	[smem:$0x3FAF] =	sst s8  }
0x11: {  	[smem:$0x3FB0] =	sst s9;
	s0 =	simm.s32 @!p0 $0x0  }
0x12: {  	s1 =	sld [smem:$0x3F96];
	s0 =	simm.s32 @p0 $0x1  }
0x13: {  	[smem:$0x3FB1] =	sst s0;
	s0 =	simm.s32 @!p1 $0x0  }
0x14: {  	s2 =	sld [smem:$0x3F95];
	s0 =	simm.s32 @p1 $0x1  }
0x15: {  	[smem:$0x3FB2] =	sst s0;
	s0 =	simm.s32 @!p2 $0x0  }
0x16: {  	s3 =	sld [smem:$0x3FDB];
	s0 =	simm.s32 @p2 $0x1  }
0x17: {  	s4 =	simm.s32 $0x1BF5;
	[smem:$0x3FB4] =	sst s0  }
0x18: {  	s0 =	sld [smem:$0x3F97];
	_ =	swait.ge [sflag:s4], $0x0  }
0x19: {  	s7 =	sld [smem:$0x3F98]  }
0x1a: {  	s8 =	sadd.s32 $0xFFFFE003, lr  }
0x1b: {  	s9 =	sadd.s32 $0xFFFFFEF7, lr;
	s5 =	simm.s32 $0xFFFFFFFF;
	p2 =	slt.u32 s8, $0xFFFFF086  }
0x1c: {  	p1 =	slt.u32 s9, $0xF7A;
	s5 =	simm.s32 @!p2 $0x0  }
0x1d: {  	s5 =	simm.s32 @p1 $0x1;
	p0 =	seq.s32 s7, s2  }
0x1e: {  	s7 =	smul.u32 @!p0 $0xF7A, s2;
	p2 =	seq.s32 @!p0 s5, $0x0  }
0x1f: {  	s9 =	smul.u32 $0xF7A, s1;
	s8 =	simm.s32 @!p0 $0x1BF5;
	p2 =	por !p2, p0  }
0x20: {  	[sflag:s8] =	ssyncset.s32 @!p0 $0xFFFFF086;
	s6 =	sadd.s32 @!p0 s3, s7;
	s7 =	simm.s32 @!p0 $0x108  }
0x21: {  	s3 =	sadd.s32 s3, s9;
	s6 =	sadd.s32 @!p0 $0x88, s6;
	s7 =	simm.s32 @p2 $0x1082  }
0x22: {  	[simem:s7], [sflag:s8] =	dma.local @!p0 [hbm:s6], $0xF7A  }
0x23: {  	s9 =	sor.u32 $0xD0000000, s2;
	s6 =	simm.s32 $0x108;
	_ =	swait.ge @!p0 [sflag:s8], $0x0  }
0x24: {  	s3 =	sadd.s32 $0x88, s3;
	s6 =	simm.s32 @!p1 $0x1082;
	[sflag:s4] =	ssyncset.s32 $0xFFFFF086  }
0x25: {  	[simem:s6], [sflag:s4] =	dma.local [hbm:s3], $0xF7A  }
0x26: {  	[smem:$0x3F98] =	sst s1;
	(tag) =	ssettag s2;
	_ =	strace s9  }
0x27: {  	s1 =	sld [smem:$0x3FA8]  }
0x28: {  	s2 =	sld [smem:$0x3FA9]  }
0x29: {  	s4 =	sld [smem:$0x3FAB]  }
0x2a: {  	p0 =	seq.s32 s5, $0x0;
	s5 =	sld [smem:$0x3FAC]  }
0x2b: {  	s6 =	sld [smem:$0x3FAD]  }
0x2c: {  	s7 =	sld [smem:$0x3FAE]  }
0x2d: {  	s3 =	simm.s32 $0x108;
	s8 =	sld [smem:$0x3FAF]  }
0x2e: {  	s3 =	simm.s32 @!p0 $0x1082;
	s9 =	sld [smem:$0x3FB0]  }
0x2f: {  	lr =	sadd.s32 s0, s3;
	s0 =	sld [smem:$0x3FA7]  }
0x30: {  	s3 =	sld [smem:$0x3FAA]  }
0x31: {  	[smem:$0x3FB3] =	sst s10  }
0x32: {  	s10 =	sld [smem:$0x3FB1];
	_ =	sdelay $0x3  }
0x33: {  	p0 =	seq.s32 s10, $0x1;
	s10 =	sld [smem:$0x3FB3];
	_ =	sdelay $0x3  }
0x34: {  	[smem:$0x3FB3] =	sst s10  }
0x35: {  	s10 =	sld [smem:$0x3FB2];
	_ =	sdelay $0x3  }
0x36: {  	p1 =	seq.s32 s10, $0x1;
	s10 =	sld [smem:$0x3FB3];
	_ =	sdelay $0x3  }
0x37: {  	[smem:$0x3FB3] =	sst s10  }
0x38: {  	s10 =	sld [smem:$0x3FB4]  }
0x39: {  	_ = 	snop;
	(pc) =	sbr.ind lr, $3  }
0x3a: {  	_ = 	snop  }
0x3b: {  	_ = 	snop  }
0x3c: {  	p2 =	seq.s32 s10, $0x1;
	s10 =	sld [smem:$0x3FB3]  }
0x3d: {  	_ =	shalt  }
0x3e: {  	_ =	shalt  }
0x3f: {  	_ =	shalt  }
0x40: {  	_ =	shalt  }
0x41: {  	_ =	shalt  }
0x42: {  	_ =	shalt  }
0x43: {  	_ =	shalt  }
0x44: {  	_ =	shalt  }
0x45: {  	_ =	shalt  }
0x46: {  	_ =	shalt  }
0x47: {  	_ =	shalt  }
0x48: {  	_ =	shalt  }
0x49: {  	_ =	shalt  }
0x4a: {  	_ =	shalt  }
0x4b: {  	_ =	shalt  }
0x4c: {  	_ =	shalt  }
0x4d: {  	_ =	shalt  }
0x4e: {  	_ =	shalt  }
0x4f: {  	_ =	shalt  }
0x50: {  	_ =	shalt  }
0x51: {  	_ =	shalt  }
0x52: {  	_ =	shalt  }
0x53: {  	_ =	shalt  }
0x54: {  	_ =	shalt  }
0x55: {  	_ =	shalt  }
0x56: {  	_ =	shalt  }
0x57: {  	_ =	shalt  }
0x58: {  	_ =	shalt  }
0x59: {  	_ =	shalt  }
0x5a: {  	_ =	shalt  }
0x5b: {  	_ =	shalt  }
0x5c: {  	_ =	shalt  }
0x5d: {  	_ =	shalt  }
0x5e: {  	_ =	shalt  }
0x5f: {  	_ =	shalt  }
0x60: {  	_ =	shalt  }
0x61: {  	_ =	shalt  }
0x62: {  	_ =	shalt  }
0x63: {  	_ =	shalt  }
0x64: {  	_ =	shalt  }
0x65: {  	_ =	shalt  }
0x66: {  	_ =	shalt  }
0x67: {  	_ =	shalt  }
0x68: {  	_ =	shalt  }
0x69: {  	_ =	shalt  }
0x6a: {  	_ =	shalt  }
0x6b: {  	_ =	shalt  }
0x6c: {  	_ =	shalt  }
0x6d: {  	_ =	shalt  }
0x6e: {  	_ =	shalt  }
0x6f: {  	_ =	shalt  }
0x70: {  	_ =	shalt  }
0x71: {  	_ =	shalt  }
0x72: {  	_ =	shalt  }
0x73: {  	_ =	shalt  }
0x74: {  	_ =	shalt  }
0x75: {  	_ =	shalt  }
0x76: {  	_ =	shalt  }
0x77: {  	_ =	shalt  }
0x78: {  	_ =	shalt  }
0x79: {  	_ =	shalt  }
0x7a: {  	_ =	shalt  }
0x7b: {  	_ =	shalt  }
0x7c: {  	_ =	shalt  }
0x7d: {  	_ =	shalt  }
0x7e: {  	_ =	shalt  }
0x7f: {  	_ =	shalt  }
0x80: {  	_ =	shalt  }
0x81: {  	_ =	shalt  }
0x82: {  	_ =	shalt  }
0x83: {  	_ =	shalt  }
0x84: {  	_ =	shalt  }
0x85: {  	_ =	shalt  }
0x86: {  	_ =	shalt  }
0x87: {  	_ =	shalt  }
.Lfunc_end0:
.L_simem_size_0:
called_computation.1_lowered:
.L_overlay_start_0:
0x88: {  	s2 =	sld [smem:$0x3FD9]  }
0x89: {  	s3 =	sld [smem:$0x3FFE];
	_ =	sdelay $0x1  }
0x8a: {  	s1 =	srdreg.scid  }
0x8b: {  	s0 =	sand.u32 $0x1, s1  }
0x8c: {  	s16 =	sshll.u32 s0, $0xA;
	s2 =	sadd.s32 s3, s2  }
0x8d: {  	s2 =	sadd.s32 s2, s16  }
0x8e: {  	[smem:$0x3FBF] =	sst s2  }
0x8f: {  	_ = 	snop  }
0x90: {  	(tm) =	ssettm $0x1  }
0x91: {  	s17 =	sld [smem:$0x3FFB];
	_ =	sdelay $0x3  }
0x92: {  	_ =	strace s17  }
0x93: {  	s2 =	sld [smem:$0x3FFC];
	_ =	sdelay $0x3  }
0x94: {  	_ =	strace s2  }
0x95: {  	s2 =	sld [smem:$0x3FFD];
	_ =	sdelay $0x3  }
0x96: {  	_ =	strace s2  }
0x97: {  	_ =	strace $0x8FFFFFFF  }
0x98: {  	s18 =	sld [smem:$0x3FDB];
	_ =	sdelay $0x1  }
0x99: {  	s19 =	simm.s32 $_scs_section_size  }
0x9a: {  	s4 =	simm.s32 $_size__tile_overlayer_lowered;
	s5 =	simm.s32 $_tile_overlayer_lowered  }
0x9b: {  	s22 =	simm.s32 $0x1BFF;
	s21 =	sshll.u32 s5, $0x1;
	s2 =	sadd.s32 s19, s18  }
0x9c: {  	s6 =	simm.s32 $0x0;
	s20 =	sshll.u32 s4, $0x1;
	s4 =	sadd.s32 s21, s2  }
0x9d: {  	[timem:s6], [sflag:s22] =	dma.local [hbm:s4], s20  }
0x9e: {  	_ =	swait.ge [sflag:s22], s20  }
0x9f: {  	s3 =	ssub.s32 $0x0, s20;
	[sflag:s22] =	ssyncset.done $0x0  }
0xa0: {  	[sflag:s22] =	ssyncadd.s32 s3;
	_ =	sdelay $0x1  }
0xa1: {  	s23 =	simm.s32 $0x1B8B  }
0xa2: {  	_ =	swait.ge [sflag:s23], $0x1  }
0xa3: {  	[sflag:s23] =	ssyncset.done $0x0  }
0xa4: {  	s25 =	simm.s32 $0x1B8E;
	s24 =	sld [smem:$0x3FFE];
	[sflag:s23] =	ssyncadd.s32 $0xFFFFFFFF  }
0xa5: {  	s26 =	simm.s32 $execute0_lowered;
	[smem:$0x3FD2] =	sst s25  }
0xa6: {  	s4 =	sshll.u32 s26, $0x1;
	_ =	strace $0x80000049;
	[dreg:$0x1] =	wrdreg $0xFFFFFFFF  }
0xa7: {  	s28 =	simm.s32 $_size_execute0_lowered;
	s2 =	sadd.s32 s2, s4;
	[dreg:$0x0] =	wrdreg $0x0  }
0xa8: {  	s4 =	sshll.u32 s28, $0x1;
	[dreg:$0x2] =	wrdreg s2  }
0xa9: {  	[dreg:$0x3] =	wrdreg s4  }
0xaa: {  	[dreg:$0x4] =	wrdreg $0xC0  }
0xab: {  	_ =	task [dreg:s6], $0x5FFFF  }
0xac: {  	[dreg:$0x1] =	wrdreg $0xFFFFFFFF  }
0xad: {  	[dreg:$0x0] =	wrdreg $0x60  }
0xae: {  	[dreg:$0x2] =	wrdreg s24  }
0xaf: {  	[dreg:$0x3] =	wrdreg $0x90000  }
0xb0: {  	[dreg:$0x4] =	wrdreg $0x9  }
0xb1: {  	_ =	task.clear_ibuf [dreg:s6], $0x5FFFF;
	_ =	strace $0x90000049  }
0xb2: {  	s29 =	simm.s32 $0x9;
	_ =	strace $0x8000004B  }
0xb3: {  	_ =	swait.ge [sflag:s29], $0x1  }
0xb4: {  	[sflag:s29] =	ssyncadd.s32 $0xFFFFFFFF  }
0xb5: {  	_ =	strace $0x9000004B  }
0xb6: {  	_ =	sfence  }
0xb7: {  	s30 =	sld [smem:$0x0];
	_ =	sdelay $0x2  }
0xb8: {  	s31 =	sshll.u32 s1, $0xD;
	s1 =	sshrl.u32 s1, $0x2  }
0xb9: {  	s3 =	sand.u32 $0x4000, s31;
	s1 =	sadd.s32 s1, s30  }
0xba: {  	s0 =	sor.u32 s3, s0;
	s1 =	sshll.u32 s1, $0x11  }
0xbb: {  	s0 =	sor.u32 s1, s0  }
0xbc: {  	s0 =	sadd.s32 $0x8F2B, s0  }
0xbd: {  	[sflag:s0] =	ssyncadd.remote.s32 $0x1  }
0xbe: {  	_ =	sfence.sel $0xFFFF  }
0xbf: {  	[dreg:$0x0] =	wrdreg $0xFFFFFFFF;
	(pc) =	sbr.abs _section_cstart, $3  }
0xc0: {  	[dreg:$0x1] =	wrdreg $0xFFFFFFFF  }
0xc1: {  	_ =	task.clear_ibuf [dreg:s6], $0x2FFFF;
	_ =	strace $0x9FFFFFFF  }
0xc2: {  	(tm) =	ssettm $0x7FFFFFFF  }
0xc3: {  	_ =	shalt  }
tec
execute0_lowered:
.L_overlay_start_1:
0x0: {  	(tag) =	ssettag $0x1  }
0x1: {  	s5 =	rddreg [dreg:$0x0]  }
0x2: {  	s1 =	rddreg [dreg:$0x1]  }
0x3: {  	s2 =	srdreg.scid;
	s3 =	simm.s32 $0x0;
	s28 =	simm.s32 $0x0  }
0x4: {  	s7 =	sand.u32 $0x1, s2;
	s2 =	stileid.u32;
	[smem:$0x7FF] =	sst s3  }
0x5: {  	s21 =	sadd.s32 $0x67000, s5;
	s4 =	sshll.u32 s7, $0x4;
	s9 =	smul.u32 $0x50000, s2  }
0x6: {  	_ =	strace $0x8000004A;
	s8 =	ssub.s32 $0x2, s7;
	s18 =	smul.u32 $0x280, s2  }
0x7: {  	s19 =	smul.u32 $0x2800, s7;
	s4 =	sor.u32 s2, s4;
	s22 =	sshrl.u32 s8, $0x1  }
0x8: {  	s6 =	smul.u32 $0x500, s4;
	s4 =	sadd.s32 $0xD000, s5;
	s8 =	ssub.s32 s8, s22  }
0x9: {  	s23 =	sshrl.u32 s9, $0x2;
	s13 =	sadd.s32 s19, s18;
	s14 =	sadd.s32 $0x80, s18  }
0xa: {  	s25 =	sadd.s32 $0x100, s18;
	s29 =	sadd.s32 $0x180, s18;
	s8 =	smax.u32 s8, $0x1  }
0xb: {  	s13 =	sshll.u32 s13, $0x4;
	s15 =	sshll.u32 s14, $0x7;
	s16 =	sadd.s32 s19, s14  }
0xc: {  	s17 =	sshll.u32 s25, $0x7;
	s20 =	sadd.s32 s19, s25;
	s22 =	sshll.u32 s29, $0x7  }
0xd: {  	s25 =	simm.s32 $0x80;
	s10 =	sadd.s32 s6, s5;
	s6 =	sadd.s32 s23, s1  }
0xe: {  	s13 =	sadd.s32 s21, s13;
	s14 =	sadd.s32 s15, s1;
	s24 =	sshll.u32 s16, $0x4  }
0xf: {  	s16 =	sadd.s32 s17, s1;
	s26 =	sshll.u32 s20, $0x4;
	s23 =	sadd.s32 $0x200, s18  }
0x10: {  	s18 =	sadd.s32 s22, s1;
	s20 =	sadd.s32 s19, s29;
	s22 =	simm.s32 $0x2  }
0x11: {  	s5 =	sadd.s32 $0x5D000, s10;
	s7 =	sadd.s32 $0x3000, s10;
	s9 =	sadd.s32 $0x4000, s6  }
0x12: {  	s10 =	sadd.s32 $0x8000, s6;
	s11 =	sadd.s32 $0xC000, s6;
	s12 =	sadd.s32 $0x10000, s6  }
0x13: {  	s15 =	sadd.s32 s21, s24;
	s17 =	sadd.s32 s21, s26;
	s19 =	sadd.s32 s19, s23  }
0x14: {  	s20 =	sshll.u32 s20, $0x4;
	s30 =	sshll.u32 s23, $0x7;
	s23 =	simm.s32 $0x2800  }
0x15: {  	s24 =	simm.s32 $0x5000;
	s26 =	simm.s32 $0x1;
	s31 =	sshll.u32 s19, $0x4  }
0x16: {  	v0 =	vimm.f32 $0.0e+00;
	s19 =	sadd.s32 s21, s20;
	s20 =	sadd.s32 s30, s1;
	s21 =	sadd.s32 s21, s31  }
.LBB2_1:
0x17: {  	[tilespmem:s3], [sflag:$0x2] =	stream.linear.gather [hbm4b:s5+s3], $0x2780, $0x38;
	[tilespmem:$0x1D000] =	vst v63  }
0x18: {  	_ =	swait.ge [sflag:s22], $0x2780  }
0x19: {  	[sflag:s22] =	ssyncset.done $0x0  }
0x1a: {  	[sflag:s22] =	ssyncadd.s32 $0xFFFFD880  }
0x1b: {  	[tilespmem:s23], [sflag:$0x2] =	stream.linear.gather [hbm4b:s7+s3], $0x2780, $0x38;
	[tilespmem:$0x1D000] =	vst v63  }
0x1c: {  	_ =	swait.ge [sflag:s22], $0x2780  }
0x1d: {  	[sflag:s22] =	ssyncset.done $0x0  }
0x1e: {  	s29 =	simm.s32 $0x0;
	s30 =	simm.s32 $0x200;
	[sflag:s22] =	ssyncadd.s32 $0xFFFFD880  }
.LBB2_2:
0x1f: {  	p0 =	sne.s32 s30, $0xFE00;
	[tilespmem:s29+$0x5070] =	vst v0  }
0x20: {  	[tilespmem:s29+$0x5000] =	vst v0  }
0x21: {  	[tilespmem:s29+$0x5010] =	vst v0  }
.Ltmp0:
0x22: {  	[tilespmem:s29+$0x5020] =	vst v0;
	(pc) =	sbr.rel @p0 .LBB2_2-.Ltmp0, $4  }
0x23: {  	[tilespmem:s29+$0x5030] =	vst v0  }
0x24: {  	[tilespmem:s29+$0x5040] =	vst v0  }
0x25: {  	[tilespmem:s29+$0x5050] =	vst v0  }
0x26: {  	[tilespmem:s29+$0x5060] =	vst v0;
	s29 =	sshra.s32 s30, $0x2;
	s30 =	sadd.s32 $0x200, s30  }
0x27: {  	[tilespmem:s29+$0x5070] =	vst v0  }
0x28: {  	[tilespmem:s29+$0x5000] =	vst v0  }
0x29: {  	[tilespmem:s29+$0x5010] =	vst v0  }
0x2a: {  	[tilespmem:s29+$0x5020] =	vst v0  }
0x2b: {  	[tilespmem:s29+$0x5030] =	vst v0  }
0x2c: {  	[tilespmem:s29+$0x5040] =	vst v0  }
0x2d: {  	[tilespmem:s29+$0x5050] =	vst v0  }
0x2e: {  	[tilespmem:s29+$0x5060] =	vst v0  }
0x2f: {  	[spmem:s6] =	stream.linear.scatter [tilespmem:s24], [sflag:$0x2], $0x4000, $0x38;
	[tilespmem:$0x1D000] =	vst v63  }
0x30: {  	_ =	swait.ge [sflag:s22], $0x4000  }
0x31: {  	[sflag:s22] =	ssyncset.done $0x0  }
0x32: {  	[sflag:s22] =	ssyncadd.s32 $0xFFFFC000  }
0x33: {  	[spmem:s9] =	stream.linear.scatter [tilespmem:s24], [sflag:$0x2], $0x4000, $0x38;
	[tilespmem:$0x1D000] =	vst v63  }
0x34: {  	_ =	swait.ge [sflag:s22], $0x4000  }
0x35: {  	[sflag:s22] =	ssyncset.done $0x0  }
0x36: {  	[sflag:s22] =	ssyncadd.s32 $0xFFFFC000  }
0x37: {  	[spmem:s10] =	stream.linear.scatter [tilespmem:s24], [sflag:$0x2], $0x4000, $0x38;
	[tilespmem:$0x1D000] =	vst v63  }
0x38: {  	_ =	swait.ge [sflag:s22], $0x4000  }
0x39: {  	[sflag:s22] =	ssyncset.done $0x0  }
0x3a: {  	[sflag:s22] =	ssyncadd.s32 $0xFFFFC000  }
0x3b: {  	[spmem:s11] =	stream.linear.scatter [tilespmem:s24], [sflag:$0x2], $0x4000, $0x38;
	[tilespmem:$0x1D000] =	vst v63  }
0x3c: {  	_ =	swait.ge [sflag:s22], $0x4000  }
0x3d: {  	[sflag:s22] =	ssyncset.done $0x0  }
0x3e: {  	[sflag:s22] =	ssyncadd.s32 $0xFFFFC000  }
0x3f: {  	[spmem:s12] =	stream.linear.scatter [tilespmem:s24], [sflag:$0x2], $0x4000, $0x38;
	[tilespmem:$0x1D000] =	vst v63  }
0x40: {  	_ =	swait.ge [sflag:s22], $0x4000  }
0x41: {  	[sflag:s22] =	ssyncset.done $0x0  }
0x42: {  	[sflag:s22] =	ssyncadd.s32 $0xFFFFC000  }
0x43: {  	s29 =	simm.s32 $0x0;
	[bflag:$0x0] =	sbarrier.arrive $0xFFFF  }
0x44: {  	[tilespmem:s24], [sflag:$0x1] =	stream.indirect.gather [hbm4b:s4+s25], $0x80, s29, s25, $0xb8;
	[tilespmem:$0x1D000] =	vst v63  }
0x45: {  	_ =	swait.ge [sflag:s26], $0x4000  }
0x46: {  	[sflag:s26] =	ssyncset.done $0x0  }
0x47: {  	s29 =	simm.s32 $0x2800;
	[sflag:s26] =	ssyncadd.s32 $0xFFFFC000  }
0x48: {  	[spmem:s1] =	stream.indirect.scatter.add.f32 [tilespmem:s24], [sflag:$0x2], $0x80, s29, s25, $0xb8;
	[tilespmem:$0x1D000] =	vst v63  }
0x49: {  	_ =	swait.ge [sflag:s22], $0x4000  }
0x4a: {  	s30 =	simm.s32 $0x400;
	s29 =	simm.s32 $0x200;
	[sflag:s22] =	ssyncset.done $0x0  }
.LBB2_4:
0x4b: {  	s31 =	sshra.s32 s29, $0x2  }
0x4c: {  	[sflag:s22] =	ssyncadd.s32 $0xFFFFC000;
	s29 =	smov.u32 s30;
	s0 =	sadd.s32 $0x200, s30  }
0x4d: {  	[tilespmem:s24], [sflag:$0x1] =	stream.indirect.gather [hbm4b:s4+s25], $0x80, s31, s25, $0xb8;
	[tilespmem:$0x1D000] =	vst v63  }
0x4e: {  	p0 =	sne.s32 s30, $0x9C00;
	_ =	swait.ge [sflag:s26], $0x4000  }
.Ltmp1:
0x4f: {  	[sflag:s26] =	ssyncset.done $0x0;
	(pc) =	sbr.rel @p0 .LBB2_4-.Ltmp1, $4  }
0x50: {  	s30 =	sadd.s32 $0x2800, s31;
	[sflag:s26] =	ssyncadd.s32 $0xFFFFC000  }
0x51: {  	[spmem:s1] =	stream.indirect.scatter.add.f32 [tilespmem:s24], [sflag:$0x2], $0x80, s30, s25, $0xb8;
	[tilespmem:$0x1D000] =	vst v63  }
0x52: {  	_ =	swait.ge [sflag:s22], $0x4000  }
0x53: {  	s30 =	smov.u32 s0;
	[sflag:s22] =	ssyncset.done $0x0  }
0x54: {  	s0 =	sshra.s32 s29, $0x2;
	[sflag:s22] =	ssyncadd.s32 $0xFFFFC000  }
0x55: {  	[tilespmem:s24], [sflag:$0x1] =	stream.indirect.gather [hbm4b:s4+s25], $0x80, s0, s25, $0xb8;
	[tilespmem:$0x1D000] =	vst v63  }
0x56: {  	_ =	swait.ge [sflag:s26], $0x4000  }
0x57: {  	[sflag:s26] =	ssyncset.done $0x0  }
0x58: {  	s0 =	sadd.s32 $0x2800, s0;
	[sflag:s26] =	ssyncadd.s32 $0xFFFFC000  }
0x59: {  	[spmem:s1] =	stream.indirect.scatter.add.f32 [tilespmem:s24], [sflag:$0x2], $0x80, s0, s25, $0xb8;
	[tilespmem:$0x1D000] =	vst v63  }
0x5a: {  	_ =	swait.ge [sflag:s22], $0x4000  }
0x5b: {  	[sflag:s22] =	ssyncset.done $0x0  }
0x5c: {  	[sflag:s22] =	ssyncadd.s32 $0xFFFFC000  }
0x5d: {  	[bflag:$0x0] =	sbarrier.arrive $0xFFFF  }
0x5e: {  	[tilespmem:s24], [sflag:$0x2] =	stream.linear.gather [spmem:s6], $0x4000, $0x38;
	[tilespmem:$0x1D000] =	vst v63  }
0x5f: {  	_ =	swait.ge [sflag:s22], $0x4000  }
0x60: {  	[sflag:s22] =	ssyncset.done $0x0  }
0x61: {  	[sflag:s22] =	ssyncadd.s32 $0xFFFFC000  }
0x62: {  	[hbm4b:s13+s3] =	stream.linear.scatter [tilespmem:s24], [sflag:$0x2], $0x4000, $0x38;
	[tilespmem:$0x1D000] =	vst v63  }
0x63: {  	_ =	swait.ge [sflag:s22], $0x4000  }
0x64: {  	[sflag:s22] =	ssyncset.done $0x0  }
0x65: {  	[sflag:s22] =	ssyncadd.s32 $0xFFFFC000  }
0x66: {  	[tilespmem:s24], [sflag:$0x2] =	stream.linear.gather [spmem:s14], $0x4000, $0x38;
	[tilespmem:$0x1D000] =	vst v63  }
0x67: {  	_ =	swait.ge [sflag:s22], $0x4000  }
0x68: {  	[sflag:s22] =	ssyncset.done $0x0  }
0x69: {  	[sflag:s22] =	ssyncadd.s32 $0xFFFFC000  }
0x6a: {  	[hbm4b:s15+s3] =	stream.linear.scatter [tilespmem:s24], [sflag:$0x2], $0x4000, $0x38;
	[tilespmem:$0x1D000] =	vst v63  }
0x6b: {  	_ =	swait.ge [sflag:s22], $0x4000  }
0x6c: {  	[sflag:s22] =	ssyncset.done $0x0  }
0x6d: {  	[sflag:s22] =	ssyncadd.s32 $0xFFFFC000  }
0x6e: {  	[tilespmem:s24], [sflag:$0x2] =	stream.linear.gather [spmem:s16], $0x4000, $0x38;
	[tilespmem:$0x1D000] =	vst v63  }
0x6f: {  	_ =	swait.ge [sflag:s22], $0x4000  }
0x70: {  	[sflag:s22] =	ssyncset.done $0x0  }
0x71: {  	[sflag:s22] =	ssyncadd.s32 $0xFFFFC000  }
0x72: {  	[hbm4b:s17+s3] =	stream.linear.scatter [tilespmem:s24], [sflag:$0x2], $0x4000, $0x38;
	[tilespmem:$0x1D000] =	vst v63  }
0x73: {  	_ =	swait.ge [sflag:s22], $0x4000  }
0x74: {  	[sflag:s22] =	ssyncset.done $0x0  }
0x75: {  	[sflag:s22] =	ssyncadd.s32 $0xFFFFC000  }
0x76: {  	[tilespmem:s24], [sflag:$0x2] =	stream.linear.gather [spmem:s18], $0x4000, $0x38;
	[tilespmem:$0x1D000] =	vst v63  }
0x77: {  	_ =	swait.ge [sflag:s22], $0x4000  }
0x78: {  	[sflag:s22] =	ssyncset.done $0x0  }
0x79: {  	[sflag:s22] =	ssyncadd.s32 $0xFFFFC000  }
0x7a: {  	[hbm4b:s19+s3] =	stream.linear.scatter [tilespmem:s24], [sflag:$0x2], $0x4000, $0x38;
	[tilespmem:$0x1D000] =	vst v63  }
0x7b: {  	_ =	swait.ge [sflag:s22], $0x4000  }
0x7c: {  	[sflag:s22] =	ssyncset.done $0x0  }
0x7d: {  	[sflag:s22] =	ssyncadd.s32 $0xFFFFC000  }
0x7e: {  	[tilespmem:s24], [sflag:$0x2] =	stream.linear.gather [spmem:s20], $0x4000, $0x38;
	[tilespmem:$0x1D000] =	vst v63  }
0x7f: {  	s28 =	sadd.s32 $0x1, s28;
	_ =	swait.ge [sflag:s22], $0x4000  }
0x80: {  	p0 =	sne.s32 s28, s8;
	[sflag:s22] =	ssyncset.done $0x0  }
.Ltmp2:
0x81: {  	[sflag:s22] =	ssyncadd.s32 $0xFFFFC000;
	(pc) =	sbr.rel @p0 .LBB2_1-.Ltmp2, $4  }
0x82: {  	[hbm4b:s21+s3] =	stream.linear.scatter [tilespmem:s24], [sflag:$0x2], $0x4000, $0x38;
	[tilespmem:$0x1D000] =	vst v63  }
0x83: {  	_ =	swait.ge [sflag:s22], $0x4000  }
0x84: {  	[sflag:s22] =	ssyncset.done $0x0  }
0x85: {  	[sflag:s22] =	ssyncadd.s32 $0xFFFFC000  }
0x86: {  	_ =	sfence.sel $0x180000  }
0x87: {  	[bflag:$0x0] =	sbarrier.arrive $0xFFFF  }
0x88: {  	_ =	strace $0x9000004A  }
0x89: {  	[bflag:$0x2] =	sbarrier.arrive $0xFFFF  }
0x8a: {  	p0 =	sne.s32 s2, $0x0;
	s0 =	rddreg [dreg:$0x2]  }
0x8b: {  	s0 =	sadd.s32 @!p0 $0x100000, s0  }
0x8c: {  	[sflag:s0] =	ssyncadd.tile.s32 @!p0 $0x1;
	_ =	shalt  }
.Lfunc_end2:
_tile_overlayer_lowered:
.L_overlay_start_2:
0x8d: {  	(tag) =	ssettag $0x2  }
0x8e: {  	s0 =	rddreg [dreg:$0x0];
	s2 =	stileid.u32  }
0x8f: {  	s1 =	rddreg [dreg:$0x1];
	p0 =	sne.s32 s2, $0x0  }
0x90: {  	s3 =	rddreg [dreg:$0x2];
	[bflag:$0x3] =	sbarrier.arrive $0xFFFF;
	s2 =	simm.s32 @!p0 $0x1C02  }
0x91: {  	[timem:s3], [sflag:s2] =	dma.local @!p0 [hbm:s0], s1  }
0x92: {  	s0 =	simm.s32 @!p0 $0x2  }
0x93: {  	_ =	swait.ge @!p0 [sflag:s0], s1  }
0x94: {  	s1 =	ssub.s32 @!p0 $0x0, s1;
	[sflag:s0] =	ssyncset.done @!p0 $0x0  }
0x95: {  	[sflag:s0] =	ssyncadd.s32 @!p0 s1  }
0x96: {  	[bflag:$0x3] =	sbarrier.arrive $0xFFFF  }
0x97: {  	_ =	shalt  }

// kernel: kernel.18.cloned.1.call-start
scs
__scs_entry_jumppad:
0x0: {  	(pc) =	sbr.rel $0x88, $3  }
0x1: {  	(tag) =	ssettag $0x0;
	lr =	simm.s32 $0x1  }
0x2: {  	[smem:$0x3F98] =	sst lr;
	_ =	strace $0xD0000000  }
0x3: {  	_ = 	snop  }
0x4: {  	_ = 	snop  }
0x5: {  	_ = 	snop  }
0x6: {  	_ = 	snop  }
0x7: {  	_ = 	snop  }
__scs_overlays_trampoline_lowered:
0x8: {  	[smem:$0x3FA7] =	sst s0  }
0x9: {  	[smem:$0x3FA8] =	sst s1  }
0xa: {  	[smem:$0x3FA9] =	sst s2  }
0xb: {  	[smem:$0x3FAA] =	sst s3  }
0xc: {  	[smem:$0x3FAB] =	sst s4  }
0xd: {  	[smem:$0x3FAC] =	sst s5  }
0xe: {  	[smem:$0x3FAD] =	sst s6  }
0xf: {  	[smem:$0x3FAE] =	sst s7  }
0x10: {  	[smem:$0x3FAF] =	sst s8  }
0x11: {  	[smem:$0x3FB0] =	sst s9;
	s0 =	simm.s32 @!p0 $0x0  }
0x12: {  	s1 =	sld [smem:$0x3F96];
	s0 =	simm.s32 @p0 $0x1  }
0x13: {  	[smem:$0x3FB1] =	sst s0;
	s0 =	simm.s32 @!p1 $0x0  }
0x14: {  	s2 =	sld [smem:$0x3F95];
	s0 =	simm.s32 @p1 $0x1  }
0x15: {  	[smem:$0x3FB2] =	sst s0;
	s0 =	simm.s32 @!p2 $0x0  }
0x16: {  	s3 =	sld [smem:$0x3FDB];
	s0 =	simm.s32 @p2 $0x1  }
0x17: {  	s4 =	simm.s32 $0x1BF5;
	[smem:$0x3FB4] =	sst s0  }
0x18: {  	s0 =	sld [smem:$0x3F97];
	_ =	swait.ge [sflag:s4], $0x0  }
0x19: {  	s7 =	sld [smem:$0x3F98]  }
0x1a: {  	s8 =	sadd.s32 $0xFFFFE003, lr  }
0x1b: {  	s9 =	sadd.s32 $0xFFFFFEF7, lr;
	s5 =	simm.s32 $0xFFFFFFFF;
	p2 =	slt.u32 s8, $0xFFFFF086  }
0x1c: {  	p1 =	slt.u32 s9, $0xF7A;
	s5 =	simm.s32 @!p2 $0x0  }
0x1d: {  	s5 =	simm.s32 @p1 $0x1;
	p0 =	seq.s32 s7, s2  }
0x1e: {  	s7 =	smul.u32 @!p0 $0xF7A, s2;
	p2 =	seq.s32 @!p0 s5, $0x0  }
0x1f: {  	s9 =	smul.u32 $0xF7A, s1;
	s8 =	simm.s32 @!p0 $0x1BF5;
	p2 =	por !p2, p0  }
0x20: {  	[sflag:s8] =	ssyncset.s32 @!p0 $0xFFFFF086;
	s6 =	sadd.s32 @!p0 s3, s7;
	s7 =	simm.s32 @!p0 $0x108  }
0x21: {  	s3 =	sadd.s32 s3, s9;
	s6 =	sadd.s32 @!p0 $0x88, s6;
	s7 =	simm.s32 @p2 $0x1082  }
0x22: {  	[simem:s7], [sflag:s8] =	dma.local @!p0 [hbm:s6], $0xF7A  }
0x23: {  	s9 =	sor.u32 $0xD0000000, s2;
	s6 =	simm.s32 $0x108;
	_ =	swait.ge @!p0 [sflag:s8], $0x0  }
0x24: {  	s3 =	sadd.s32 $0x88, s3;
	s6 =	simm.s32 @!p1 $0x1082;
	[sflag:s4] =	ssyncset.s32 $0xFFFFF086  }
0x25: {  	[simem:s6], [sflag:s4] =	dma.local [hbm:s3], $0xF7A  }
0x26: {  	[smem:$0x3F98] =	sst s1;
	(tag) =	ssettag s2;
	_ =	strace s9  }
0x27: {  	s1 =	sld [smem:$0x3FA8]  }
0x28: {  	s2 =	sld [smem:$0x3FA9]  }
0x29: {  	s4 =	sld [smem:$0x3FAB]  }
0x2a: {  	p0 =	seq.s32 s5, $0x0;
	s5 =	sld [smem:$0x3FAC]  }
0x2b: {  	s6 =	sld [smem:$0x3FAD]  }
0x2c: {  	s7 =	sld [smem:$0x3FAE]  }
0x2d: {  	s3 =	simm.s32 $0x108;
	s8 =	sld [smem:$0x3FAF]  }
0x2e: {  	s3 =	simm.s32 @!p0 $0x1082;
	s9 =	sld [smem:$0x3FB0]  }
0x2f: {  	lr =	sadd.s32 s0, s3;
	s0 =	sld [smem:$0x3FA7]  }
0x30: {  	s3 =	sld [smem:$0x3FAA]  }
0x31: {  	[smem:$0x3FB3] =	sst s10  }
0x32: {  	s10 =	sld [smem:$0x3FB1];
	_ =	sdelay $0x3  }
0x33: {  	p0 =	seq.s32 s10, $0x1;
	s10 =	sld [smem:$0x3FB3];
	_ =	sdelay $0x3  }
0x34: {  	[smem:$0x3FB3] =	sst s10  }
0x35: {  	s10 =	sld [smem:$0x3FB2];
	_ =	sdelay $0x3  }
0x36: {  	p1 =	seq.s32 s10, $0x1;
	s10 =	sld [smem:$0x3FB3];
	_ =	sdelay $0x3  }
0x37: {  	[smem:$0x3FB3] =	sst s10  }
0x38: {  	s10 =	sld [smem:$0x3FB4]  }
0x39: {  	_ = 	snop;
	(pc) =	sbr.ind lr, $3  }
0x3a: {  	_ = 	snop  }
0x3b: {  	_ = 	snop  }
0x3c: {  	p2 =	seq.s32 s10, $0x1;
	s10 =	sld [smem:$0x3FB3]  }
0x3d: {  	_ =	shalt  }
0x3e: {  	_ =	shalt  }
0x3f: {  	_ =	shalt  }
0x40: {  	_ =	shalt  }
0x41: {  	_ =	shalt  }
0x42: {  	_ =	shalt  }
0x43: {  	_ =	shalt  }
0x44: {  	_ =	shalt  }
0x45: {  	_ =	shalt  }
0x46: {  	_ =	shalt  }
0x47: {  	_ =	shalt  }
0x48: {  	_ =	shalt  }
0x49: {  	_ =	shalt  }
0x4a: {  	_ =	shalt  }
0x4b: {  	_ =	shalt  }
0x4c: {  	_ =	shalt  }
0x4d: {  	_ =	shalt  }
0x4e: {  	_ =	shalt  }
0x4f: {  	_ =	shalt  }
0x50: {  	_ =	shalt  }
0x51: {  	_ =	shalt  }
0x52: {  	_ =	shalt  }
0x53: {  	_ =	shalt  }
0x54: {  	_ =	shalt  }
0x55: {  	_ =	shalt  }
0x56: {  	_ =	shalt  }
0x57: {  	_ =	shalt  }
0x58: {  	_ =	shalt  }
0x59: {  	_ =	shalt  }
0x5a: {  	_ =	shalt  }
0x5b: {  	_ =	shalt  }
0x5c: {  	_ =	shalt  }
0x5d: {  	_ =	shalt  }
0x5e: {  	_ =	shalt  }
0x5f: {  	_ =	shalt  }
0x60: {  	_ =	shalt  }
0x61: {  	_ =	shalt  }
0x62: {  	_ =	shalt  }
0x63: {  	_ =	shalt  }
0x64: {  	_ =	shalt  }
0x65: {  	_ =	shalt  }
0x66: {  	_ =	shalt  }
0x67: {  	_ =	shalt  }
0x68: {  	_ =	shalt  }
0x69: {  	_ =	shalt  }
0x6a: {  	_ =	shalt  }
0x6b: {  	_ =	shalt  }
0x6c: {  	_ =	shalt  }
0x6d: {  	_ =	shalt  }
0x6e: {  	_ =	shalt  }
0x6f: {  	_ =	shalt  }
0x70: {  	_ =	shalt  }
0x71: {  	_ =	shalt  }
0x72: {  	_ =	shalt  }
0x73: {  	_ =	shalt  }
0x74: {  	_ =	shalt  }
0x75: {  	_ =	shalt  }
0x76: {  	_ =	shalt  }
0x77: {  	_ =	shalt  }
0x78: {  	_ =	shalt  }
0x79: {  	_ =	shalt  }
0x7a: {  	_ =	shalt  }
0x7b: {  	_ =	shalt  }
0x7c: {  	_ =	shalt  }
0x7d: {  	_ =	shalt  }
0x7e: {  	_ =	shalt  }
0x7f: {  	_ =	shalt  }
0x80: {  	_ =	shalt  }
0x81: {  	_ =	shalt  }
0x82: {  	_ =	shalt  }
0x83: {  	_ =	shalt  }
0x84: {  	_ =	shalt  }
0x85: {  	_ =	shalt  }
0x86: {  	_ =	shalt  }
0x87: {  	_ =	shalt  }
.Lfunc_end0:
.L_simem_size_0:
called_computation.2_lowered:
.L_overlay_start_0:
0x88: {  	s2 =	sld [smem:$0x3FD9]  }
0x89: {  	s3 =	sld [smem:$0x3FFE];
	_ =	sdelay $0x1  }
0x8a: {  	s1 =	srdreg.scid  }
0x8b: {  	s0 =	sand.u32 $0x1, s1  }
0x8c: {  	s16 =	sshll.u32 s0, $0xA;
	s2 =	sadd.s32 s3, s2  }
0x8d: {  	s2 =	sadd.s32 s2, s16  }
0x8e: {  	[smem:$0x3FBF] =	sst s2  }
0x8f: {  	_ = 	snop  }
0x90: {  	(tm) =	ssettm $0x1  }
0x91: {  	s17 =	sld [smem:$0x3FFB];
	_ =	sdelay $0x3  }
0x92: {  	_ =	strace s17  }
0x93: {  	s2 =	sld [smem:$0x3FFC];
	_ =	sdelay $0x3  }
0x94: {  	_ =	strace s2  }
0x95: {  	s2 =	sld [smem:$0x3FFD];
	_ =	sdelay $0x3  }
0x96: {  	_ =	strace s2  }
0x97: {  	_ =	strace $0x8FFFFFFF  }
0x98: {  	s18 =	sld [smem:$0x3FDB];
	_ =	sdelay $0x1  }
0x99: {  	s19 =	simm.s32 $_scs_section_size  }
0x9a: {  	s4 =	simm.s32 $_size__tile_overlayer_lowered;
	s5 =	simm.s32 $_tile_overlayer_lowered  }
0x9b: {  	s22 =	simm.s32 $0x1BFF;
	s21 =	sshll.u32 s5, $0x1;
	s2 =	sadd.s32 s19, s18  }
0x9c: {  	s6 =	simm.s32 $0x0;
	s20 =	sshll.u32 s4, $0x1;
	s4 =	sadd.s32 s21, s2  }
0x9d: {  	[timem:s6], [sflag:s22] =	dma.local [hbm:s4], s20  }
0x9e: {  	_ =	swait.ge [sflag:s22], s20  }
0x9f: {  	s3 =	ssub.s32 $0x0, s20;
	[sflag:s22] =	ssyncset.done $0x0  }
0xa0: {  	[sflag:s22] =	ssyncadd.s32 s3;
	_ =	sdelay $0x1  }
0xa1: {  	s23 =	simm.s32 $0x1B8B  }
0xa2: {  	_ =	swait.ge [sflag:s23], $0x1  }
0xa3: {  	[sflag:s23] =	ssyncset.done $0x0  }
0xa4: {  	s25 =	simm.s32 $0x1B8E;
	s24 =	sld [smem:$0x3FFE];
	[sflag:s23] =	ssyncadd.s32 $0xFFFFFFFF  }
0xa5: {  	s26 =	simm.s32 $execute0_lowered;
	[smem:$0x3FD2] =	sst s25  }
0xa6: {  	s4 =	sshll.u32 s26, $0x1;
	_ =	strace $0x8000004C;
	[dreg:$0x1] =	wrdreg $0xFFFFFFFF  }
0xa7: {  	s28 =	simm.s32 $_size_execute0_lowered;
	s2 =	sadd.s32 s2, s4;
	[dreg:$0x0] =	wrdreg $0x0  }
0xa8: {  	s4 =	sshll.u32 s28, $0x1;
	[dreg:$0x2] =	wrdreg s2  }
0xa9: {  	[dreg:$0x3] =	wrdreg s4  }
0xaa: {  	[dreg:$0x4] =	wrdreg $0xC0  }
0xab: {  	_ =	task [dreg:s6], $0x5FFFF  }
0xac: {  	[dreg:$0x1] =	wrdreg $0xFFFFFFFF  }
0xad: {  	[dreg:$0x0] =	wrdreg $0x60  }
0xae: {  	[dreg:$0x2] =	wrdreg s24  }
0xaf: {  	[dreg:$0x3] =	wrdreg $0x90000  }
0xb0: {  	[dreg:$0x4] =	wrdreg $0x9  }
0xb1: {  	_ =	task.clear_ibuf [dreg:s6], $0x5FFFF;
	_ =	strace $0x9000004C  }
0xb2: {  	s29 =	simm.s32 $0x9;
	_ =	strace $0x8000004E  }
0xb3: {  	_ =	swait.ge [sflag:s29], $0x1  }
0xb4: {  	[sflag:s29] =	ssyncadd.s32 $0xFFFFFFFF  }
0xb5: {  	_ =	strace $0x9000004E  }
0xb6: {  	_ =	sfence  }
0xb7: {  	s30 =	sld [smem:$0x0];
	_ =	sdelay $0x2  }
0xb8: {  	s31 =	sshll.u32 s1, $0xD;
	s1 =	sshrl.u32 s1, $0x2  }
0xb9: {  	s3 =	sand.u32 $0x4000, s31;
	s1 =	sadd.s32 s1, s30  }
0xba: {  	s0 =	sor.u32 s3, s0;
	s1 =	sshll.u32 s1, $0x11  }
0xbb: {  	s0 =	sor.u32 s1, s0  }
0xbc: {  	s0 =	sadd.s32 $0x8F2B, s0  }
0xbd: {  	[sflag:s0] =	ssyncadd.remote.s32 $0x1  }
0xbe: {  	_ =	sfence.sel $0xFFFF  }
0xbf: {  	[dreg:$0x0] =	wrdreg $0xFFFFFFFF;
	(pc) =	sbr.abs _section_cstart, $3  }
0xc0: {  	[dreg:$0x1] =	wrdreg $0xFFFFFFFF  }
0xc1: {  	_ =	task.clear_ibuf [dreg:s6], $0x2FFFF;
	_ =	strace $0x9FFFFFFF  }
0xc2: {  	(tm) =	ssettm $0x7FFFFFFF  }
0xc3: {  	_ =	shalt  }
tec
execute0_lowered:
.L_overlay_start_1:
0x0: {  	(tag) =	ssettag $0x1  }
0x1: {  	s5 =	rddreg [dreg:$0x0]  }
0x2: {  	s1 =	rddreg [dreg:$0x1]  }
0x3: {  	s2 =	srdreg.scid;
	s3 =	simm.s32 $0x0;
	s28 =	simm.s32 $0x0  }
0x4: {  	s7 =	sand.u32 $0x1, s2;
	s2 =	stileid.u32;
	[smem:$0x7FF] =	sst s3  }
0x5: {  	s21 =	sadd.s32 $0x67000, s5;
	s4 =	sshll.u32 s7, $0x4;
	s9 =	smul.u32 $0x50000, s2  }
0x6: {  	_ =	strace $0x8000004D;
	s8 =	ssub.s32 $0x2, s7;
	s18 =	smul.u32 $0x280, s2  }
0x7: {  	s19 =	smul.u32 $0x2800, s7;
	s4 =	sor.u32 s2, s4;
	s22 =	sshrl.u32 s8, $0x1  }
0x8: {  	s6 =	smul.u32 $0x500, s4;
	s4 =	sadd.s32 $0xD000, s5;
	s8 =	ssub.s32 s8, s22  }
0x9: {  	s23 =	sshrl.u32 s9, $0x2;
	s13 =	sadd.s32 s19, s18;
	s14 =	sadd.s32 $0x80, s18  }
0xa: {  	s25 =	sadd.s32 $0x100, s18;
	s29 =	sadd.s32 $0x180, s18;
	s8 =	smax.u32 s8, $0x1  }
0xb: {  	s13 =	sshll.u32 s13, $0x4;
	s15 =	sshll.u32 s14, $0x7;
	s16 =	sadd.s32 s19, s14  }
0xc: {  	s17 =	sshll.u32 s25, $0x7;
	s20 =	sadd.s32 s19, s25;
	s22 =	sshll.u32 s29, $0x7  }
0xd: {  	s25 =	simm.s32 $0x80;
	s10 =	sadd.s32 s6, s5;
	s6 =	sadd.s32 s23, s1  }
0xe: {  	s13 =	sadd.s32 s21, s13;
	s14 =	sadd.s32 s15, s1;
	s24 =	sshll.u32 s16, $0x4  }
0xf: {  	s16 =	sadd.s32 s17, s1;
	s26 =	sshll.u32 s20, $0x4;
	s23 =	sadd.s32 $0x200, s18  }
0x10: {  	s18 =	sadd.s32 s22, s1;
	s20 =	sadd.s32 s19, s29;
	s22 =	simm.s32 $0x2  }
0x11: {  	s5 =	sadd.s32 $0x5D000, s10;
	s7 =	sadd.s32 $0x3000, s10;
	s9 =	sadd.s32 $0x4000, s6  }
0x12: {  	s10 =	sadd.s32 $0x8000, s6;
	s11 =	sadd.s32 $0xC000, s6;
	s12 =	sadd.s32 $0x10000, s6  }
0x13: {  	s15 =	sadd.s32 s21, s24;
	s17 =	sadd.s32 s21, s26;
	s19 =	sadd.s32 s19, s23  }
0x14: {  	s20 =	sshll.u32 s20, $0x4;
	s30 =	sshll.u32 s23, $0x7;
	s23 =	simm.s32 $0x2800  }
0x15: {  	s24 =	simm.s32 $0x5000;
	s26 =	simm.s32 $0x1;
	s31 =	sshll.u32 s19, $0x4  }
0x16: {  	v0 =	vimm.f32 $0.0e+00;
	s19 =	sadd.s32 s21, s20;
	s20 =	sadd.s32 s30, s1;
	s21 =	sadd.s32 s21, s31  }
.LBB2_1:
0x17: {  	[tilespmem:s3], [sflag:$0x2] =	stream.linear.gather [hbm4b:s5+s3], $0x2780, $0x38;
	[tilespmem:$0x1D000] =	vst v63  }
0x18: {  	_ =	swait.ge [sflag:s22], $0x2780  }
0x19: {  	[sflag:s22] =	ssyncset.done $0x0  }
0x1a: {  	[sflag:s22] =	ssyncadd.s32 $0xFFFFD880  }
0x1b: {  	[tilespmem:s23], [sflag:$0x2] =	stream.linear.gather [hbm4b:s7+s3], $0x2780, $0x38;
	[tilespmem:$0x1D000] =	vst v63  }
0x1c: {  	_ =	swait.ge [sflag:s22], $0x2780  }
0x1d: {  	[sflag:s22] =	ssyncset.done $0x0  }
0x1e: {  	s29 =	simm.s32 $0x0;
	s30 =	simm.s32 $0x200;
	[sflag:s22] =	ssyncadd.s32 $0xFFFFD880  }
.LBB2_2:
0x1f: {  	p0 =	sne.s32 s30, $0xFE00;
	[tilespmem:s29+$0x5070] =	vst v0  }
0x20: {  	[tilespmem:s29+$0x5000] =	vst v0  }
0x21: {  	[tilespmem:s29+$0x5010] =	vst v0  }
.Ltmp0:
0x22: {  	[tilespmem:s29+$0x5020] =	vst v0;
	(pc) =	sbr.rel @p0 .LBB2_2-.Ltmp0, $4  }
0x23: {  	[tilespmem:s29+$0x5030] =	vst v0  }
0x24: {  	[tilespmem:s29+$0x5040] =	vst v0  }
0x25: {  	[tilespmem:s29+$0x5050] =	vst v0  }
0x26: {  	[tilespmem:s29+$0x5060] =	vst v0;
	s29 =	sshra.s32 s30, $0x2;
	s30 =	sadd.s32 $0x200, s30  }
0x27: {  	[tilespmem:s29+$0x5070] =	vst v0  }
0x28: {  	[tilespmem:s29+$0x5000] =	vst v0  }
0x29: {  	[tilespmem:s29+$0x5010] =	vst v0  }
0x2a: {  	[tilespmem:s29+$0x5020] =	vst v0  }
0x2b: {  	[tilespmem:s29+$0x5030] =	vst v0  }
0x2c: {  	[tilespmem:s29+$0x5040] =	vst v0  }
0x2d: {  	[tilespmem:s29+$0x5050] =	vst v0  }
0x2e: {  	[tilespmem:s29+$0x5060] =	vst v0  }
0x2f: {  	[spmem:s6] =	stream.linear.scatter [tilespmem:s24], [sflag:$0x2], $0x4000, $0x38;
	[tilespmem:$0x1D000] =	vst v63  }
0x30: {  	_ =	swait.ge [sflag:s22], $0x4000  }
0x31: {  	[sflag:s22] =	ssyncset.done $0x0  }
0x32: {  	[sflag:s22] =	ssyncadd.s32 $0xFFFFC000  }
0x33: {  	[spmem:s9] =	stream.linear.scatter [tilespmem:s24], [sflag:$0x2], $0x4000, $0x38;
	[tilespmem:$0x1D000] =	vst v63  }
0x34: {  	_ =	swait.ge [sflag:s22], $0x4000  }
0x35: {  	[sflag:s22] =	ssyncset.done $0x0  }
0x36: {  	[sflag:s22] =	ssyncadd.s32 $0xFFFFC000  }
0x37: {  	[spmem:s10] =	stream.linear.scatter [tilespmem:s24], [sflag:$0x2], $0x4000, $0x38;
	[tilespmem:$0x1D000] =	vst v63  }
0x38: {  	_ =	swait.ge [sflag:s22], $0x4000  }
0x39: {  	[sflag:s22] =	ssyncset.done $0x0  }
0x3a: {  	[sflag:s22] =	ssyncadd.s32 $0xFFFFC000  }
0x3b: {  	[spmem:s11] =	stream.linear.scatter [tilespmem:s24], [sflag:$0x2], $0x4000, $0x38;
	[tilespmem:$0x1D000] =	vst v63  }
0x3c: {  	_ =	swait.ge [sflag:s22], $0x4000  }
0x3d: {  	[sflag:s22] =	ssyncset.done $0x0  }
0x3e: {  	[sflag:s22] =	ssyncadd.s32 $0xFFFFC000  }
0x3f: {  	[spmem:s12] =	stream.linear.scatter [tilespmem:s24], [sflag:$0x2], $0x4000, $0x38;
	[tilespmem:$0x1D000] =	vst v63  }
0x40: {  	_ =	swait.ge [sflag:s22], $0x4000  }
0x41: {  	[sflag:s22] =	ssyncset.done $0x0  }
0x42: {  	[sflag:s22] =	ssyncadd.s32 $0xFFFFC000  }
0x43: {  	s29 =	simm.s32 $0x0;
	[bflag:$0x0] =	sbarrier.arrive $0xFFFF  }
0x44: {  	[tilespmem:s24], [sflag:$0x1] =	stream.indirect.gather [hbm4b:s4+s25], $0x80, s29, s25, $0xb8;
	[tilespmem:$0x1D000] =	vst v63  }
0x45: {  	_ =	swait.ge [sflag:s26], $0x4000  }
0x46: {  	[sflag:s26] =	ssyncset.done $0x0  }
0x47: {  	s29 =	simm.s32 $0x2800;
	[sflag:s26] =	ssyncadd.s32 $0xFFFFC000  }
0x48: {  	[spmem:s1] =	stream.indirect.scatter.add.f32 [tilespmem:s24], [sflag:$0x2], $0x80, s29, s25, $0xb8;
	[tilespmem:$0x1D000] =	vst v63  }
0x49: {  	_ =	swait.ge [sflag:s22], $0x4000  }
0x4a: {  	s30 =	simm.s32 $0x400;
	s29 =	simm.s32 $0x200;
	[sflag:s22] =	ssyncset.done $0x0  }
.LBB2_4:
0x4b: {  	s31 =	sshra.s32 s29, $0x2  }
0x4c: {  	[sflag:s22] =	ssyncadd.s32 $0xFFFFC000;
	s29 =	smov.u32 s30;
	s0 =	sadd.s32 $0x200, s30  }
0x4d: {  	[tilespmem:s24], [sflag:$0x1] =	stream.indirect.gather [hbm4b:s4+s25], $0x80, s31, s25, $0xb8;
	[tilespmem:$0x1D000] =	vst v63  }
0x4e: {  	p0 =	sne.s32 s30, $0x9C00;
	_ =	swait.ge [sflag:s26], $0x4000  }
.Ltmp1:
0x4f: {  	[sflag:s26] =	ssyncset.done $0x0;
	(pc) =	sbr.rel @p0 .LBB2_4-.Ltmp1, $4  }
0x50: {  	s30 =	sadd.s32 $0x2800, s31;
	[sflag:s26] =	ssyncadd.s32 $0xFFFFC000  }
0x51: {  	[spmem:s1] =	stream.indirect.scatter.add.f32 [tilespmem:s24], [sflag:$0x2], $0x80, s30, s25, $0xb8;
	[tilespmem:$0x1D000] =	vst v63  }
0x52: {  	_ =	swait.ge [sflag:s22], $0x4000  }
0x53: {  	s30 =	smov.u32 s0;
	[sflag:s22] =	ssyncset.done $0x0  }
0x54: {  	s0 =	sshra.s32 s29, $0x2;
	[sflag:s22] =	ssyncadd.s32 $0xFFFFC000  }
0x55: {  	[tilespmem:s24], [sflag:$0x1] =	stream.indirect.gather [hbm4b:s4+s25], $0x80, s0, s25, $0xb8;
	[tilespmem:$0x1D000] =	vst v63  }
0x56: {  	_ =	swait.ge [sflag:s26], $0x4000  }
0x57: {  	[sflag:s26] =	ssyncset.done $0x0  }
0x58: {  	s0 =	sadd.s32 $0x2800, s0;
	[sflag:s26] =	ssyncadd.s32 $0xFFFFC000  }
0x59: {  	[spmem:s1] =	stream.indirect.scatter.add.f32 [tilespmem:s24], [sflag:$0x2], $0x80, s0, s25, $0xb8;
	[tilespmem:$0x1D000] =	vst v63  }
0x5a: {  	_ =	swait.ge [sflag:s22], $0x4000  }
0x5b: {  	[sflag:s22] =	ssyncset.done $0x0  }
0x5c: {  	[sflag:s22] =	ssyncadd.s32 $0xFFFFC000  }
0x5d: {  	[bflag:$0x0] =	sbarrier.arrive $0xFFFF  }
0x5e: {  	[tilespmem:s24], [sflag:$0x2] =	stream.linear.gather [spmem:s6], $0x4000, $0x38;
	[tilespmem:$0x1D000] =	vst v63  }
0x5f: {  	_ =	swait.ge [sflag:s22], $0x4000  }
0x60: {  	[sflag:s22] =	ssyncset.done $0x0  }
0x61: {  	[sflag:s22] =	ssyncadd.s32 $0xFFFFC000  }
0x62: {  	[hbm4b:s13+s3] =	stream.linear.scatter [tilespmem:s24], [sflag:$0x2], $0x4000, $0x38;
	[tilespmem:$0x1D000] =	vst v63  }
0x63: {  	_ =	swait.ge [sflag:s22], $0x4000  }
0x64: {  	[sflag:s22] =	ssyncset.done $0x0  }
0x65: {  	[sflag:s22] =	ssyncadd.s32 $0xFFFFC000  }
0x66: {  	[tilespmem:s24], [sflag:$0x2] =	stream.linear.gather [spmem:s14], $0x4000, $0x38;
	[tilespmem:$0x1D000] =	vst v63  }
0x67: {  	_ =	swait.ge [sflag:s22], $0x4000  }
0x68: {  	[sflag:s22] =	ssyncset.done $0x0  }
0x69: {  	[sflag:s22] =	ssyncadd.s32 $0xFFFFC000  }
0x6a: {  	[hbm4b:s15+s3] =	stream.linear.scatter [tilespmem:s24], [sflag:$0x2], $0x4000, $0x38;
	[tilespmem:$0x1D000] =	vst v63  }
0x6b: {  	_ =	swait.ge [sflag:s22], $0x4000  }
0x6c: {  	[sflag:s22] =	ssyncset.done $0x0  }
0x6d: {  	[sflag:s22] =	ssyncadd.s32 $0xFFFFC000  }
0x6e: {  	[tilespmem:s24], [sflag:$0x2] =	stream.linear.gather [spmem:s16], $0x4000, $0x38;
	[tilespmem:$0x1D000] =	vst v63  }
0x6f: {  	_ =	swait.ge [sflag:s22], $0x4000  }
0x70: {  	[sflag:s22] =	ssyncset.done $0x0  }
0x71: {  	[sflag:s22] =	ssyncadd.s32 $0xFFFFC000  }
0x72: {  	[hbm4b:s17+s3] =	stream.linear.scatter [tilespmem:s24], [sflag:$0x2], $0x4000, $0x38;
	[tilespmem:$0x1D000] =	vst v63  }
0x73: {  	_ =	swait.ge [sflag:s22], $0x4000  }
0x74: {  	[sflag:s22] =	ssyncset.done $0x0  }
0x75: {  	[sflag:s22] =	ssyncadd.s32 $0xFFFFC000  }
0x76: {  	[tilespmem:s24], [sflag:$0x2] =	stream.linear.gather [spmem:s18], $0x4000, $0x38;
	[tilespmem:$0x1D000] =	vst v63  }
0x77: {  	_ =	swait.ge [sflag:s22], $0x4000  }
0x78: {  	[sflag:s22] =	ssyncset.done $0x0  }
0x79: {  	[sflag:s22] =	ssyncadd.s32 $0xFFFFC000  }
0x7a: {  	[hbm4b:s19+s3] =	stream.linear.scatter [tilespmem:s24], [sflag:$0x2], $0x4000, $0x38;
	[tilespmem:$0x1D000] =	vst v63  }
0x7b: {  	_ =	swait.ge [sflag:s22], $0x4000  }
0x7c: {  	[sflag:s22] =	ssyncset.done $0x0  }
0x7d: {  	[sflag:s22] =	ssyncadd.s32 $0xFFFFC000  }
0x7e: {  	[tilespmem:s24], [sflag:$0x2] =	stream.linear.gather [spmem:s20], $0x4000, $0x38;
	[tilespmem:$0x1D000] =	vst v63  }
0x7f: {  	s28 =	sadd.s32 $0x1, s28;
	_ =	swait.ge [sflag:s22], $0x4000  }
0x80: {  	p0 =	sne.s32 s28, s8;
	[sflag:s22] =	ssyncset.done $0x0  }
.Ltmp2:
0x81: {  	[sflag:s22] =	ssyncadd.s32 $0xFFFFC000;
	(pc) =	sbr.rel @p0 .LBB2_1-.Ltmp2, $4  }
0x82: {  	[hbm4b:s21+s3] =	stream.linear.scatter [tilespmem:s24], [sflag:$0x2], $0x4000, $0x38;
	[tilespmem:$0x1D000] =	vst v63  }
0x83: {  	_ =	swait.ge [sflag:s22], $0x4000  }
0x84: {  	[sflag:s22] =	ssyncset.done $0x0  }
0x85: {  	[sflag:s22] =	ssyncadd.s32 $0xFFFFC000  }
0x86: {  	_ =	sfence.sel $0x180000  }
0x87: {  	[bflag:$0x0] =	sbarrier.arrive $0xFFFF  }
0x88: {  	_ =	strace $0x9000004D  }
0x89: {  	[bflag:$0x2] =	sbarrier.arrive $0xFFFF  }
0x8a: {  	p0 =	sne.s32 s2, $0x0;
	s0 =	rddreg [dreg:$0x2]  }
0x8b: {  	s0 =	sadd.s32 @!p0 $0x100000, s0  }
0x8c: {  	[sflag:s0] =	ssyncadd.tile.s32 @!p0 $0x1;
	_ =	shalt  }
.Lfunc_end2:
_tile_overlayer_lowered:
.L_overlay_start_2:
0x8d: {  	(tag) =	ssettag $0x2  }
0x8e: {  	s0 =	rddreg [dreg:$0x0];
	s2 =	stileid.u32  }
0x8f: {  	s1 =	rddreg [dreg:$0x1];
	p0 =	sne.s32 s2, $0x0  }
0x90: {  	s3 =	rddreg [dreg:$0x2];
	[bflag:$0x3] =	sbarrier.arrive $0xFFFF;
	s2 =	simm.s32 @!p0 $0x1C02  }
0x91: {  	[timem:s3], [sflag:s2] =	dma.local @!p0 [hbm:s0], s1  }
0x92: {  	s0 =	simm.s32 @!p0 $0x2  }
0x93: {  	_ =	swait.ge @!p0 [sflag:s0], s1  }
0x94: {  	s1 =	ssub.s32 @!p0 $0x0, s1;
	[sflag:s0] =	ssyncset.done @!p0 $0x0  }
0x95: {  	[sflag:s0] =	ssyncadd.s32 @!p0 s1  }
0x96: {  	[bflag:$0x3] =	sbarrier.arrive $0xFFFF  }
0x97: {  	_ =	shalt  }

// kernel: kernel.21.cloned.1.call-start
scs
__scs_entry_jumppad:
0x0: {  	(pc) =	sbr.rel $0x88, $3  }
0x1: {  	(tag) =	ssettag $0x0;
	lr =	simm.s32 $0x1  }
0x2: {  	[smem:$0x3F98] =	sst lr;
	_ =	strace $0xD0000000  }
0x3: {  	_ = 	snop  }
0x4: {  	_ = 	snop  }
0x5: {  	_ = 	snop  }
0x6: {  	_ = 	snop  }
0x7: {  	_ = 	snop  }
__scs_overlays_trampoline_lowered:
0x8: {  	[smem:$0x3FA7] =	sst s0  }
0x9: {  	[smem:$0x3FA8] =	sst s1  }
0xa: {  	[smem:$0x3FA9] =	sst s2  }
0xb: {  	[smem:$0x3FAA] =	sst s3  }
0xc: {  	[smem:$0x3FAB] =	sst s4  }
0xd: {  	[smem:$0x3FAC] =	sst s5  }
0xe: {  	[smem:$0x3FAD] =	sst s6  }
0xf: {  	[smem:$0x3FAE] =	sst s7  }
0x10: {  	[smem:$0x3FAF] =	sst s8  }
0x11: {  	[smem:$0x3FB0] =	sst s9;
	s0 =	simm.s32 @!p0 $0x0  }
0x12: {  	s1 =	sld [smem:$0x3F96];
	s0 =	simm.s32 @p0 $0x1  }
0x13: {  	[smem:$0x3FB1] =	sst s0;
	s0 =	simm.s32 @!p1 $0x0  }
0x14: {  	s2 =	sld [smem:$0x3F95];
	s0 =	simm.s32 @p1 $0x1  }
0x15: {  	[smem:$0x3FB2] =	sst s0;
	s0 =	simm.s32 @!p2 $0x0  }
0x16: {  	s3 =	sld [smem:$0x3FDB];
	s0 =	simm.s32 @p2 $0x1  }
0x17: {  	s4 =	simm.s32 $0x1BF5;
	[smem:$0x3FB4] =	sst s0  }
0x18: {  	s0 =	sld [smem:$0x3F97];
	_ =	swait.ge [sflag:s4], $0x0  }
0x19: {  	s7 =	sld [smem:$0x3F98]  }
0x1a: {  	s8 =	sadd.s32 $0xFFFFE003, lr  }
0x1b: {  	s9 =	sadd.s32 $0xFFFFFEF7, lr;
	s5 =	simm.s32 $0xFFFFFFFF;
	p2 =	slt.u32 s8, $0xFFFFF086  }
0x1c: {  	p1 =	slt.u32 s9, $0xF7A;
	s5 =	simm.s32 @!p2 $0x0  }
0x1d: {  	s5 =	simm.s32 @p1 $0x1;
	p0 =	seq.s32 s7, s2  }
0x1e: {  	s7 =	smul.u32 @!p0 $0xF7A, s2;
	p2 =	seq.s32 @!p0 s5, $0x0  }
0x1f: {  	s9 =	smul.u32 $0xF7A, s1;
	s8 =	simm.s32 @!p0 $0x1BF5;
	p2 =	por !p2, p0  }
0x20: {  	[sflag:s8] =	ssyncset.s32 @!p0 $0xFFFFF086;
	s6 =	sadd.s32 @!p0 s3, s7;
	s7 =	simm.s32 @!p0 $0x108  }
0x21: {  	s3 =	sadd.s32 s3, s9;
	s6 =	sadd.s32 @!p0 $0x88, s6;
	s7 =	simm.s32 @p2 $0x1082  }
0x22: {  	[simem:s7], [sflag:s8] =	dma.local @!p0 [hbm:s6], $0xF7A  }
0x23: {  	s9 =	sor.u32 $0xD0000000, s2;
	s6 =	simm.s32 $0x108;
	_ =	swait.ge @!p0 [sflag:s8], $0x0  }
0x24: {  	s3 =	sadd.s32 $0x88, s3;
	s6 =	simm.s32 @!p1 $0x1082;
	[sflag:s4] =	ssyncset.s32 $0xFFFFF086  }
0x25: {  	[simem:s6], [sflag:s4] =	dma.local [hbm:s3], $0xF7A  }
0x26: {  	[smem:$0x3F98] =	sst s1;
	(tag) =	ssettag s2;
	_ =	strace s9  }
0x27: {  	s1 =	sld [smem:$0x3FA8]  }
0x28: {  	s2 =	sld [smem:$0x3FA9]  }
0x29: {  	s4 =	sld [smem:$0x3FAB]  }
0x2a: {  	p0 =	seq.s32 s5, $0x0;
	s5 =	sld [smem:$0x3FAC]  }
0x2b: {  	s6 =	sld [smem:$0x3FAD]  }
0x2c: {  	s7 =	sld [smem:$0x3FAE]  }
0x2d: {  	s3 =	simm.s32 $0x108;
	s8 =	sld [smem:$0x3FAF]  }
0x2e: {  	s3 =	simm.s32 @!p0 $0x1082;
	s9 =	sld [smem:$0x3FB0]  }
0x2f: {  	lr =	sadd.s32 s0, s3;
	s0 =	sld [smem:$0x3FA7]  }
0x30: {  	s3 =	sld [smem:$0x3FAA]  }
0x31: {  	[smem:$0x3FB3] =	sst s10  }
0x32: {  	s10 =	sld [smem:$0x3FB1];
	_ =	sdelay $0x3  }
0x33: {  	p0 =	seq.s32 s10, $0x1;
	s10 =	sld [smem:$0x3FB3];
	_ =	sdelay $0x3  }
0x34: {  	[smem:$0x3FB3] =	sst s10  }
0x35: {  	s10 =	sld [smem:$0x3FB2];
	_ =	sdelay $0x3  }
0x36: {  	p1 =	seq.s32 s10, $0x1;
	s10 =	sld [smem:$0x3FB3];
	_ =	sdelay $0x3  }
0x37: {  	[smem:$0x3FB3] =	sst s10  }
0x38: {  	s10 =	sld [smem:$0x3FB4]  }
0x39: {  	_ = 	snop;
	(pc) =	sbr.ind lr, $3  }
0x3a: {  	_ = 	snop  }
0x3b: {  	_ = 	snop  }
0x3c: {  	p2 =	seq.s32 s10, $0x1;
	s10 =	sld [smem:$0x3FB3]  }
0x3d: {  	_ =	shalt  }
0x3e: {  	_ =	shalt  }
0x3f: {  	_ =	shalt  }
0x40: {  	_ =	shalt  }
0x41: {  	_ =	shalt  }
0x42: {  	_ =	shalt  }
0x43: {  	_ =	shalt  }
0x44: {  	_ =	shalt  }
0x45: {  	_ =	shalt  }
0x46: {  	_ =	shalt  }
0x47: {  	_ =	shalt  }
0x48: {  	_ =	shalt  }
0x49: {  	_ =	shalt  }
0x4a: {  	_ =	shalt  }
0x4b: {  	_ =	shalt  }
0x4c: {  	_ =	shalt  }
0x4d: {  	_ =	shalt  }
0x4e: {  	_ =	shalt  }
0x4f: {  	_ =	shalt  }
0x50: {  	_ =	shalt  }
0x51: {  	_ =	shalt  }
0x52: {  	_ =	shalt  }
0x53: {  	_ =	shalt  }
0x54: {  	_ =	shalt  }
0x55: {  	_ =	shalt  }
0x56: {  	_ =	shalt  }
0x57: {  	_ =	shalt  }
0x58: {  	_ =	shalt  }
0x59: {  	_ =	shalt  }
0x5a: {  	_ =	shalt  }
0x5b: {  	_ =	shalt  }
0x5c: {  	_ =	shalt  }
0x5d: {  	_ =	shalt  }
0x5e: {  	_ =	shalt  }
0x5f: {  	_ =	shalt  }
0x60: {  	_ =	shalt  }
0x61: {  	_ =	shalt  }
0x62: {  	_ =	shalt  }
0x63: {  	_ =	shalt  }
0x64: {  	_ =	shalt  }
0x65: {  	_ =	shalt  }
0x66: {  	_ =	shalt  }
0x67: {  	_ =	shalt  }
0x68: {  	_ =	shalt  }
0x69: {  	_ =	shalt  }
0x6a: {  	_ =	shalt  }
0x6b: {  	_ =	shalt  }
0x6c: {  	_ =	shalt  }
0x6d: {  	_ =	shalt  }
0x6e: {  	_ =	shalt  }
0x6f: {  	_ =	shalt  }
0x70: {  	_ =	shalt  }
0x71: {  	_ =	shalt  }
0x72: {  	_ =	shalt  }
0x73: {  	_ =	shalt  }
0x74: {  	_ =	shalt  }
0x75: {  	_ =	shalt  }
0x76: {  	_ =	shalt  }
0x77: {  	_ =	shalt  }
0x78: {  	_ =	shalt  }
0x79: {  	_ =	shalt  }
0x7a: {  	_ =	shalt  }
0x7b: {  	_ =	shalt  }
0x7c: {  	_ =	shalt  }
0x7d: {  	_ =	shalt  }
0x7e: {  	_ =	shalt  }
0x7f: {  	_ =	shalt  }
0x80: {  	_ =	shalt  }
0x81: {  	_ =	shalt  }
0x82: {  	_ =	shalt  }
0x83: {  	_ =	shalt  }
0x84: {  	_ =	shalt  }
0x85: {  	_ =	shalt  }
0x86: {  	_ =	shalt  }
0x87: {  	_ =	shalt  }
.Lfunc_end0:
.L_simem_size_0:
called_computation.3_lowered:
.L_overlay_start_0:
0x88: {  	s2 =	sld [smem:$0x3FD9]  }
0x89: {  	s3 =	sld [smem:$0x3FFE];
	_ =	sdelay $0x1  }
0x8a: {  	s1 =	srdreg.scid  }
0x8b: {  	s0 =	sand.u32 $0x1, s1  }
0x8c: {  	s16 =	sshll.u32 s0, $0xA;
	s2 =	sadd.s32 s3, s2  }
0x8d: {  	s2 =	sadd.s32 s2, s16  }
0x8e: {  	[smem:$0x3FBF] =	sst s2  }
0x8f: {  	_ = 	snop  }
0x90: {  	(tm) =	ssettm $0x1  }
0x91: {  	s17 =	sld [smem:$0x3FFB];
	_ =	sdelay $0x3  }
0x92: {  	_ =	strace s17  }
0x93: {  	s2 =	sld [smem:$0x3FFC];
	_ =	sdelay $0x3  }
0x94: {  	_ =	strace s2  }
0x95: {  	s2 =	sld [smem:$0x3FFD];
	_ =	sdelay $0x3  }
0x96: {  	_ =	strace s2  }
0x97: {  	_ =	strace $0x8FFFFFFF  }
0x98: {  	s18 =	sld [smem:$0x3FDB];
	_ =	sdelay $0x1  }
0x99: {  	s19 =	simm.s32 $_scs_section_size  }
0x9a: {  	s4 =	simm.s32 $_size__tile_overlayer_lowered;
	s5 =	simm.s32 $_tile_overlayer_lowered  }
0x9b: {  	s22 =	simm.s32 $0x1BFF;
	s21 =	sshll.u32 s5, $0x1;
	s2 =	sadd.s32 s19, s18  }
0x9c: {  	s6 =	simm.s32 $0x0;
	s20 =	sshll.u32 s4, $0x1;
	s4 =	sadd.s32 s21, s2  }
0x9d: {  	[timem:s6], [sflag:s22] =	dma.local [hbm:s4], s20  }
0x9e: {  	_ =	swait.ge [sflag:s22], s20  }
0x9f: {  	s3 =	ssub.s32 $0x0, s20;
	[sflag:s22] =	ssyncset.done $0x0  }
0xa0: {  	[sflag:s22] =	ssyncadd.s32 s3;
	_ =	sdelay $0x1  }
0xa1: {  	s23 =	simm.s32 $0x1B8B  }
0xa2: {  	_ =	swait.ge [sflag:s23], $0x1  }
0xa3: {  	[sflag:s23] =	ssyncset.done $0x0  }
0xa4: {  	s25 =	simm.s32 $0x1B8E;
	s24 =	sld [smem:$0x3FFE];
	[sflag:s23] =	ssyncadd.s32 $0xFFFFFFFF  }
0xa5: {  	s26 =	simm.s32 $execute0_lowered;
	[smem:$0x3FD2] =	sst s25  }
0xa6: {  	s4 =	sshll.u32 s26, $0x1;
	_ =	strace $0x8000004F;
	[dreg:$0x1] =	wrdreg $0xFFFFFFFF  }
0xa7: {  	s28 =	simm.s32 $_size_execute0_lowered;
	s2 =	sadd.s32 s2, s4;
	[dreg:$0x0] =	wrdreg $0x0  }
0xa8: {  	s4 =	sshll.u32 s28, $0x1;
	[dreg:$0x2] =	wrdreg s2  }
0xa9: {  	[dreg:$0x3] =	wrdreg s4  }
0xaa: {  	[dreg:$0x4] =	wrdreg $0xC0  }
0xab: {  	_ =	task [dreg:s6], $0x5FFFF  }
0xac: {  	[dreg:$0x1] =	wrdreg $0xFFFFFFFF  }
0xad: {  	[dreg:$0x0] =	wrdreg $0x60  }
0xae: {  	[dreg:$0x2] =	wrdreg s24  }
0xaf: {  	[dreg:$0x3] =	wrdreg $0x90000  }
0xb0: {  	[dreg:$0x4] =	wrdreg $0x9  }
0xb1: {  	_ =	task.clear_ibuf [dreg:s6], $0x5FFFF;
	_ =	strace $0x9000004F  }
0xb2: {  	s29 =	simm.s32 $0x9;
	_ =	strace $0x80000051  }
0xb3: {  	_ =	swait.ge [sflag:s29], $0x1  }
0xb4: {  	[sflag:s29] =	ssyncadd.s32 $0xFFFFFFFF  }
0xb5: {  	_ =	strace $0x90000051  }
0xb6: {  	_ =	sfence  }
0xb7: {  	s30 =	sld [smem:$0x0];
	_ =	sdelay $0x2  }
0xb8: {  	s31 =	sshll.u32 s1, $0xD;
	s1 =	sshrl.u32 s1, $0x2  }
0xb9: {  	s3 =	sand.u32 $0x4000, s31;
	s1 =	sadd.s32 s1, s30  }
0xba: {  	s0 =	sor.u32 s3, s0;
	s1 =	sshll.u32 s1, $0x11  }
0xbb: {  	s0 =	sor.u32 s1, s0  }
0xbc: {  	s0 =	sadd.s32 $0x8F2B, s0  }
0xbd: {  	[sflag:s0] =	ssyncadd.remote.s32 $0x1  }
0xbe: {  	_ =	sfence.sel $0xFFFF  }
0xbf: {  	[dreg:$0x0] =	wrdreg $0xFFFFFFFF;
	(pc) =	sbr.abs _section_cstart, $3  }
0xc0: {  	[dreg:$0x1] =	wrdreg $0xFFFFFFFF  }
0xc1: {  	_ =	task.clear_ibuf [dreg:s6], $0x2FFFF;
	_ =	strace $0x9FFFFFFF  }
0xc2: {  	(tm) =	ssettm $0x7FFFFFFF  }
0xc3: {  	_ =	shalt  }
tec
execute0_lowered:
.L_overlay_start_1:
0x0: {  	(tag) =	ssettag $0x1  }
0x1: {  	s5 =	rddreg [dreg:$0x0]  }
0x2: {  	s1 =	rddreg [dreg:$0x1]  }
0x3: {  	s2 =	srdreg.scid;
	s3 =	simm.s32 $0x0;
	s28 =	simm.s32 $0x0  }
0x4: {  	s7 =	sand.u32 $0x1, s2;
	s2 =	stileid.u32;
	[smem:$0x7FF] =	sst s3  }
0x5: {  	s21 =	sadd.s32 $0x67000, s5;
	s4 =	sshll.u32 s7, $0x4;
	s9 =	smul.u32 $0x50000, s2  }
0x6: {  	_ =	strace $0x80000050;
	s8 =	ssub.s32 $0x2, s7;
	s18 =	smul.u32 $0x280, s2  }
0x7: {  	s19 =	smul.u32 $0x2800, s7;
	s4 =	sor.u32 s2, s4;
	s22 =	sshrl.u32 s8, $0x1  }
0x8: {  	s6 =	smul.u32 $0x500, s4;
	s4 =	sadd.s32 $0xD000, s5;
	s8 =	ssub.s32 s8, s22  }
0x9: {  	s23 =	sshrl.u32 s9, $0x2;
	s13 =	sadd.s32 s19, s18;
	s14 =	sadd.s32 $0x80, s18  }
0xa: {  	s25 =	sadd.s32 $0x100, s18;
	s29 =	sadd.s32 $0x180, s18;
	s8 =	smax.u32 s8, $0x1  }
0xb: {  	s13 =	sshll.u32 s13, $0x4;
	s15 =	sshll.u32 s14, $0x7;
	s16 =	sadd.s32 s19, s14  }
0xc: {  	s17 =	sshll.u32 s25, $0x7;
	s20 =	sadd.s32 s19, s25;
	s22 =	sshll.u32 s29, $0x7  }
0xd: {  	s25 =	simm.s32 $0x80;
	s10 =	sadd.s32 s6, s5;
	s6 =	sadd.s32 s23, s1  }
0xe: {  	s13 =	sadd.s32 s21, s13;
	s14 =	sadd.s32 s15, s1;
	s24 =	sshll.u32 s16, $0x4  }
0xf: {  	s16 =	sadd.s32 s17, s1;
	s26 =	sshll.u32 s20, $0x4;
	s23 =	sadd.s32 $0x200, s18  }
0x10: {  	s18 =	sadd.s32 s22, s1;
	s20 =	sadd.s32 s19, s29;
	s22 =	simm.s32 $0x2  }
0x11: {  	s5 =	sadd.s32 $0x5D000, s10;
	s7 =	sadd.s32 $0x3000, s10;
	s9 =	sadd.s32 $0x4000, s6  }
0x12: {  	s10 =	sadd.s32 $0x8000, s6;
	s11 =	sadd.s32 $0xC000, s6;
	s12 =	sadd.s32 $0x10000, s6  }
0x13: {  	s15 =	sadd.s32 s21, s24;
	s17 =	sadd.s32 s21, s26;
	s19 =	sadd.s32 s19, s23  }
0x14: {  	s20 =	sshll.u32 s20, $0x4;
	s30 =	sshll.u32 s23, $0x7;
	s23 =	simm.s32 $0x2800  }
0x15: {  	s24 =	simm.s32 $0x5000;
	s26 =	simm.s32 $0x1;
	s31 =	sshll.u32 s19, $0x4  }
0x16: {  	v0 =	vimm.f32 $0.0e+00;
	s19 =	sadd.s32 s21, s20;
	s20 =	sadd.s32 s30, s1;
	s21 =	sadd.s32 s21, s31  }
.LBB2_1:
0x17: {  	[tilespmem:s3], [sflag:$0x2] =	stream.linear.gather [hbm4b:s5+s3], $0x2780, $0x38;
	[tilespmem:$0x1D000] =	vst v63  }
0x18: {  	_ =	swait.ge [sflag:s22], $0x2780  }
0x19: {  	[sflag:s22] =	ssyncset.done $0x0  }
0x1a: {  	[sflag:s22] =	ssyncadd.s32 $0xFFFFD880  }
0x1b: {  	[tilespmem:s23], [sflag:$0x2] =	stream.linear.gather [hbm4b:s7+s3], $0x2780, $0x38;
	[tilespmem:$0x1D000] =	vst v63  }
0x1c: {  	_ =	swait.ge [sflag:s22], $0x2780  }
0x1d: {  	[sflag:s22] =	ssyncset.done $0x0  }
0x1e: {  	s29 =	simm.s32 $0x0;
	s30 =	simm.s32 $0x200;
	[sflag:s22] =	ssyncadd.s32 $0xFFFFD880  }
.LBB2_2:
0x1f: {  	p0 =	sne.s32 s30, $0xFE00;
	[tilespmem:s29+$0x5070] =	vst v0  }
0x20: {  	[tilespmem:s29+$0x5000] =	vst v0  }
0x21: {  	[tilespmem:s29+$0x5010] =	vst v0  }
.Ltmp0:
0x22: {  	[tilespmem:s29+$0x5020] =	vst v0;
	(pc) =	sbr.rel @p0 .LBB2_2-.Ltmp0, $4  }
0x23: {  	[tilespmem:s29+$0x5030] =	vst v0  }
0x24: {  	[tilespmem:s29+$0x5040] =	vst v0  }
0x25: {  	[tilespmem:s29+$0x5050] =	vst v0  }
0x26: {  	[tilespmem:s29+$0x5060] =	vst v0;
	s29 =	sshra.s32 s30, $0x2;
	s30 =	sadd.s32 $0x200, s30  }
0x27: {  	[tilespmem:s29+$0x5070] =	vst v0  }
0x28: {  	[tilespmem:s29+$0x5000] =	vst v0  }
0x29: {  	[tilespmem:s29+$0x5010] =	vst v0  }
0x2a: {  	[tilespmem:s29+$0x5020] =	vst v0  }
0x2b: {  	[tilespmem:s29+$0x5030] =	vst v0  }
0x2c: {  	[tilespmem:s29+$0x5040] =	vst v0  }
0x2d: {  	[tilespmem:s29+$0x5050] =	vst v0  }
0x2e: {  	[tilespmem:s29+$0x5060] =	vst v0  }
0x2f: {  	[spmem:s6] =	stream.linear.scatter [tilespmem:s24], [sflag:$0x2], $0x4000, $0x38;
	[tilespmem:$0x1D000] =	vst v63  }
0x30: {  	_ =	swait.ge [sflag:s22], $0x4000  }
0x31: {  	[sflag:s22] =	ssyncset.done $0x0  }
0x32: {  	[sflag:s22] =	ssyncadd.s32 $0xFFFFC000  }
0x33: {  	[spmem:s9] =	stream.linear.scatter [tilespmem:s24], [sflag:$0x2], $0x4000, $0x38;
	[tilespmem:$0x1D000] =	vst v63  }
0x34: {  	_ =	swait.ge [sflag:s22], $0x4000  }
0x35: {  	[sflag:s22] =	ssyncset.done $0x0  }
0x36: {  	[sflag:s22] =	ssyncadd.s32 $0xFFFFC000  }
0x37: {  	[spmem:s10] =	stream.linear.scatter [tilespmem:s24], [sflag:$0x2], $0x4000, $0x38;
	[tilespmem:$0x1D000] =	vst v63  }
0x38: {  	_ =	swait.ge [sflag:s22], $0x4000  }
0x39: {  	[sflag:s22] =	ssyncset.done $0x0  }
0x3a: {  	[sflag:s22] =	ssyncadd.s32 $0xFFFFC000  }
0x3b: {  	[spmem:s11] =	stream.linear.scatter [tilespmem:s24], [sflag:$0x2], $0x4000, $0x38;
	[tilespmem:$0x1D000] =	vst v63  }
0x3c: {  	_ =	swait.ge [sflag:s22], $0x4000  }
0x3d: {  	[sflag:s22] =	ssyncset.done $0x0  }
0x3e: {  	[sflag:s22] =	ssyncadd.s32 $0xFFFFC000  }
0x3f: {  	[spmem:s12] =	stream.linear.scatter [tilespmem:s24], [sflag:$0x2], $0x4000, $0x38;
	[tilespmem:$0x1D000] =	vst v63  }
0x40: {  	_ =	swait.ge [sflag:s22], $0x4000  }
0x41: {  	[sflag:s22] =	ssyncset.done $0x0  }
0x42: {  	[sflag:s22] =	ssyncadd.s32 $0xFFFFC000  }
0x43: {  	s29 =	simm.s32 $0x0;
	[bflag:$0x0] =	sbarrier.arrive $0xFFFF  }
0x44: {  	[tilespmem:s24], [sflag:$0x1] =	stream.indirect.gather [hbm4b:s4+s25], $0x80, s29, s25, $0xb8;
	[tilespmem:$0x1D000] =	vst v63  }
0x45: {  	_ =	swait.ge [sflag:s26], $0x4000  }
0x46: {  	[sflag:s26] =	ssyncset.done $0x0  }
0x47: {  	s29 =	simm.s32 $0x2800;
	[sflag:s26] =	ssyncadd.s32 $0xFFFFC000  }
0x48: {  	[spmem:s1] =	stream.indirect.scatter.add.f32 [tilespmem:s24], [sflag:$0x2], $0x80, s29, s25, $0xb8;
	[tilespmem:$0x1D000] =	vst v63  }
0x49: {  	_ =	swait.ge [sflag:s22], $0x4000  }
0x4a: {  	s30 =	simm.s32 $0x400;
	s29 =	simm.s32 $0x200;
	[sflag:s22] =	ssyncset.done $0x0  }
.LBB2_4:
0x4b: {  	s31 =	sshra.s32 s29, $0x2  }
0x4c: {  	[sflag:s22] =	ssyncadd.s32 $0xFFFFC000;
	s29 =	smov.u32 s30;
	s0 =	sadd.s32 $0x200, s30  }
0x4d: {  	[tilespmem:s24], [sflag:$0x1] =	stream.indirect.gather [hbm4b:s4+s25], $0x80, s31, s25, $0xb8;
	[tilespmem:$0x1D000] =	vst v63  }
0x4e: {  	p0 =	sne.s32 s30, $0x9C00;
	_ =	swait.ge [sflag:s26], $0x4000  }
.Ltmp1:
0x4f: {  	[sflag:s26] =	ssyncset.done $0x0;
	(pc) =	sbr.rel @p0 .LBB2_4-.Ltmp1, $4  }
0x50: {  	s30 =	sadd.s32 $0x2800, s31;
	[sflag:s26] =	ssyncadd.s32 $0xFFFFC000  }
0x51: {  	[spmem:s1] =	stream.indirect.scatter.add.f32 [tilespmem:s24], [sflag:$0x2], $0x80, s30, s25, $0xb8;
	[tilespmem:$0x1D000] =	vst v63  }
0x52: {  	_ =	swait.ge [sflag:s22], $0x4000  }
0x53: {  	s30 =	smov.u32 s0;
	[sflag:s22] =	ssyncset.done $0x0  }
0x54: {  	s0 =	sshra.s32 s29, $0x2;
	[sflag:s22] =	ssyncadd.s32 $0xFFFFC000  }
0x55: {  	[tilespmem:s24], [sflag:$0x1] =	stream.indirect.gather [hbm4b:s4+s25], $0x80, s0, s25, $0xb8;
	[tilespmem:$0x1D000] =	vst v63  }
0x56: {  	_ =	swait.ge [sflag:s26], $0x4000  }
0x57: {  	[sflag:s26] =	ssyncset.done $0x0  }
0x58: {  	s0 =	sadd.s32 $0x2800, s0;
	[sflag:s26] =	ssyncadd.s32 $0xFFFFC000  }
0x59: {  	[spmem:s1] =	stream.indirect.scatter.add.f32 [tilespmem:s24], [sflag:$0x2], $0x80, s0, s25, $0xb8;
	[tilespmem:$0x1D000] =	vst v63  }
0x5a: {  	_ =	swait.ge [sflag:s22], $0x4000  }
0x5b: {  	[sflag:s22] =	ssyncset.done $0x0  }
0x5c: {  	[sflag:s22] =	ssyncadd.s32 $0xFFFFC000  }
0x5d: {  	[bflag:$0x0] =	sbarrier.arrive $0xFFFF  }
0x5e: {  	[tilespmem:s24], [sflag:$0x2] =	stream.linear.gather [spmem:s6], $0x4000, $0x38;
	[tilespmem:$0x1D000] =	vst v63  }
0x5f: {  	_ =	swait.ge [sflag:s22], $0x4000  }
0x60: {  	[sflag:s22] =	ssyncset.done $0x0  }
0x61: {  	[sflag:s22] =	ssyncadd.s32 $0xFFFFC000  }
0x62: {  	[hbm4b:s13+s3] =	stream.linear.scatter [tilespmem:s24], [sflag:$0x2], $0x4000, $0x38;
	[tilespmem:$0x1D000] =	vst v63  }
0x63: {  	_ =	swait.ge [sflag:s22], $0x4000  }
0x64: {  	[sflag:s22] =	ssyncset.done $0x0  }
0x65: {  	[sflag:s22] =	ssyncadd.s32 $0xFFFFC000  }
0x66: {  	[tilespmem:s24], [sflag:$0x2] =	stream.linear.gather [spmem:s14], $0x4000, $0x38;
	[tilespmem:$0x1D000] =	vst v63  }
0x67: {  	_ =	swait.ge [sflag:s22], $0x4000  }
0x68: {  	[sflag:s22] =	ssyncset.done $0x0  }
0x69: {  	[sflag:s22] =	ssyncadd.s32 $0xFFFFC000  }
0x6a: {  	[hbm4b:s15+s3] =	stream.linear.scatter [tilespmem:s24], [sflag:$0x2], $0x4000, $0x38;
	[tilespmem:$0x1D000] =	vst v63  }
0x6b: {  	_ =	swait.ge [sflag:s22], $0x4000  }
0x6c: {  	[sflag:s22] =	ssyncset.done $0x0  }
0x6d: {  	[sflag:s22] =	ssyncadd.s32 $0xFFFFC000  }
0x6e: {  	[tilespmem:s24], [sflag:$0x2] =	stream.linear.gather [spmem:s16], $0x4000, $0x38;
	[tilespmem:$0x1D000] =	vst v63  }
0x6f: {  	_ =	swait.ge [sflag:s22], $0x4000  }
0x70: {  	[sflag:s22] =	ssyncset.done $0x0  }
0x71: {  	[sflag:s22] =	ssyncadd.s32 $0xFFFFC000  }
0x72: {  	[hbm4b:s17+s3] =	stream.linear.scatter [tilespmem:s24], [sflag:$0x2], $0x4000, $0x38;
	[tilespmem:$0x1D000] =	vst v63  }
0x73: {  	_ =	swait.ge [sflag:s22], $0x4000  }
0x74: {  	[sflag:s22] =	ssyncset.done $0x0  }
0x75: {  	[sflag:s22] =	ssyncadd.s32 $0xFFFFC000  }
0x76: {  	[tilespmem:s24], [sflag:$0x2] =	stream.linear.gather [spmem:s18], $0x4000, $0x38;
	[tilespmem:$0x1D000] =	vst v63  }
0x77: {  	_ =	swait.ge [sflag:s22], $0x4000  }
0x78: {  	[sflag:s22] =	ssyncset.done $0x0  }
0x79: {  	[sflag:s22] =	ssyncadd.s32 $0xFFFFC000  }
0x7a: {  	[hbm4b:s19+s3] =	stream.linear.scatter [tilespmem:s24], [sflag:$0x2], $0x4000, $0x38;
	[tilespmem:$0x1D000] =	vst v63  }
0x7b: {  	_ =	swait.ge [sflag:s22], $0x4000  }
0x7c: {  	[sflag:s22] =	ssyncset.done $0x0  }
0x7d: {  	[sflag:s22] =	ssyncadd.s32 $0xFFFFC000  }
0x7e: {  	[tilespmem:s24], [sflag:$0x2] =	stream.linear.gather [spmem:s20], $0x4000, $0x38;
	[tilespmem:$0x1D000] =	vst v63  }
0x7f: {  	s28 =	sadd.s32 $0x1, s28;
	_ =	swait.ge [sflag:s22], $0x4000  }
0x80: {  	p0 =	sne.s32 s28, s8;
	[sflag:s22] =	ssyncset.done $0x0  }
.Ltmp2:
0x81: {  	[sflag:s22] =	ssyncadd.s32 $0xFFFFC000;
	(pc) =	sbr.rel @p0 .LBB2_1-.Ltmp2, $4  }
0x82: {  	[hbm4b:s21+s3] =	stream.linear.scatter [tilespmem:s24], [sflag:$0x2], $0x4000, $0x38;
	[tilespmem:$0x1D000] =	vst v63  }
0x83: {  	_ =	swait.ge [sflag:s22], $0x4000  }
0x84: {  	[sflag:s22] =	ssyncset.done $0x0  }
0x85: {  	[sflag:s22] =	ssyncadd.s32 $0xFFFFC000  }
0x86: {  	_ =	sfence.sel $0x180000  }
0x87: {  	[bflag:$0x0] =	sbarrier.arrive $0xFFFF  }
0x88: {  	_ =	strace $0x90000050  }
0x89: {  	[bflag:$0x2] =	sbarrier.arrive $0xFFFF  }
0x8a: {  	p0 =	sne.s32 s2, $0x0;
	s0 =	rddreg [dreg:$0x2]  }
0x8b: {  	s0 =	sadd.s32 @!p0 $0x100000, s0  }
0x8c: {  	[sflag:s0] =	ssyncadd.tile.s32 @!p0 $0x1;
	_ =	shalt  }
.Lfunc_end2:
_tile_overlayer_lowered:
.L_overlay_start_2:
0x8d: {  	(tag) =	ssettag $0x2  }
0x8e: {  	s0 =	rddreg [dreg:$0x0];
	s2 =	stileid.u32  }
0x8f: {  	s1 =	rddreg [dreg:$0x1];
	p0 =	sne.s32 s2, $0x0  }
0x90: {  	s3 =	rddreg [dreg:$0x2];
	[bflag:$0x3] =	sbarrier.arrive $0xFFFF;
	s2 =	simm.s32 @!p0 $0x1C02  }
0x91: {  	[timem:s3], [sflag:s2] =	dma.local @!p0 [hbm:s0], s1  }
0x92: {  	s0 =	simm.s32 @!p0 $0x2  }
0x93: {  	_ =	swait.ge @!p0 [sflag:s0], s1  }
0x94: {  	s1 =	ssub.s32 @!p0 $0x0, s1;
	[sflag:s0] =	ssyncset.done @!p0 $0x0  }
0x95: {  	[sflag:s0] =	ssyncadd.s32 @!p0 s1  }
0x96: {  	[bflag:$0x3] =	sbarrier.arrive $0xFFFF  }
0x97: {  	_ =	shalt  }

// kernel: kernel.24.cloned.1.call-start
scs
__scs_entry_jumppad:
0x0: {  	(pc) =	sbr.rel $0x88, $3  }
0x1: {  	(tag) =	ssettag $0x0;
	lr =	simm.s32 $0x1  }
0x2: {  	[smem:$0x3F98] =	sst lr;
	_ =	strace $0xD0000000  }
0x3: {  	_ = 	snop  }
0x4: {  	_ = 	snop  }
0x5: {  	_ = 	snop  }
0x6: {  	_ = 	snop  }
0x7: {  	_ = 	snop  }
__scs_overlays_trampoline_lowered:
0x8: {  	[smem:$0x3FA7] =	sst s0  }
0x9: {  	[smem:$0x3FA8] =	sst s1  }
0xa: {  	[smem:$0x3FA9] =	sst s2  }
0xb: {  	[smem:$0x3FAA] =	sst s3  }
0xc: {  	[smem:$0x3FAB] =	sst s4  }
0xd: {  	[smem:$0x3FAC] =	sst s5  }
0xe: {  	[smem:$0x3FAD] =	sst s6  }
0xf: {  	[smem:$0x3FAE] =	sst s7  }
0x10: {  	[smem:$0x3FAF] =	sst s8  }
0x11: {  	[smem:$0x3FB0] =	sst s9;
	s0 =	simm.s32 @!p0 $0x0  }
0x12: {  	s1 =	sld [smem:$0x3F96];
	s0 =	simm.s32 @p0 $0x1  }
0x13: {  	[smem:$0x3FB1] =	sst s0;
	s0 =	simm.s32 @!p1 $0x0  }
0x14: {  	s2 =	sld [smem:$0x3F95];
	s0 =	simm.s32 @p1 $0x1  }
0x15: {  	[smem:$0x3FB2] =	sst s0;
	s0 =	simm.s32 @!p2 $0x0  }
0x16: {  	s3 =	sld [smem:$0x3FDB];
	s0 =	simm.s32 @p2 $0x1  }
0x17: {  	s4 =	simm.s32 $0x1BF5;
	[smem:$0x3FB4] =	sst s0  }
0x18: {  	s0 =	sld [smem:$0x3F97];
	_ =	swait.ge [sflag:s4], $0x0  }
0x19: {  	s7 =	sld [smem:$0x3F98]  }
0x1a: {  	s8 =	sadd.s32 $0xFFFFE003, lr  }
0x1b: {  	s9 =	sadd.s32 $0xFFFFFEF7, lr;
	s5 =	simm.s32 $0xFFFFFFFF;
	p2 =	slt.u32 s8, $0xFFFFF086  }
0x1c: {  	p1 =	slt.u32 s9, $0xF7A;
	s5 =	simm.s32 @!p2 $0x0  }
0x1d: {  	s5 =	simm.s32 @p1 $0x1;
	p0 =	seq.s32 s7, s2  }
0x1e: {  	s7 =	smul.u32 @!p0 $0xF7A, s2;
	p2 =	seq.s32 @!p0 s5, $0x0  }
0x1f: {  	s9 =	smul.u32 $0xF7A, s1;
	s8 =	simm.s32 @!p0 $0x1BF5;
	p2 =	por !p2, p0  }
0x20: {  	[sflag:s8] =	ssyncset.s32 @!p0 $0xFFFFF086;
	s6 =	sadd.s32 @!p0 s3, s7;
	s7 =	simm.s32 @!p0 $0x108  }
0x21: {  	s3 =	sadd.s32 s3, s9;
	s6 =	sadd.s32 @!p0 $0x88, s6;
	s7 =	simm.s32 @p2 $0x1082  }
0x22: {  	[simem:s7], [sflag:s8] =	dma.local @!p0 [hbm:s6], $0xF7A  }
0x23: {  	s9 =	sor.u32 $0xD0000000, s2;
	s6 =	simm.s32 $0x108;
	_ =	swait.ge @!p0 [sflag:s8], $0x0  }
0x24: {  	s3 =	sadd.s32 $0x88, s3;
	s6 =	simm.s32 @!p1 $0x1082;
	[sflag:s4] =	ssyncset.s32 $0xFFFFF086  }
0x25: {  	[simem:s6], [sflag:s4] =	dma.local [hbm:s3], $0xF7A  }
0x26: {  	[smem:$0x3F98] =	sst s1;
	(tag) =	ssettag s2;
	_ =	strace s9  }
0x27: {  	s1 =	sld [smem:$0x3FA8]  }
0x28: {  	s2 =	sld [smem:$0x3FA9]  }
0x29: {  	s4 =	sld [smem:$0x3FAB]  }
0x2a: {  	p0 =	seq.s32 s5, $0x0;
	s5 =	sld [smem:$0x3FAC]  }
0x2b: {  	s6 =	sld [smem:$0x3FAD]  }
0x2c: {  	s7 =	sld [smem:$0x3FAE]  }
0x2d: {  	s3 =	simm.s32 $0x108;
	s8 =	sld [smem:$0x3FAF]  }
0x2e: {  	s3 =	simm.s32 @!p0 $0x1082;
	s9 =	sld [smem:$0x3FB0]  }
0x2f: {  	lr =	sadd.s32 s0, s3;
	s0 =	sld [smem:$0x3FA7]  }
0x30: {  	s3 =	sld [smem:$0x3FAA]  }
0x31: {  	[smem:$0x3FB3] =	sst s10  }
0x32: {  	s10 =	sld [smem:$0x3FB1];
	_ =	sdelay $0x3  }
0x33: {  	p0 =	seq.s32 s10, $0x1;
	s10 =	sld [smem:$0x3FB3];
	_ =	sdelay $0x3  }
0x34: {  	[smem:$0x3FB3] =	sst s10  }
0x35: {  	s10 =	sld [smem:$0x3FB2];
	_ =	sdelay $0x3  }
0x36: {  	p1 =	seq.s32 s10, $0x1;
	s10 =	sld [smem:$0x3FB3];
	_ =	sdelay $0x3  }
0x37: {  	[smem:$0x3FB3] =	sst s10  }
0x38: {  	s10 =	sld [smem:$0x3FB4]  }
0x39: {  	_ = 	snop;
	(pc) =	sbr.ind lr, $3  }
0x3a: {  	_ = 	snop  }
0x3b: {  	_ = 	snop  }
0x3c: {  	p2 =	seq.s32 s10, $0x1;
	s10 =	sld [smem:$0x3FB3]  }
0x3d: {  	_ =	shalt  }
0x3e: {  	_ =	shalt  }
0x3f: {  	_ =	shalt  }
0x40: {  	_ =	shalt  }
0x41: {  	_ =	shalt  }
0x42: {  	_ =	shalt  }
0x43: {  	_ =	shalt  }
0x44: {  	_ =	shalt  }
0x45: {  	_ =	shalt  }
0x46: {  	_ =	shalt  }
0x47: {  	_ =	shalt  }
0x48: {  	_ =	shalt  }
0x49: {  	_ =	shalt  }
0x4a: {  	_ =	shalt  }
0x4b: {  	_ =	shalt  }
0x4c: {  	_ =	shalt  }
0x4d: {  	_ =	shalt  }
0x4e: {  	_ =	shalt  }
0x4f: {  	_ =	shalt  }
0x50: {  	_ =	shalt  }
0x51: {  	_ =	shalt  }
0x52: {  	_ =	shalt  }
0x53: {  	_ =	shalt  }
0x54: {  	_ =	shalt  }
0x55: {  	_ =	shalt  }
0x56: {  	_ =	shalt  }
0x57: {  	_ =	shalt  }
0x58: {  	_ =	shalt  }
0x59: {  	_ =	shalt  }
0x5a: {  	_ =	shalt  }
0x5b: {  	_ =	shalt  }
0x5c: {  	_ =	shalt  }
0x5d: {  	_ =	shalt  }
0x5e: {  	_ =	shalt  }
0x5f: {  	_ =	shalt  }
0x60: {  	_ =	shalt  }
0x61: {  	_ =	shalt  }
0x62: {  	_ =	shalt  }
0x63: {  	_ =	shalt  }
0x64: {  	_ =	shalt  }
0x65: {  	_ =	shalt  }
0x66: {  	_ =	shalt  }
0x67: {  	_ =	shalt  }
0x68: {  	_ =	shalt  }
0x69: {  	_ =	shalt  }
0x6a: {  	_ =	shalt  }
0x6b: {  	_ =	shalt  }
0x6c: {  	_ =	shalt  }
0x6d: {  	_ =	shalt  }
0x6e: {  	_ =	shalt  }
0x6f: {  	_ =	shalt  }
0x70: {  	_ =	shalt  }
0x71: {  	_ =	shalt  }
0x72: {  	_ =	shalt  }
0x73: {  	_ =	shalt  }
0x74: {  	_ =	shalt  }
0x75: {  	_ =	shalt  }
0x76: {  	_ =	shalt  }
0x77: {  	_ =	shalt  }
0x78: {  	_ =	shalt  }
0x79: {  	_ =	shalt  }
0x7a: {  	_ =	shalt  }
0x7b: {  	_ =	shalt  }
0x7c: {  	_ =	shalt  }
0x7d: {  	_ =	shalt  }
0x7e: {  	_ =	shalt  }
0x7f: {  	_ =	shalt  }
0x80: {  	_ =	shalt  }
0x81: {  	_ =	shalt  }
0x82: {  	_ =	shalt  }
0x83: {  	_ =	shalt  }
0x84: {  	_ =	shalt  }
0x85: {  	_ =	shalt  }
0x86: {  	_ =	shalt  }
0x87: {  	_ =	shalt  }
.Lfunc_end0:
.L_simem_size_0:
called_computation.4_lowered:
.L_overlay_start_0:
0x88: {  	s2 =	sld [smem:$0x3FD9]  }
0x89: {  	s3 =	sld [smem:$0x3FFE];
	_ =	sdelay $0x1  }
0x8a: {  	s1 =	srdreg.scid  }
0x8b: {  	s0 =	sand.u32 $0x1, s1  }
0x8c: {  	s16 =	sshll.u32 s0, $0xA;
	s2 =	sadd.s32 s3, s2  }
0x8d: {  	s2 =	sadd.s32 s2, s16  }
0x8e: {  	[smem:$0x3FBF] =	sst s2  }
0x8f: {  	_ = 	snop  }
0x90: {  	(tm) =	ssettm $0x1  }
0x91: {  	s17 =	sld [smem:$0x3FFB];
	_ =	sdelay $0x3  }
0x92: {  	_ =	strace s17  }
0x93: {  	s2 =	sld [smem:$0x3FFC];
	_ =	sdelay $0x3  }
0x94: {  	_ =	strace s2  }
0x95: {  	s2 =	sld [smem:$0x3FFD];
	_ =	sdelay $0x3  }
0x96: {  	_ =	strace s2  }
0x97: {  	_ =	strace $0x8FFFFFFF  }
0x98: {  	s18 =	sld [smem:$0x3FDB];
	_ =	sdelay $0x1  }
0x99: {  	s19 =	simm.s32 $_scs_section_size  }
0x9a: {  	s4 =	simm.s32 $_size__tile_overlayer_lowered;
	s5 =	simm.s32 $_tile_overlayer_lowered  }
0x9b: {  	s22 =	simm.s32 $0x1BFF;
	s21 =	sshll.u32 s5, $0x1;
	s2 =	sadd.s32 s19, s18  }
0x9c: {  	s6 =	simm.s32 $0x0;
	s20 =	sshll.u32 s4, $0x1;
	s4 =	sadd.s32 s21, s2  }
0x9d: {  	[timem:s6], [sflag:s22] =	dma.local [hbm:s4], s20  }
0x9e: {  	_ =	swait.ge [sflag:s22], s20  }
0x9f: {  	s3 =	ssub.s32 $0x0, s20;
	[sflag:s22] =	ssyncset.done $0x0  }
0xa0: {  	[sflag:s22] =	ssyncadd.s32 s3;
	_ =	sdelay $0x1  }
0xa1: {  	s23 =	simm.s32 $0x1B8B  }
0xa2: {  	_ =	swait.ge [sflag:s23], $0x1  }
0xa3: {  	[sflag:s23] =	ssyncset.done $0x0  }
0xa4: {  	s25 =	simm.s32 $0x1B8E;
	s24 =	sld [smem:$0x3FFE];
	[sflag:s23] =	ssyncadd.s32 $0xFFFFFFFF  }
0xa5: {  	s26 =	simm.s32 $execute0_lowered;
	[smem:$0x3FD2] =	sst s25  }
0xa6: {  	s4 =	sshll.u32 s26, $0x1;
	_ =	strace $0x80000052;
	[dreg:$0x1] =	wrdreg $0xFFFFFFFF  }
0xa7: {  	s28 =	simm.s32 $_size_execute0_lowered;
	s2 =	sadd.s32 s2, s4;
	[dreg:$0x0] =	wrdreg $0x0  }
0xa8: {  	s4 =	sshll.u32 s28, $0x1;
	[dreg:$0x2] =	wrdreg s2  }
0xa9: {  	[dreg:$0x3] =	wrdreg s4  }
0xaa: {  	[dreg:$0x4] =	wrdreg $0xC0  }
0xab: {  	_ =	task [dreg:s6], $0x5FFFF  }
0xac: {  	[dreg:$0x1] =	wrdreg $0xFFFFFFFF  }
0xad: {  	[dreg:$0x0] =	wrdreg $0x60  }
0xae: {  	[dreg:$0x2] =	wrdreg s24  }
0xaf: {  	[dreg:$0x3] =	wrdreg $0x9  }
0xb0: {  	_ =	task.clear_ibuf [dreg:s6], $0x4FFFF;
	_ =	strace $0x90000052  }
0xb1: {  	s29 =	simm.s32 $0x9;
	_ =	strace $0x80000054  }
0xb2: {  	_ =	swait.ge [sflag:s29], $0x1  }
0xb3: {  	[sflag:s29] =	ssyncadd.s32 $0xFFFFFFFF  }
0xb4: {  	_ =	strace $0x90000054  }
0xb5: {  	_ =	sfence  }
0xb6: {  	s30 =	sld [smem:$0x0];
	_ =	sdelay $0x2  }
0xb7: {  	s31 =	sshll.u32 s1, $0xD;
	s1 =	sshrl.u32 s1, $0x2  }
0xb8: {  	s3 =	sand.u32 $0x4000, s31;
	s1 =	sadd.s32 s1, s30  }
0xb9: {  	s0 =	sor.u32 s3, s0;
	s1 =	sshll.u32 s1, $0x11  }
0xba: {  	s0 =	sor.u32 s1, s0  }
0xbb: {  	s0 =	sadd.s32 $0x8F2B, s0  }
0xbc: {  	[sflag:s0] =	ssyncadd.remote.s32 $0x1  }
0xbd: {  	_ =	sfence.sel $0xFFFF  }
0xbe: {  	[dreg:$0x0] =	wrdreg $0xFFFFFFFF;
	(pc) =	sbr.abs _section_cstart, $3  }
0xbf: {  	[dreg:$0x1] =	wrdreg $0xFFFFFFFF  }
0xc0: {  	_ =	task.clear_ibuf [dreg:s6], $0x2FFFF;
	_ =	strace $0x9FFFFFFF  }
0xc1: {  	(tm) =	ssettm $0x7FFFFFFF  }
tec
execute0_lowered:
.L_overlay_start_1:
0x0: {  	(tag) =	ssettag $0x1  }
0x1: {  	s4 =	rddreg [dreg:$0x0]  }
0x2: {  	s1 =	srdreg.scid;
	s0 =	rddreg [dreg:$0x1]  }
0x3: {  	s2 =	simm.s32 $0x0;
	s10 =	simm.s32 $0x1000;
	s11 =	simm.s32 $0x80  }
0x4: {  	s12 =	simm.s32 $0x2000;
	s13 =	simm.s32 $0x6000;
	s14 =	simm.s32 $0x1  }
0x5: {  	s15 =	simm.s32 $0x2;
	s16 =	simm.s32 $0xA000;
	s3 =	sand.u32 $0x1, s1  }
0x6: {  	s17 =	simm.s32 $0x0;
	s1 =	stileid.u32;
	s5 =	sshll.u32 s3, $0x4  }
0x7: {  	[smem:$0x7FF] =	sst s2;
	s6 =	ssub.s32 $0x2, s3;
	s7 =	sor.u32 s1, s5  }
0x8: {  	_ =	strace $0x80000053;
	s31 =	sshrl.u32 s6, $0x1;
	s5 =	sshll.u32 s7, $0x9  }
0x9: {  	s3 =	sadd.s32 $0x3000, s4;
	s9 =	ssub.s32 s6, s31;
	s8 =	sadd.s32 s5, s4  }
0xa: {  	s7 =	smul.u32 $0xC80, s7;
	s4 =	sadd.s32 $0x3D000, s4;
	s5 =	sadd.s32 $0x35000, s8  }
0xb: {  	s6 =	sadd.s32 $0x39000, s8;
	s8 =	smax.u32 s9, $0x1;
	s9 =	simm.s32 $0x3  }
.LBB2_1:
0xc: {  	[tilespmem:s2], [sflag:$0x3] =	stream.linear.gather [hbm4b:s5+s2], $0xC80, $0x38;
	[tilespmem:$0xE000] =	vst v63  }
0xd: {  	_ =	swait.ge [sflag:s9], $0xC80  }
0xe: {  	[sflag:s9] =	ssyncset.done $0x0  }
0xf: {  	[sflag:s9] =	ssyncadd.s32 $0xFFFFF380  }
0x10: {  	[tilespmem:s10], [sflag:$0x3] =	stream.linear.gather [hbm4b:s6+s2], $0xC80, $0x38;
	[tilespmem:$0xE000] =	vst v63  }
0x11: {  	_ =	swait.ge [sflag:s9], $0xC80  }
0x12: {  	[sflag:s9] =	ssyncset.done $0x0  }
0x13: {  	s18 =	simm.s32 $0x0;
	[sflag:s9] =	ssyncadd.s32 $0xFFFFF380  }
.LBB2_2:
0x14: {  	s19 =	sshll.u32 s18, $0x7  }
0x15: {  	[tilespmem:s12], [sflag:$0x1] =	stream.indirect.gather [hbm4b:s3+s11], $0x80, s19, s11, $0xb8;
	[tilespmem:$0xE000] =	vst v63  }
0x16: {  	s20 =	sadd.s32 $0x1000, s19  }
0x17: {  	[tilespmem:s13], [sflag:$0x2] =	stream.indirect.gather [hbm4b:s3+s11], $0x80, s20, s11, $0xb8;
	[tilespmem:$0xE000] =	vst v63  }
0x18: {  	_ =	swait.ge [sflag:s14], $0x4000  }
0x19: {  	[sflag:s14] =	ssyncset.done $0x0  }
0x1a: {  	[sflag:s14] =	ssyncadd.s32 $0xFFFFC000  }
0x1b: {  	_ =	swait.ge [sflag:s15], $0x4000  }
0x1c: {  	[sflag:s15] =	ssyncset.done $0x0  }
0x1d: {  	s20 =	simm.s32 $0x0;
	[sflag:s15] =	ssyncadd.s32 $0xFFFFC000  }
0x1e: {  	v0 =	vld [tilespmem:s20+$0x2000]  }
0x1f: {  	v1 =	vld [tilespmem:s20+$0x6000]  }
0x20: {  	v2 =	vld [tilespmem:s20+$0x2010]  }
0x21: {  	v3 =	vld [tilespmem:s20+$0x6010]  }
0x22: {  	v4 =	vld [tilespmem:s20+$0x2020]  }
0x23: {  	v5 =	vld [tilespmem:s20+$0x6020]  }
0x24: {  	v6 =	vld [tilespmem:s20+$0x2030]  }
0x25: {  	v7 =	vld [tilespmem:s20+$0x6030]  }
0x26: {  	v0 =	vmul.f32 v1, v0;
	v1 =	vmul.f32 v3, v2;
	v2 =	vld [tilespmem:s20+$0x2040]  }
0x27: {  	v3 =	vld [tilespmem:s20+$0x6040]  }
0x28: {  	v8 =	vld [tilespmem:s20+$0x6050];
	v0 =	vadd.f32 v1, v0;
	v1 =	vmul.f32 v5, v4  }
0x29: {  	v5 =	vld [tilespmem:s20+$0x2050]  }
0x2a: {  	v0 =	vadd.f32 v1, v0;
	v1 =	vmul.f32 v7, v6;
	v6 =	vld [tilespmem:s20+$0x2060]  }
0x2b: {  	v7 =	vld [tilespmem:s20+$0x6060]  }
0x2c: {  	v4 =	vld [tilespmem:s20+$0x6070];
	v2 =	vmul.f32 v3, v2;
	v9 =	vadd.f32 v1, v0  }
0x2d: {  	s21 =	simm.s32 $0x80;
	v1 =	vld [tilespmem:s20+$0x2070]  }
0x2e: {  	v3 =	vld [tilespmem:s21+$0x2010];
	v5 =	vmul.f32 v8, v5;
	v9 =	vadd.f32 v2, v9  }
0x2f: {  	v0 =	vld [tilespmem:s21+$0x2000]  }
0x30: {  	s22 =	simm.s32 $0x400;
	v2 =	vld [tilespmem:s21+$0x6000];
	v6 =	vmul.f32 v7, v6;
	v5 =	vadd.f32 v5, v9  }
.LBB2_3:
0x31: {  	p0 =	sne.s32 s22, $0xFE00;
	v7 =	vld [tilespmem:s21+$0x6010]  }
0x32: {  	v8 =	vld [tilespmem:s21+$0x2020];
	v5 =	vadd.f32 v6, v5;
	v1 =	vmul.f32 v4, v1  }
0x33: {  	v4 =	vld [tilespmem:s21+$0x6020]  }
0x34: {  	v6 =	vld [tilespmem:s21+$0x2030];
	v1 =	vadd.f32 v1, v5  }
0x35: {  	v5 =	vld [tilespmem:s21+$0x6030]  }
0x36: {  	v0 =	vmul.f32 v2, v0;
	v2 =	vmul.f32 v7, v3;
	v3 =	vld [tilespmem:s21+$0x2040];
	[tilespmem:s20+$0xA000] =	vst v1;
	s20 =	smov.u32 s21  }
0x37: {  	v1 =	vld [tilespmem:s20+$0x6040]  }
0x38: {  	v0 =	vadd.f32 v2, v0;
	v2 =	vmul.f32 v4, v8;
	v7 =	vld [tilespmem:s20+$0x2050]  }
0x39: {  	v8 =	vld [tilespmem:s20+$0x6050]  }
0x3a: {  	v0 =	vadd.f32 v2, v0;
	v2 =	vmul.f32 v5, v6;
	v6 =	vld [tilespmem:s20+$0x2060]  }
0x3b: {  	v9 =	vld [tilespmem:s20+$0x6060]  }
.Ltmp0:
0x3c: {  	v2 =	vadd.f32 v2, v0;
	v3 =	vmul.f32 v1, v3;
	v1 =	vld [tilespmem:s20+$0x2070];
	(pc) =	sbr.rel @p0 .LBB2_3-.Ltmp0, $4  }
0x3d: {  	s21 =	sshra.s32 s22, $0x2;
	v4 =	vld [tilespmem:s20+$0x6070]  }
0x3e: {  	v0 =	vld [tilespmem:s21+$0x2000];
	v5 =	vadd.f32 v3, v2;
	v7 =	vmul.f32 v8, v7  }
0x3f: {  	v2 =	vld [tilespmem:s21+$0x6000]  }
0x40: {  	s22 =	sadd.s32 $0x200, s22;
	v3 =	vld [tilespmem:s21+$0x2010];
	v5 =	vadd.f32 v7, v5;
	v6 =	vmul.f32 v9, v6  }
0x41: {  	v7 =	vld [tilespmem:s21+$0x6010]  }
0x42: {  	v8 =	vld [tilespmem:s21+$0x2020];
	v5 =	vadd.f32 v6, v5;
	v1 =	vmul.f32 v4, v1  }
0x43: {  	v49 =	vld [tilespmem:s21+$0x6020]  }
0x44: {  	v50 =	vld [tilespmem:s21+$0x2030];
	v1 =	vadd.f32 v1, v5  }
0x45: {  	v51 =	vld [tilespmem:s21+$0x6030]  }
0x46: {  	v9 =	vld [tilespmem:s21+$0x2040];
	v0 =	vmul.f32 v2, v0;
	v52 =	vmul.f32 v7, v3;
	[tilespmem:s20+$0xA000] =	vst v1  }
0x47: {  	v1 =	vld [tilespmem:s21+$0x6040]  }
0x48: {  	v53 =	vmul.f32 v49, v8;
	v54 =	vld [tilespmem:s21+$0x2050];
	v0 =	vadd.f32 v52, v0  }
0x49: {  	v55 =	vld [tilespmem:s21+$0x6050]  }
0x4a: {  	v56 =	vmul.f32 v51, v50;
	v57 =	vld [tilespmem:s21+$0x2060];
	v0 =	vadd.f32 v53, v0  }
0x4b: {  	v58 =	vld [tilespmem:s21+$0x6060]  }
0x4c: {  	v59 =	vld [tilespmem:s21+$0x2070];
	v0 =	vadd.f32 v56, v0;
	v1 =	vmul.f32 v1, v9  }
0x4d: {  	v60 =	vld [tilespmem:s21+$0x6070]  }
0x4e: {  	v61 =	vmul.f32 v55, v54;
	v0 =	vadd.f32 v1, v0;
	_ =	sdelay $0x1  }
0x4f: {  	v62 =	vmul.f32 v58, v57;
	v0 =	vadd.f32 v61, v0;
	_ =	sdelay $0x1  }
0x50: {  	v63 =	vmul.f32 v60, v59;
	v0 =	vadd.f32 v62, v0;
	_ =	sdelay $0x1  }
0x51: {  	s19 =	sadd.s32 s7, s19;
	s18 =	sadd.s32 $0x1, s18;
	v0 =	vadd.f32 v63, v0  }
0x52: {  	s19 =	sshll.u32 s19, $0x4;
	p0 =	sne.s32 s18, $0x19  }
.Ltmp1:
0x53: {  	s19 =	sadd.s32 s4, s19;
	[tilespmem:s21+$0xA000] =	vst v0;
	(pc) =	sbr.rel @p0 .LBB2_2-.Ltmp1, $4  }
0x54: {  	[hbm4b:s19+s2] =	stream.linear.scatter [tilespmem:s16], [sflag:$0x3], $0x4000, $0x38;
	[tilespmem:$0xE000] =	vst v63  }
0x55: {  	_ =	swait.ge [sflag:s9], $0x4000  }
0x56: {  	[sflag:s9] =	ssyncset.done $0x0  }
0x57: {  	[sflag:s9] =	ssyncadd.s32 $0xFFFFC000  }
0x58: {  	s17 =	sadd.s32 $0x1, s17  }
0x59: {  	p0 =	sne.s32 s17, s8  }
.Ltmp2:
0x5a: {  	_ = 	snop;
	(pc) =	sbr.rel @p0 .LBB2_1-.Ltmp2, $1  }
0x5b: {  	_ =	sdelay $0x3  }
0x5c: {  	_ =	sfence.sel $0x180000  }
0x5d: {  	[bflag:$0x0] =	sbarrier.arrive $0xFFFF  }
0x5e: {  	p0 =	sne.s32 s1, $0x0;
	_ =	strace $0x90000053  }
0x5f: {  	s0 =	sadd.s32 @!p0 $0x100000, s0;
	[bflag:$0x2] =	sbarrier.arrive $0xFFFF  }
0x60: {  	[sflag:s0] =	ssyncadd.tile.s32 @!p0 $0x1;
	_ =	shalt  }
.Lfunc_end2:
_tile_overlayer_lowered:
.L_overlay_start_2:
0x61: {  	(tag) =	ssettag $0x2  }
0x62: {  	s0 =	rddreg [dreg:$0x0];
	s2 =	stileid.u32  }
0x63: {  	s1 =	rddreg [dreg:$0x1];
	p0 =	sne.s32 s2, $0x0  }
0x64: {  	s3 =	rddreg [dreg:$0x2];
	[bflag:$0x3] =	sbarrier.arrive $0xFFFF;
	s2 =	simm.s32 @!p0 $0x1C03  }
0x65: {  	[timem:s3], [sflag:s2] =	dma.local @!p0 [hbm:s0], s1  }
0x66: {  	s0 =	simm.s32 @!p0 $0x3  }
0x67: {  	_ =	swait.ge @!p0 [sflag:s0], s1  }
0x68: {  	s1 =	ssub.s32 @!p0 $0x0, s1;
	[sflag:s0] =	ssyncset.done @!p0 $0x0  }
0x69: {  	[sflag:s0] =	ssyncadd.s32 @!p0 s1  }
0x6a: {  	[bflag:$0x3] =	sbarrier.arrive $0xFFFF  }
0x6b: {  	_ =	shalt  }

</sc_bundles>
